<compile_context>
chip_gen: v7x
topology: tpu7x:2x2x1
jax: 0.10.2.dev20260603
libtpu: 0.0.44.dev20260713+nightly
codegen_flags: <defaults>
</compile_context>

<pallas_src>
import functools

import jax
import jax.numpy as jnp
from jax import lax
from jax.experimental import pallas as pl
from jax.experimental.pallas import tpu as pltpu
from jax.experimental.pallas import tpu_sc as plsc

R0 = 5.0
RANK = 16



def _prep_nodes_body(emb_ref, z0_ref, z1a_ref, z1b_ref, z1c_ref, wsrc_ref,
                     wdst_ref, wg_ref, wz0_ref, wz1_ref, a_ref, dtab_ref):
    wg = wg_ref[...]
    wsg = jnp.dot(wsrc_ref[...], wg, preferred_element_type=jnp.float32)
    wdg = jnp.dot(wdst_ref[...], wg, preferred_element_type=jnp.float32)
    emb = emb_ref[...]
    a_ref[...] = jnp.dot(emb, wsg, preferred_element_type=jnp.float32)
    dtab_ref[:, 0:16] = jnp.dot(emb, wdg, preferred_element_type=jnp.float32)
    dtab_ref[:, 16:32] = jnp.dot(z0_ref[...], wz0_ref[...],
                                 preferred_element_type=jnp.float32)
    wz1 = wz1_ref[...]
    for k, zr in enumerate((z1a_ref, z1b_ref, z1c_ref)):
        dtab_ref[:, 32 + 16 * k:48 + 16 * k] = jnp.dot(
            zr[...], wz1, preferred_element_type=jnp.float32)


def _prep_nodes(emb, z_0, z1a, z1b, z1c, w_src, w_dst, w_g, w_z0, w_z1):
    n = emb.shape[0]
    nb = 2000
    grid = (n // nb,)
    full = lambda shape: pl.BlockSpec(shape, lambda i: tuple(0 for _ in shape))
    row = pl.BlockSpec((nb, 128), lambda i: (i, 0))
    return pl.pallas_call(
        _prep_nodes_body,
        grid=grid,
        in_specs=[
            row, row, row, row, row,
            full((128, 128)),
            full((128, 128)),
            full((128, RANK)),
            full((128, RANK)),
            full((128, RANK)),
        ],
        out_specs=[
            pl.BlockSpec((nb, RANK), lambda i: (i, 0)),
            pl.BlockSpec((nb, 80), lambda i: (i, 0)),
        ],
        out_shape=[
            jax.ShapeDtypeStruct((n, RANK), jnp.float32),
            jax.ShapeDtypeStruct((n, 80), jnp.float32),
        ],
    )(emb, z_0, z1a, z1b, z1c, w_src, w_dst, w_g, w_z0, w_z1)


def _prep_edges_body(rt_ref, wenc_ref, wg_ref, benc_ref, bsrc_ref, bdst_ref,
                     feat_ref):
    rt = rt_ref[...]
    eb = rt.shape[1]
    d = jnp.sqrt(jnp.sum(rt * rt, axis=0, keepdims=True) + 1e-12)
    n_idx = (lax.broadcasted_iota(jnp.int32, (8, 1), 0) + 1).astype(jnp.float32)
    radial_t = jnp.sin((jnp.pi / R0) * n_idx * d)
    wg = wg_ref[...]
    weg = jnp.dot(wenc_ref[...], wg, preferred_element_type=jnp.float32)
    bsum = benc_ref[...] + bsrc_ref[...] + bdst_ref[...]
    bg = jnp.dot(bsum, wg, preferred_element_type=jnp.float32)
    ut = rt * (7.0 / R0)
    rsq_t = ut * lax.rsqrt(1.0 + jnp.sum(ut * ut, axis=0, keepdims=True))
    pad16 = (lax.broadcasted_iota(jnp.int32, (16, 32), 1) ==
             lax.broadcasted_iota(jnp.int32, (16, 32), 0)).astype(jnp.float32)
    place3 = (lax.broadcasted_iota(jnp.int32, (3, 32), 1) ==
              lax.broadcasted_iota(jnp.int32, (3, 32), 0) + 16).astype(
                  jnp.float32)
    weg32 = jnp.dot(weg, pad16, preferred_element_type=jnp.float32)
    bg32 = jnp.dot(bg, pad16, preferred_element_type=jnp.float32)
    feat_ref[:, 0:32] = (
        lax.dot_general(radial_t, weg32, (((0,), (0,)), ((), ())),
                        preferred_element_type=jnp.float32)
        + lax.dot_general(rsq_t, place3, (((0,), (0,)), ((), ())),
                          preferred_element_type=jnp.float32)
        + bg32)


def _prep_edges(r_t, w_enc, w_g, b_enc, b_src, b_dst):
    e = r_t.shape[1]
    eb = 3200
    grid = (e // eb,)
    full = lambda shape: pl.BlockSpec(shape, lambda i: tuple(0 for _ in shape))
    return pl.pallas_call(
        _prep_edges_body,
        grid=grid,
        in_specs=[
            pl.BlockSpec((3, eb), lambda i: (0, i)),
            full((8, 128)),
            full((128, RANK)),
            full((1, 128)),
            full((1, 128)),
            full((1, 128)),
        ],
        out_specs=pl.BlockSpec((eb, 128), lambda i: (i, 0)),
        out_shape=jax.ShapeDtypeStruct((e, 128), jnp.float32),
    )(r_t, w_enc, w_g,
      b_enc.reshape(1, 128), b_src.reshape(1, 128), b_dst.reshape(1, 128))



_C = 128


def _sc_edges(a_tab, d_tab, feat, src, dst, zeros):
    e = src.shape[0]
    info = plsc.get_sparse_core_info()
    nc, ns = info.num_cores, info.num_subcores
    nw = nc * ns
    per_w = e // nw
    nfull = per_w // _C
    tail = per_w - nfull * _C
    assert nfull % 2 == 1 and nfull >= 3 and tail % 8 == 0
    rows_per = zeros.shape[0]
    n = rows_per * ns

    @functools.partial(
        pl.kernel,
        out_type=jax.ShapeDtypeStruct((nc, n, 64), jnp.float32),
        mesh=plsc.VectorSubcoreMesh(core_axis_name="c", subcore_axis_name="s"),
        compiler_params=pltpu.CompilerParams(use_tc_tiling_on_sc=False),
        scratch_types=[
            pltpu.VMEM((_C,), jnp.int32),
            pltpu.VMEM((_C,), jnp.int32),
            pltpu.VMEM((_C,), jnp.int32),
            pltpu.VMEM((_C,), jnp.int32),
            pltpu.VMEM((_C, 32), jnp.float32),
            pltpu.VMEM((_C, 32), jnp.float32),
            pltpu.VMEM((_C, 16), jnp.float32),
            pltpu.VMEM((_C, 16), jnp.float32),
            pltpu.VMEM((_C, 80), jnp.float32),
            pltpu.VMEM((_C, 80), jnp.float32),
            pltpu.VMEM((_C, 64), jnp.float32),
            pltpu.VMEM((max(tail, 8),), jnp.int32),
            pltpu.VMEM_SHARED((n, 64), jnp.float32),
            pltpu.SemaphoreType.DMA,
            pltpu.SemaphoreType.DMA,
            pltpu.SemaphoreType.DMA,
            pltpu.SemaphoreType.DMA,
        ],
    )
    def k(a_hbm, d_hbm, feat_hbm, src_hbm, dst_hbm, z_hbm, part_hbm,
          src0, src1, dst0, dst1, feat0, feat1, a0, a1, d0, d1, out_v,
          src_t, acc, sl0, sl1, sg0, sg1):
        c = lax.axis_index("c")
        s = lax.axis_index("s")
        wid = s * nc + c
        base_w = wid * per_w
        bufs = ((src0, dst0, feat0, a0, d0, sl0, sg0),
                (src1, dst1, feat1, a1, d1, sl1, sg1))

        pltpu.sync_copy(z_hbm, acc.at[pl.ds(s * rows_per, rows_per)])
        plsc.subcore_barrier()

        def lin_copies(j, b):
            sv, dv, fv, _, _, sl, _ = bufs[b]
            base = base_w + j * _C
            return (
                pltpu.make_async_copy(src_hbm.at[pl.ds(base, _C)], sv, sl),
                pltpu.make_async_copy(dst_hbm.at[pl.ds(base, _C)], dv, sl),
                pltpu.make_async_copy(
                    feat_hbm.at[pl.ds(base, _C), pl.ds(0, 32)], fv, sl),
            )

        def gat_copies(b):
            sv, dv, _, av, dvv, _, sg = bufs[b]
            return (
                pltpu.make_async_copy(a_hbm.at[sv], av, sg),
                pltpu.make_async_copy(d_hbm.at[dv], dvv, sg),
            )

        def edge_math(fv, av, dvv, out_ref, row, q):
            ei = row * 4 + q
            g = fv[ei, 0:16] + av[ei, :] + dvv[ei, 0:16]
            z0 = dvv[ei, 16:32]
            v0 = dvv[ei, 32:48]
            v1 = dvv[ei, 48:64]
            v2 = dvv[ei, 64:80]
            rv = fv[ei, 16:32]
            r0 = jnp.full((16,), rv[0], jnp.float32)
            r1 = jnp.full((16,), rv[1], jnp.float32)
            r2 = jnp.full((16,), rv[2], jnp.float32)
            us = z0 + r0 * v0 + r1 * v1 + r2 * v2
            out_ref[ei, 0:16] = us * g
            out_ref[ei, 16:32] = (v0 + r0 * z0) * g
            out_ref[ei, 32:48] = (v1 + r1 * z0) * g
            out_ref[ei, 48:64] = (v2 + r2 * z0) * g

        def compute_scatter(b, nedges, idx_ref=None):
            sv, _, fv, av, dvv, _, _ = bufs[b]

            def quad(row, carry):
                for q in range(4):
                    edge_math(fv, av, dvv, out_v, row, q)
                return carry

            lax.fori_loop(0, nedges // 4, quad, 0)
            if nedges == _C:
                pltpu.sync_copy(out_v, acc.at[sv], add=True)
            else:
                pltpu.sync_copy(out_v.at[pl.ds(0, nedges)],
                                acc.at[idx_ref], add=True)

        for cp in lin_copies(0, 0):
            cp.start()
        for cp in lin_copies(1, 1):
            cp.start()
        for cp in lin_copies(0, 0):
            cp.wait()
        for cp in gat_copies(0):
            cp.start()

        def outer(i, carry):
            for b in (0, 1):
                j = 2 * i + b
                for cp in lin_copies(j + 1, 1 - b):
                    cp.wait()
                for cp in gat_copies(1 - b):
                    cp.start()
                for cp in gat_copies(b):
                    cp.wait()
                compute_scatter(b, _C)

                @pl.when(j <= nfull - 3)
                def _():
                    for cp in lin_copies(j + 2, b):
                        cp.start()
            return carry

        lax.fori_loop(0, (nfull - 1) // 2, outer, 0)
        lastb = (nfull - 1) % 2
        for cp in gat_copies(lastb):
            cp.wait()
        compute_scatter(lastb, _C)
        if tail:
            tb = base_w + nfull * _C
            pltpu.sync_copy(src_hbm.at[pl.ds(tb, tail)], src_t)
            pltpu.sync_copy(dst_hbm.at[pl.ds(tb, tail)],
                            dst0.at[pl.ds(0, tail)])
            pltpu.sync_copy(feat_hbm.at[pl.ds(tb, tail), pl.ds(0, 32)],
                            feat0.at[pl.ds(0, tail)])
            pltpu.async_copy(a_hbm.at[src_t], a0.at[pl.ds(0, tail)],
                             sg0).wait()
            pltpu.async_copy(d_hbm.at[dst0.at[pl.ds(0, tail)]],
                             d0.at[pl.ds(0, tail)], sg0).wait()
            compute_scatter(0, tail, idx_ref=src_t)

        plsc.subcore_barrier()
        pltpu.sync_copy(acc.at[pl.ds(s * rows_per, rows_per)],
                        part_hbm.at[c, pl.ds(s * rows_per, rows_per)])

    return k(a_tab, d_tab, feat, src, dst, zeros)



def _post_body(part_ref, wo0_ref, wo1_ref, out0_ref, out1_ref):
    acc = part_ref[0] + part_ref[1]
    out0_ref[...] = jnp.dot(acc[:, 0:16], wo0_ref[...],
                            preferred_element_type=jnp.float32)
    wo1 = wo1_ref[...]
    for k in range(3):
        out1_ref[k] = jnp.dot(acc[:, 16 * (k + 1):16 * (k + 2)], wo1,
                              preferred_element_type=jnp.float32)


def _post(part, w_o0, w_o1, n):
    npad = part.shape[1]
    nb = 2048
    grid = (npad // nb,)
    full = lambda shape: pl.BlockSpec(shape, lambda i: tuple(0 for _ in shape))
    return pl.pallas_call(
        _post_body,
        grid=grid,
        in_specs=[
            pl.BlockSpec((2, nb, 64), lambda i: (0, i, 0)),
            full((RANK, 128)),
            full((RANK, 128)),
        ],
        out_specs=[
            pl.BlockSpec((nb, 128), lambda i: (i, 0)),
            pl.BlockSpec((3, nb, 128), lambda i: (0, i, 0)),
        ],
        out_shape=[
            jax.ShapeDtypeStruct((n, 128), jnp.float32),
            jax.ShapeDtypeStruct((3, n, 128), jnp.float32),
        ],
    )(part, w_o0, w_o1)



def kernel(graph, r_ij, z_0, z_1, emb, W_enc, b_enc, W_src, b_src, W_dst,
           b_dst, W_z0, W_z1, W_g, W_o0, W_o1):
    src = graph[0]
    dst = graph[1]
    n = z_0.shape[0]
    a_tab, d_tab = _prep_nodes(emb, z_0, z_1[:, 0, :], z_1[:, 1, :],
                               z_1[:, 2, :], W_src, W_dst, W_g, W_z0, W_z1)
    feat = _prep_edges(r_ij.T, W_enc, W_g, b_enc, b_src, b_dst)
    npad = -(-n // 2048) * 2048
    zeros = jnp.zeros((npad // 16, 64), jnp.float32)
    part = _sc_edges(a_tab, d_tab, feat, src, dst, zeros)
    out0, out1t = _post(part, W_o0, W_o1, n)
    return out0, out1t.transpose(1, 0, 2)

# --- scband reference (transcript-rebuilt; emitter-appended) ---
"""Pipeline reference for scband-messages-82892868812884 (READ-ONLY COPY).

The authoritative reference and input builder live on the scoring server;
editing this copy changes nothing except your own understanding.
"""

import jax, jax.numpy as jnp
import numpy as np

R0 = 5.0
CHAN = 128
RANK = 16
N = 10000
E = 160000


def setup_inputs(seed: int = 0) -> dict:
    key = jax.random.key(seed)
    ks = jax.random.split(key, 16)
    inp = {}
    inp['graph'] = jax.random.randint(ks[0], (2, E), 0, N, dtype=jnp.int32)
    inp['r_ij'] = jax.random.normal(ks[1], (E, 3), dtype=jnp.float32) * 2.0
    inp['z_0'] = jax.random.normal(ks[2], (N, CHAN), dtype=jnp.float32)
    inp['z_1'] = jax.random.normal(ks[3], (N, 3, CHAN), dtype=jnp.float32)
    inp['emb'] = jax.random.normal(ks[4], (N, CHAN), dtype=jnp.float32)
    # learned parameters
    inp['W_enc'] = jax.random.normal(ks[5], (8, CHAN), dtype=jnp.float32) / np.sqrt(8.0)
    inp['b_enc'] = jnp.zeros((CHAN,), dtype=jnp.float32)
    inp['W_src'] = jax.random.normal(ks[6], (CHAN, CHAN), dtype=jnp.float32) / np.sqrt(CHAN)
    inp['b_src'] = jnp.zeros((CHAN,), dtype=jnp.float32)
    inp['W_dst'] = jax.random.normal(ks[7], (CHAN, CHAN), dtype=jnp.float32) / np.sqrt(CHAN)
    inp['b_dst'] = jnp.zeros((CHAN,), dtype=jnp.float32)
    inp['W_z0'] = jax.random.normal(ks[8], (CHAN, RANK), dtype=jnp.float32) / np.sqrt(CHAN)
    inp['W_z1'] = jax.random.normal(ks[9], (CHAN, RANK), dtype=jnp.float32) / np.sqrt(CHAN)
    inp['W_g'] = jax.random.normal(ks[10], (CHAN, RANK), dtype=jnp.float32) / np.sqrt(CHAN)
    inp['W_o0'] = jax.random.normal(ks[11], (RANK, CHAN), dtype=jnp.float32) / np.sqrt(RANK)
    inp['W_o1'] = jax.random.normal(ks[12], (RANK, CHAN), dtype=jnp.float32) / np.sqrt(RANK)
    return inp


def _radial_encode_8(r_vec, r0):
    d = jnp.sqrt((r_vec ** 2).sum(-1) + 1e-12)
    n = jnp.arange(1, 9, dtype=jnp.float32)
    return jnp.sin(jnp.pi * n[None, :] * (d[:, None] / r0))


def _vector_sigmoid(v):
    # v: (..., 3); sigmoid-shaped squash along the 3-vector direction
    vv = (v ** 2).sum(-1, keepdims=True)
    return v / jnp.sqrt(1.0 + vv)


def reference(graph, r_ij, z_0, z_1, emb, W_enc, b_enc, W_src, b_src, W_dst, b_dst, W_z0, W_z1, W_g, W_o0, W_o1):
    src = graph[0]
    dst = graph[1]
    n_nodes = z_0.shape[0]
    # edges_read: gather node embeddings to edges
    emb_i = jnp.take(emb, src, axis=0)
    emb_j = jnp.take(emb, dst, axis=0)
    emb_ij = (emb_i @ W_src + b_src) + (emb_j @ W_dst + b_dst)
    dist_emb_ij = (_radial_encode_8(r_ij, R0) @ W_enc + b_enc) + emb_ij
    r_sq = _vector_sigmoid(r_ij * (7.0 / R0))
    # edges_read_dst: gather hidden states to edges
    z0_j = jnp.take(z_0, dst, axis=0)
    z1_j = jnp.take(z_1, dst, axis=0)
    # MessageContract: low-rank gated contraction producing scalar + vector messages
    g = dist_emb_ij @ W_g                                  # (E, R)
    s = (z0_j @ W_z0) * g                                  # (E, R)
    v = jnp.einsum('ekc,cr->ekr', z1_j, W_z1) * g[:, None, :]  # (E, 3, R)
    dot = (v * r_sq[:, :, None]).sum(1)                    # (E, R)
    psi0 = (s + dot) @ W_o0                                # (E, C)
    vec = v + s[:, None, :] * r_sq[:, :, None]             # (E, 3, R)
    psi1 = jnp.einsum('ekr,rc->ekc', vec, W_o1)            # (E, 3, C)
    # edges_reduce_src: scatter-add messages back to source nodes
    out0 = jax.ops.segment_sum(psi0, src, num_segments=n_nodes)
    out1 = jax.ops.segment_sum(psi1, src, num_segments=n_nodes)
    return out0, out1

if __name__ == "__main__":
    import jax
    _d = setup_inputs()
    print(jax.jit(kernel)(*tuple(_d.values())))

</pallas_src>

<mosaic_0001>
#map = affine_map<(d0, d1) -> (0, 0)>
#map1 = affine_map<(d0, d1) -> (0)>
#map2 = affine_map<(d0, d1) -> (0, 0, 0)>
module attributes {stable_mosaic.version = 14 : i64} {
  func.func @k(%arg0: i32, %arg1: i32, %arg2: memref<10000x16xf32, #tpu.memory_space<hbm>>, %arg3: memref<10000x80xf32, #tpu.memory_space<hbm>>, %arg4: memref<160000x128xf32, #tpu.memory_space<hbm>>, %arg5: memref<160000xi32, #tpu.memory_space<hbm>>, %arg6: memref<160000xi32, #tpu.memory_space<hbm>>, %arg7: memref<640x64xf32, #tpu.memory_space<hbm>>, %arg8: memref<2x10240x64xf32, #tpu.memory_space<hbm>>, %arg9: memref<128xi32, #tpu.memory_space<vmem>>, %arg10: memref<128xi32, #tpu.memory_space<vmem>>, %arg11: memref<128xi32, #tpu.memory_space<vmem>>, %arg12: memref<128xi32, #tpu.memory_space<vmem>>, %arg13: memref<128x32xf32, #tpu.memory_space<vmem>>, %arg14: memref<128x32xf32, #tpu.memory_space<vmem>>, %arg15: memref<128x16xf32, #tpu.memory_space<vmem>>, %arg16: memref<128x16xf32, #tpu.memory_space<vmem>>, %arg17: memref<128x80xf32, #tpu.memory_space<vmem>>, %arg18: memref<128x80xf32, #tpu.memory_space<vmem>>, %arg19: memref<128x64xf32, #tpu.memory_space<vmem>>, %arg20: memref<8xi32, #tpu.memory_space<vmem>>, %arg21: memref<10240x64xf32, #tpu.memory_space<vmem_shared>>, %arg22: memref<!tpu.dma_semaphore, #tpu.memory_space<semaphore_mem>>, %arg23: memref<!tpu.dma_semaphore, #tpu.memory_space<semaphore_mem>>, %arg24: memref<!tpu.dma_semaphore, #tpu.memory_space<semaphore_mem>>, %arg25: memref<!tpu.dma_semaphore, #tpu.memory_space<semaphore_mem>>) attributes {dimension_semantics = [#tpu.dimension_semantics<core_parallel>, #tpu.dimension_semantics<subcore_parallel>], iteration_bounds = array<i64: 2, 16>, scalar_prefetch = 0 : i64, scratch_operands = 17 : i64, tpu.core_type = #tpu.core_type<sc_vector_subcore>, window_params = [{transform_indices = #map}, {transform_indices = #map}, {transform_indices = #map}, {transform_indices = #map1}, {transform_indices = #map1}, {transform_indices = #map}, {transform_indices = #map2}]} {
    %mul3A = arith.constant 2 : i32
    %mul3A_0 = arith.muli %arg1, %mul3A : i32
    %add3A = arith.addi %mul3A_0, %arg0 : i32
    %mul3A_1 = arith.constant 5000 : i32
    %mul3A_2 = arith.muli %add3A, %mul3A_1 : i32
    %mul3A_3 = arith.constant 640 : i32
    %mul3A_4 = arith.muli %arg1, %mul3A_3 : i32
    "tpu.region"() ({
      %run_scoped3A = tpu.sem_alloc : memref<!tpu.dma_semaphore, #tpu.memory_space<semaphore_mem>>
      %dma_start3A_97 = arith.constant 0 : i32
      %dma_start3A_98 = tpu.memref_slice %arg21[%mul3A_4, %dma_start3A_97] : memref<10240x64xf32, #tpu.memory_space<vmem_shared>> -> memref<640x64xf32, #tpu.memory_space<vmem_shared>>
      tpu.enqueue_dma source(%arg7 : memref<640x64xf32, #tpu.memory_space<hbm>>) target(%dma_start3A_98 : memref<640x64xf32, #tpu.memory_space<vmem_shared>>) target_semaphore(%run_scoped3A : memref<!tpu.dma_semaphore, #tpu.memory_space<semaphore_mem>>)
      %dma_wait3A_99 = arith.constant 0 : i32
      %dma_wait3A_100 = tpu.memref_slice %arg21[%mul3A_4, %dma_wait3A_99] : memref<10240x64xf32, #tpu.memory_space<vmem_shared>> -> memref<640x64xf32, #tpu.memory_space<vmem_shared>>
      tpu.wait_dma2 semaphore(%run_scoped3A : memref<!tpu.dma_semaphore, #tpu.memory_space<semaphore_mem>>) src(%arg7 : memref<640x64xf32, #tpu.memory_space<hbm>>) dst(%dma_wait3A_100 : memref<640x64xf32, #tpu.memory_space<vmem_shared>>)
      tpu.yield
    }) : () -> ()
    %barrier3A = arith.constant 0 : index
    tpu.barrier barrier_id(%barrier3A)
    %add3A_5 = arith.constant 0 : i32
    %add3A_6 = arith.addi %mul3A_2, %add3A_5 : i32
    %dma_start3A = tpu.memref_slice %arg5[%add3A_6] : memref<160000xi32, #tpu.memory_space<hbm>> -> memref<128xi32, #tpu.memory_space<hbm>>
    %dma_start3A_7 = tpu.memref_slice %arg5[%add3A_6] : memref<160000xi32, #tpu.memory_space<hbm>> -> memref<128xi32, #tpu.memory_space<hbm>>
    tpu.enqueue_dma source(%dma_start3A_7 : memref<128xi32, #tpu.memory_space<hbm>>) target(%arg9 : memref<128xi32, #tpu.memory_space<vmem>>) target_semaphore(%arg22 : memref<!tpu.dma_semaphore, #tpu.memory_space<semaphore_mem>>)
    %dma_start3A_8 = tpu.memref_slice %arg6[%add3A_6] : memref<160000xi32, #tpu.memory_space<hbm>> -> memref<128xi32, #tpu.memory_space<hbm>>
    %dma_start3A_9 = tpu.memref_slice %arg6[%add3A_6] : memref<160000xi32, #tpu.memory_space<hbm>> -> memref<128xi32, #tpu.memory_space<hbm>>
    tpu.enqueue_dma source(%dma_start3A_9 : memref<128xi32, #tpu.memory_space<hbm>>) target(%arg11 : memref<128xi32, #tpu.memory_space<vmem>>) target_semaphore(%arg22 : memref<!tpu.dma_semaphore, #tpu.memory_space<semaphore_mem>>)
    %dma_start3A_10 = arith.constant 0 : i32
    %dma_start3A_11 = tpu.memref_slice %arg4[%add3A_6, %dma_start3A_10] : memref<160000x128xf32, #tpu.memory_space<hbm>> -> memref<128x32xf32, #tpu.memory_space<hbm>>
    %dma_start3A_12 = arith.constant 0 : i32
    %dma_start3A_13 = tpu.memref_slice %arg4[%add3A_6, %dma_start3A_12] : memref<160000x128xf32, #tpu.memory_space<hbm>> -> memref<128x32xf32, #tpu.memory_space<hbm>>
    tpu.enqueue_dma source(%dma_start3A_13 : memref<128x32xf32, #tpu.memory_space<hbm>>) target(%arg13 : memref<128x32xf32, #tpu.memory_space<vmem>>) target_semaphore(%arg22 : memref<!tpu.dma_semaphore, #tpu.memory_space<semaphore_mem>>)
    %add3A_14 = arith.constant 128 : i32
    %add3A_15 = arith.addi %mul3A_2, %add3A_14 : i32
    %dma_start3A_16 = tpu.memref_slice %arg5[%add3A_15] : memref<160000xi32, #tpu.memory_space<hbm>> -> memref<128xi32, #tpu.memory_space<hbm>>
    %dma_start3A_17 = tpu.memref_slice %arg5[%add3A_15] : memref<160000xi32, #tpu.memory_space<hbm>> -> memref<128xi32, #tpu.memory_space<hbm>>
    tpu.enqueue_dma source(%dma_start3A_17 : memref<128xi32, #tpu.memory_space<hbm>>) target(%arg10 : memref<128xi32, #tpu.memory_space<vmem>>) target_semaphore(%arg23 : memref<!tpu.dma_semaphore, #tpu.memory_space<semaphore_mem>>)
    %dma_start3A_18 = tpu.memref_slice %arg6[%add3A_15] : memref<160000xi32, #tpu.memory_space<hbm>> -> memref<128xi32, #tpu.memory_space<hbm>>
    %dma_start3A_19 = tpu.memref_slice %arg6[%add3A_15] : memref<160000xi32, #tpu.memory_space<hbm>> -> memref<128xi32, #tpu.memory_space<hbm>>
    tpu.enqueue_dma source(%dma_start3A_19 : memref<128xi32, #tpu.memory_space<hbm>>) target(%arg12 : memref<128xi32, #tpu.memory_space<vmem>>) target_semaphore(%arg23 : memref<!tpu.dma_semaphore, #tpu.memory_space<semaphore_mem>>)
    %dma_start3A_20 = arith.constant 0 : i32
    %dma_start3A_21 = tpu.memref_slice %arg4[%add3A_15, %dma_start3A_20] : memref<160000x128xf32, #tpu.memory_space<hbm>> -> memref<128x32xf32, #tpu.memory_space<hbm>>
    %dma_start3A_22 = arith.constant 0 : i32
    %dma_start3A_23 = tpu.memref_slice %arg4[%add3A_15, %dma_start3A_22] : memref<160000x128xf32, #tpu.memory_space<hbm>> -> memref<128x32xf32, #tpu.memory_space<hbm>>
    tpu.enqueue_dma source(%dma_start3A_23 : memref<128x32xf32, #tpu.memory_space<hbm>>) target(%arg14 : memref<128x32xf32, #tpu.memory_space<vmem>>) target_semaphore(%arg23 : memref<!tpu.dma_semaphore, #tpu.memory_space<semaphore_mem>>)
    %add3A_24 = arith.constant 0 : i32
    %add3A_25 = arith.addi %mul3A_2, %add3A_24 : i32
    %dma_wait3A = tpu.memref_slice %arg5[%add3A_25] : memref<160000xi32, #tpu.memory_space<hbm>> -> memref<128xi32, #tpu.memory_space<hbm>>
    %dma_wait3A_26 = tpu.memref_slice %arg5[%add3A_25] : memref<160000xi32, #tpu.memory_space<hbm>> -> memref<128xi32, #tpu.memory_space<hbm>>
    tpu.wait_dma2 semaphore(%arg22 : memref<!tpu.dma_semaphore, #tpu.memory_space<semaphore_mem>>) src(%dma_wait3A_26 : memref<128xi32, #tpu.memory_space<hbm>>) dst(%arg9 : memref<128xi32, #tpu.memory_space<vmem>>)
    %dma_wait3A_27 = tpu.memref_slice %arg6[%add3A_25] : memref<160000xi32, #tpu.memory_space<hbm>> -> memref<128xi32, #tpu.memory_space<hbm>>
    %dma_wait3A_28 = tpu.memref_slice %arg6[%add3A_25] : memref<160000xi32, #tpu.memory_space<hbm>> -> memref<128xi32, #tpu.memory_space<hbm>>
    tpu.wait_dma2 semaphore(%arg22 : memref<!tpu.dma_semaphore, #tpu.memory_space<semaphore_mem>>) src(%dma_wait3A_28 : memref<128xi32, #tpu.memory_space<hbm>>) dst(%arg11 : memref<128xi32, #tpu.memory_space<vmem>>)
    %dma_wait3A_29 = arith.constant 0 : i32
    %dma_wait3A_30 = tpu.memref_slice %arg4[%add3A_25, %dma_wait3A_29] : memref<160000x128xf32, #tpu.memory_space<hbm>> -> memref<128x32xf32, #tpu.memory_space<hbm>>
    %dma_wait3A_31 = arith.constant 0 : i32
    %dma_wait3A_32 = tpu.memref_slice %arg4[%add3A_25, %dma_wait3A_31] : memref<160000x128xf32, #tpu.memory_space<hbm>> -> memref<128x32xf32, #tpu.memory_space<hbm>>
    tpu.wait_dma2 semaphore(%arg22 : memref<!tpu.dma_semaphore, #tpu.memory_space<semaphore_mem>>) src(%dma_wait3A_32 : memref<128x32xf32, #tpu.memory_space<hbm>>) dst(%arg13 : memref<128x32xf32, #tpu.memory_space<vmem>>)
    %dma_start3A_33 = arith.constant 0 : i32
    %dma_start3A_34 = arith.constant 0 : i32
    %dma_start3A_35 = tpu.memref_slice %arg2[%dma_start3A_33, %dma_start3A_34] : memref<10000x16xf32, #tpu.memory_space<hbm>> -> memref<10000x16xf32, #tpu.memory_space<hbm>>
    tpu.enqueue_indirect_dma source(%dma_start3A_35 : memref<10000x16xf32, #tpu.memory_space<hbm>>) target(%arg15 : memref<128x16xf32, #tpu.memory_space<vmem>>) offsets(%arg9 : memref<128xi32, #tpu.memory_space<vmem>>) semaphore(%arg24 : memref<!tpu.dma_semaphore, #tpu.memory_space<semaphore_mem>>)
    %dma_start3A_36 = arith.constant 0 : i32
    %dma_start3A_37 = arith.constant 0 : i32
    %dma_start3A_38 = tpu.memref_slice %arg3[%dma_start3A_36, %dma_start3A_37] : memref<10000x80xf32, #tpu.memory_space<hbm>> -> memref<10000x80xf32, #tpu.memory_space<hbm>>
    tpu.enqueue_indirect_dma source(%dma_start3A_38 : memref<10000x80xf32, #tpu.memory_space<hbm>>) target(%arg17 : memref<128x80xf32, #tpu.memory_space<vmem>>) offsets(%arg11 : memref<128xi32, #tpu.memory_space<vmem>>) semaphore(%arg24 : memref<!tpu.dma_semaphore, #tpu.memory_space<semaphore_mem>>)
    %scan3A = arith.constant 0 : i32
    %scan3A_39 = arith.constant 0 : i32
    %scan3A_40 = arith.constant 19 : i32
    %scan3A_41 = arith.addi %scan3A_39, %scan3A_40 : i32
    %scan3A_42 = arith.constant 1 : i32
    scf.for %scan3A_97 = %scan3A_39 to %scan3A_41 step %scan3A_42  : i32 {
      %mul3A_98 = arith.constant 2 : i32
      %mul3A_99 = arith.muli %mul3A_98, %scan3A_97 : i32
      %add3A_100 = arith.constant 0 : i32
      %add3A_101 = arith.addi %mul3A_99, %add3A_100 : i32
      %add3A_102 = arith.constant 1 : i32
      %add3A_103 = arith.addi %add3A_101, %add3A_102 : i32
      %mul3A_104 = arith.constant 128 : i32
      %mul3A_105 = arith.muli %add3A_103, %mul3A_104 : i32
      %add3A_106 = arith.addi %mul3A_2, %mul3A_105 : i32
      %dma_wait3A_107 = tpu.memref_slice %arg5[%add3A_106] : memref<160000xi32, #tpu.memory_space<hbm>> -> memref<128xi32, #tpu.memory_space<hbm>>
      %dma_wait3A_108 = tpu.memref_slice %arg5[%add3A_106] : memref<160000xi32, #tpu.memory_space<hbm>> -> memref<128xi32, #tpu.memory_space<hbm>>
      tpu.wait_dma2 semaphore(%arg23 : memref<!tpu.dma_semaphore, #tpu.memory_space<semaphore_mem>>) src(%dma_wait3A_108 : memref<128xi32, #tpu.memory_space<hbm>>) dst(%arg10 : memref<128xi32, #tpu.memory_space<vmem>>)
      %dma_wait3A_109 = tpu.memref_slice %arg6[%add3A_106] : memref<160000xi32, #tpu.memory_space<hbm>> -> memref<128xi32, #tpu.memory_space<hbm>>
      %dma_wait3A_110 = tpu.memref_slice %arg6[%add3A_106] : memref<160000xi32, #tpu.memory_space<hbm>> -> memref<128xi32, #tpu.memory_space<hbm>>
      tpu.wait_dma2 semaphore(%arg23 : memref<!tpu.dma_semaphore, #tpu.memory_space<semaphore_mem>>) src(%dma_wait3A_110 : memref<128xi32, #tpu.memory_space<hbm>>) dst(%arg12 : memref<128xi32, #tpu.memory_space<vmem>>)
      %dma_wait3A_111 = arith.constant 0 : i32
      %dma_wait3A_112 = tpu.memref_slice %arg4[%add3A_106, %dma_wait3A_111] : memref<160000x128xf32, #tpu.memory_space<hbm>> -> memref<128x32xf32, #tpu.memory_space<hbm>>
      %dma_wait3A_113 = arith.constant 0 : i32
      %dma_wait3A_114 = tpu.memref_slice %arg4[%add3A_106, %dma_wait3A_113] : memref<160000x128xf32, #tpu.memory_space<hbm>> -> memref<128x32xf32, #tpu.memory_space<hbm>>
      tpu.wait_dma2 semaphore(%arg23 : memref<!tpu.dma_semaphore, #tpu.memory_space<semaphore_mem>>) src(%dma_wait3A_114 : memref<128x32xf32, #tpu.memory_space<hbm>>) dst(%arg14 : memref<128x32xf32, #tpu.memory_space<vmem>>)
      %dma_start3A_115 = arith.constant 0 : i32
      %dma_start3A_116 = arith.constant 0 : i32
      %dma_start3A_117 = tpu.memref_slice %arg2[%dma_start3A_115, %dma_start3A_116] : memref<10000x16xf32, #tpu.memory_space<hbm>> -> memref<10000x16xf32, #tpu.memory_space<hbm>>
      tpu.enqueue_indirect_dma source(%dma_start3A_117 : memref<10000x16xf32, #tpu.memory_space<hbm>>) target(%arg16 : memref<128x16xf32, #tpu.memory_space<vmem>>) offsets(%arg10 : memref<128xi32, #tpu.memory_space<vmem>>) semaphore(%arg25 : memref<!tpu.dma_semaphore, #tpu.memory_space<semaphore_mem>>)
      %dma_start3A_118 = arith.constant 0 : i32
      %dma_start3A_119 = arith.constant 0 : i32
      %dma_start3A_120 = tpu.memref_slice %arg3[%dma_start3A_118, %dma_start3A_119] : memref<10000x80xf32, #tpu.memory_space<hbm>> -> memref<10000x80xf32, #tpu.memory_space<hbm>>
      tpu.enqueue_indirect_dma source(%dma_start3A_120 : memref<10000x80xf32, #tpu.memory_space<hbm>>) target(%arg18 : memref<128x80xf32, #tpu.memory_space<vmem>>) offsets(%arg12 : memref<128xi32, #tpu.memory_space<vmem>>) semaphore(%arg25 : memref<!tpu.dma_semaphore, #tpu.memory_space<semaphore_mem>>)
      %dma_wait3A_121 = arith.constant 0 : i32
      %dma_wait3A_122 = arith.constant 0 : i32
      %dma_wait3A_123 = tpu.memref_slice %arg2[%dma_wait3A_121, %dma_wait3A_122] : memref<10000x16xf32, #tpu.memory_space<hbm>> -> memref<10000x16xf32, #tpu.memory_space<hbm>>
      tpu.wait_indirect_dma semaphore(%arg24 : memref<!tpu.dma_semaphore, #tpu.memory_space<semaphore_mem>>) src(%dma_wait3A_123 : memref<10000x16xf32, #tpu.memory_space<hbm>>) dst(%arg15 : memref<128x16xf32, #tpu.memory_space<vmem>>)
      %dma_wait3A_124 = arith.constant 0 : i32
      %dma_wait3A_125 = arith.constant 0 : i32
      %dma_wait3A_126 = tpu.memref_slice %arg3[%dma_wait3A_124, %dma_wait3A_125] : memref<10000x80xf32, #tpu.memory_space<hbm>> -> memref<10000x80xf32, #tpu.memory_space<hbm>>
      tpu.wait_indirect_dma semaphore(%arg24 : memref<!tpu.dma_semaphore, #tpu.memory_space<semaphore_mem>>) src(%dma_wait3A_126 : memref<10000x80xf32, #tpu.memory_space<hbm>>) dst(%arg17 : memref<128x80xf32, #tpu.memory_space<vmem>>)
      %scan3A_127 = arith.constant 0 : i32
      %scan3A_128 = arith.constant 0 : i32
      %scan3A_129 = arith.constant 32 : i32
      %scan3A_130 = arith.addi %scan3A_128, %scan3A_129 : i32
      %scan3A_131 = arith.constant 1 : i32
      scf.for %scan3A_175 = %scan3A_128 to %scan3A_130 step %scan3A_131  : i32 {
        %mul3A_176 = arith.constant 4 : i32
        %mul3A_177 = arith.muli %scan3A_175, %mul3A_176 : i32
        %add3A_178 = arith.constant 0 : i32
        %add3A_179 = arith.addi %mul3A_177, %add3A_178 : i32
        %get3A = arith.index_cast %add3A_179 : i32 to index
        %get3A_180 = arith.constant 0 : index
        %get3A_181 = tpu.vector_load %arg13[%get3A, %get3A_180] {strides = array<i32>} : memref<128x32xf32, #tpu.memory_space<vmem>>, vector<1x16xf32>,
        %get3A_182 = vector.shape_cast %get3A_181 : vector<1x16xf32> to vector<16xf32>
        %get3A_183 = arith.index_cast %add3A_179 : i32 to index
        %get3A_184 = arith.constant 0 : index
        %get3A_185 = tpu.vector_load %arg15[%get3A_183, %get3A_184] {strides = array<i32>} : memref<128x16xf32, #tpu.memory_space<vmem>>, vector<1x16xf32>,
        %get3A_186 = vector.shape_cast %get3A_185 : vector<1x16xf32> to vector<16xf32>
        %add3A_187 = arith.addf %get3A_182, %get3A_186 : vector<16xf32>
        %get3A_188 = arith.index_cast %add3A_179 : i32 to index
        %get3A_189 = arith.constant 0 : index
        %get3A_190 = tpu.vector_load %arg17[%get3A_188, %get3A_189] {strides = array<i32>} : memref<128x80xf32, #tpu.memory_space<vmem>>, vector<1x16xf32>,
        %get3A_191 = vector.shape_cast %get3A_190 : vector<1x16xf32> to vector<16xf32>
        %add3A_192 = arith.addf %add3A_187, %get3A_191 : vector<16xf32>
        %get3A_193 = arith.index_cast %add3A_179 : i32 to index
        %get3A_194 = arith.constant 16 : index
        %get3A_195 = tpu.vector_load %arg17[%get3A_193, %get3A_194] {strides = array<i32>} : memref<128x80xf32, #tpu.memory_space<vmem>>, vector<1x16xf32>,
        %get3A_196 = vector.shape_cast %get3A_195 : vector<1x16xf32> to vector<16xf32>
        %get3A_197 = arith.index_cast %add3A_179 : i32 to index
        %get3A_198 = arith.constant 32 : index
        %get3A_199 = tpu.vector_load %arg17[%get3A_197, %get3A_198] {strides = array<i32>} : memref<128x80xf32, #tpu.memory_space<vmem>>, vector<1x16xf32>,
        %get3A_200 = vector.shape_cast %get3A_199 : vector<1x16xf32> to vector<16xf32>
        %get3A_201 = arith.index_cast %add3A_179 : i32 to index
        %get3A_202 = arith.constant 48 : index
        %get3A_203 = tpu.vector_load %arg17[%get3A_201, %get3A_202] {strides = array<i32>} : memref<128x80xf32, #tpu.memory_space<vmem>>, vector<1x16xf32>,
        %get3A_204 = vector.shape_cast %get3A_203 : vector<1x16xf32> to vector<16xf32>
        %get3A_205 = arith.index_cast %add3A_179 : i32 to index
        %get3A_206 = arith.constant 64 : index
        %get3A_207 = tpu.vector_load %arg17[%get3A_205, %get3A_206] {strides = array<i32>} : memref<128x80xf32, #tpu.memory_space<vmem>>, vector<1x16xf32>,
        %get3A_208 = vector.shape_cast %get3A_207 : vector<1x16xf32> to vector<16xf32>
        %get3A_209 = arith.index_cast %add3A_179 : i32 to index
        %get3A_210 = arith.constant 16 : index
        %get3A_211 = tpu.vector_load %arg13[%get3A_209, %get3A_210] {strides = array<i32>} : memref<128x32xf32, #tpu.memory_space<vmem>>, vector<1x16xf32>,
        %get3A_212 = vector.shape_cast %get3A_211 : vector<1x16xf32> to vector<16xf32>
        %slice3A = vector.extract_strided_slice %get3A_212 {offsets = [0], sizes = [1], strides = [1]} : vector<16xf32> to vector<1xf32>
        %squeeze3A = vector.extract %slice3A[0] : f32 from vector<1xf32>
        %broadcast_in_dim3A = vector.broadcast %squeeze3A : f32 to vector<16xf32>
        %slice3A_213 = vector.extract_strided_slice %get3A_212 {offsets = [1], sizes = [1], strides = [1]} : vector<16xf32> to vector<1xf32>
        %squeeze3A_214 = vector.extract %slice3A_213[0] : f32 from vector<1xf32>
        %broadcast_in_dim3A_215 = vector.broadcast %squeeze3A_214 : f32 to vector<16xf32>
        %slice3A_216 = vector.extract_strided_slice %get3A_212 {offsets = [2], sizes = [1], strides = [1]} : vector<16xf32> to vector<1xf32>
        %squeeze3A_217 = vector.extract %slice3A_216[0] : f32 from vector<1xf32>
        %broadcast_in_dim3A_218 = vector.broadcast %squeeze3A_217 : f32 to vector<16xf32>
        %mul3A_219 = arith.mulf %broadcast_in_dim3A, %get3A_200 : vector<16xf32>
        %add3A_220 = arith.addf %get3A_196, %mul3A_219 : vector<16xf32>
        %mul3A_221 = arith.mulf %broadcast_in_dim3A_215, %get3A_204 : vector<16xf32>
        %add3A_222 = arith.addf %add3A_220, %mul3A_221 : vector<16xf32>
        %mul3A_223 = arith.mulf %broadcast_in_dim3A_218, %get3A_208 : vector<16xf32>
        %add3A_224 = arith.addf %add3A_222, %mul3A_223 : vector<16xf32>
        %mul3A_225 = arith.mulf %add3A_224, %add3A_192 : vector<16xf32>
        %swap3A = arith.index_cast %add3A_179 : i32 to index
        %swap3A_226 = arith.constant 0 : index
        %swap3A_227 = tpu.vector_load %arg19[%swap3A, %swap3A_226] {strides = array<i32>} : memref<128x64xf32, #tpu.memory_space<vmem>>, vector<1x16xf32>,
        %swap3A_228 = vector.shape_cast %swap3A_227 : vector<1x16xf32> to vector<16xf32>
        %swap3A_229 = vector.shape_cast %mul3A_225 : vector<16xf32> to vector<1x16xf32>
        tpu.vector_store %arg19[%swap3A, %swap3A_226], %swap3A_229 {strides = array<i32>} : memref<128x64xf32, #tpu.memory_space<vmem>>, vector<1x16xf32>,
        %mul3A_230 = arith.mulf %broadcast_in_dim3A, %get3A_196 : vector<16xf32>
        %add3A_231 = arith.addf %get3A_200, %mul3A_230 : vector<16xf32>
        %mul3A_232 = arith.mulf %add3A_231, %add3A_192 : vector<16xf32>
        %swap3A_233 = arith.index_cast %add3A_179 : i32 to index
        %swap3A_234 = arith.constant 16 : index
        %swap3A_235 = tpu.vector_load %arg19[%swap3A_233, %swap3A_234] {strides = array<i32>} : memref<128x64xf32, #tpu.memory_space<vmem>>, vector<1x16xf32>,
        %swap3A_236 = vector.shape_cast %swap3A_235 : vector<1x16xf32> to vector<16xf32>
        %swap3A_237 = vector.shape_cast %mul3A_232 : vector<16xf32> to vector<1x16xf32>
        tpu.vector_store %arg19[%swap3A_233, %swap3A_234], %swap3A_237 {strides = array<i32>} : memref<128x64xf32, #tpu.memory_space<vmem>>, vector<1x16xf32>,
        %mul3A_238 = arith.mulf %broadcast_in_dim3A_215, %get3A_196 : vector<16xf32>
        %add3A_239 = arith.addf %get3A_204, %mul3A_238 : vector<16xf32>
        %mul3A_240 = arith.mulf %add3A_239, %add3A_192 : vector<16xf32>
        %swap3A_241 = arith.index_cast %add3A_179 : i32 to index
        %swap3A_242 = arith.constant 32 : index
        %swap3A_243 = tpu.vector_load %arg19[%swap3A_241, %swap3A_242] {strides = array<i32>} : memref<128x64xf32, #tpu.memory_space<vmem>>, vector<1x16xf32>,
        %swap3A_244 = vector.shape_cast %swap3A_243 : vector<1x16xf32> to vector<16xf32>
        %swap3A_245 = vector.shape_cast %mul3A_240 : vector<16xf32> to vector<1x16xf32>
        tpu.vector_store %arg19[%swap3A_241, %swap3A_242], %swap3A_245 {strides = array<i32>} : memref<128x64xf32, #tpu.memory_space<vmem>>, vector<1x16xf32>,
        %mul3A_246 = arith.mulf %broadcast_in_dim3A_218, %get3A_196 : vector<16xf32>
        %add3A_247 = arith.addf %get3A_208, %mul3A_246 : vector<16xf32>
        %mul3A_248 = arith.mulf %add3A_247, %add3A_192 : vector<16xf32>
        %swap3A_249 = arith.index_cast %add3A_179 : i32 to index
        %swap3A_250 = arith.constant 48 : index
        %swap3A_251 = tpu.vector_load %arg19[%swap3A_249, %swap3A_250] {strides = array<i32>} : memref<128x64xf32, #tpu.memory_space<vmem>>, vector<1x16xf32>,
        %swap3A_252 = vector.shape_cast %swap3A_251 : vector<1x16xf32> to vector<16xf32>
        %swap3A_253 = vector.shape_cast %mul3A_248 : vector<16xf32> to vector<1x16xf32>
        tpu.vector_store %arg19[%swap3A_249, %swap3A_250], %swap3A_253 {strides = array<i32>} : memref<128x64xf32, #tpu.memory_space<vmem>>, vector<1x16xf32>,
        %mul3A_254 = arith.constant 4 : i32
        %mul3A_255 = arith.muli %scan3A_175, %mul3A_254 : i32
        %add3A_256 = arith.constant 1 : i32
        %add3A_257 = arith.addi %mul3A_255, %add3A_256 : i32
        %get3A_258 = arith.index_cast %add3A_257 : i32 to index
        %get3A_259 = arith.constant 0 : index
        %get3A_260 = tpu.vector_load %arg13[%get3A_258, %get3A_259] {strides = array<i32>} : memref<128x32xf32, #tpu.memory_space<vmem>>, vector<1x16xf32>,
        %get3A_261 = vector.shape_cast %get3A_260 : vector<1x16xf32> to vector<16xf32>
        %get3A_262 = arith.index_cast %add3A_257 : i32 to index
        %get3A_263 = arith.constant 0 : index
        %get3A_264 = tpu.vector_load %arg15[%get3A_262, %get3A_263] {strides = array<i32>} : memref<128x16xf32, #tpu.memory_space<vmem>>, vector<1x16xf32>,
        %get3A_265 = vector.shape_cast %get3A_264 : vector<1x16xf32> to vector<16xf32>
        %add3A_266 = arith.addf %get3A_261, %get3A_265 : vector<16xf32>
        %get3A_267 = arith.index_cast %add3A_257 : i32 to index
        %get3A_268 = arith.constant 0 : index
        %get3A_269 = tpu.vector_load %arg17[%get3A_267, %get3A_268] {strides = array<i32>} : memref<128x80xf32, #tpu.memory_space<vmem>>, vector<1x16xf32>,
        %get3A_270 = vector.shape_cast %get3A_269 : vector<1x16xf32> to vector<16xf32>
        %add3A_271 = arith.addf %add3A_266, %get3A_270 : vector<16xf32>
        %get3A_272 = arith.index_cast %add3A_257 : i32 to index
        %get3A_273 = arith.constant 16 : index
        %get3A_274 = tpu.vector_load %arg17[%get3A_272, %get3A_273] {strides = array<i32>} : memref<128x80xf32, #tpu.memory_space<vmem>>, vector<1x16xf32>,
        %get3A_275 = vector.shape_cast %get3A_274 : vector<1x16xf32> to vector<16xf32>
        %get3A_276 = arith.index_cast %add3A_257 : i32 to index
        %get3A_277 = arith.constant 32 : index
        %get3A_278 = tpu.vector_load %arg17[%get3A_276, %get3A_277] {strides = array<i32>} : memref<128x80xf32, #tpu.memory_space<vmem>>, vector<1x16xf32>,
        %get3A_279 = vector.shape_cast %get3A_278 : vector<1x16xf32> to vector<16xf32>
        %get3A_280 = arith.index_cast %add3A_257 : i32 to index
        %get3A_281 = arith.constant 48 : index
        %get3A_282 = tpu.vector_load %arg17[%get3A_280, %get3A_281] {strides = array<i32>} : memref<128x80xf32, #tpu.memory_space<vmem>>, vector<1x16xf32>,
        %get3A_283 = vector.shape_cast %get3A_282 : vector<1x16xf32> to vector<16xf32>
        %get3A_284 = arith.index_cast %add3A_257 : i32 to index
        %get3A_285 = arith.constant 64 : index
        %get3A_286 = tpu.vector_load %arg17[%get3A_284, %get3A_285] {strides = array<i32>} : memref<128x80xf32, #tpu.memory_space<vmem>>, vector<1x16xf32>,
        %get3A_287 = vector.shape_cast %get3A_286 : vector<1x16xf32> to vector<16xf32>
        %get3A_288 = arith.index_cast %add3A_257 : i32 to index
        %get3A_289 = arith.constant 16 : index
        %get3A_290 = tpu.vector_load %arg13[%get3A_288, %get3A_289] {strides = array<i32>} : memref<128x32xf32, #tpu.memory_space<vmem>>, vector<1x16xf32>,
        %get3A_291 = vector.shape_cast %get3A_290 : vector<1x16xf32> to vector<16xf32>
        %slice3A_292 = vector.extract_strided_slice %get3A_291 {offsets = [0], sizes = [1], strides = [1]} : vector<16xf32> to vector<1xf32>
        %squeeze3A_293 = vector.extract %slice3A_292[0] : f32 from vector<1xf32>
        %broadcast_in_dim3A_294 = vector.broadcast %squeeze3A_293 : f32 to vector<16xf32>
        %slice3A_295 = vector.extract_strided_slice %get3A_291 {offsets = [1], sizes = [1], strides = [1]} : vector<16xf32> to vector<1xf32>
        %squeeze3A_296 = vector.extract %slice3A_295[0] : f32 from vector<1xf32>
        %broadcast_in_dim3A_297 = vector.broadcast %squeeze3A_296 : f32 to vector<16xf32>
        %slice3A_298 = vector.extract_strided_slice %get3A_291 {offsets = [2], sizes = [1], strides = [1]} : vector<16xf32> to vector<1xf32>
        %squeeze3A_299 = vector.extract %slice3A_298[0] : f32 from vector<1xf32>
        %broadcast_in_dim3A_300 = vector.broadcast %squeeze3A_299 : f32 to vector<16xf32>
        %mul3A_301 = arith.mulf %broadcast_in_dim3A_294, %get3A_279 : vector<16xf32>
        %add3A_302 = arith.addf %get3A_275, %mul3A_301 : vector<16xf32>
        %mul3A_303 = arith.mulf %broadcast_in_dim3A_297, %get3A_283 : vector<16xf32>
        %add3A_304 = arith.addf %add3A_302, %mul3A_303 : vector<16xf32>
        %mul3A_305 = arith.mulf %broadcast_in_dim3A_300, %get3A_287 : vector<16xf32>
        %add3A_306 = arith.addf %add3A_304, %mul3A_305 : vector<16xf32>
        %mul3A_307 = arith.mulf %add3A_306, %add3A_271 : vector<16xf32>
        %swap3A_308 = arith.index_cast %add3A_257 : i32 to index
        %swap3A_309 = arith.constant 0 : index
        %swap3A_310 = tpu.vector_load %arg19[%swap3A_308, %swap3A_309] {strides = array<i32>} : memref<128x64xf32, #tpu.memory_space<vmem>>, vector<1x16xf32>,
        %swap3A_311 = vector.shape_cast %swap3A_310 : vector<1x16xf32> to vector<16xf32>
        %swap3A_312 = vector.shape_cast %mul3A_307 : vector<16xf32> to vector<1x16xf32>
        tpu.vector_store %arg19[%swap3A_308, %swap3A_309], %swap3A_312 {strides = array<i32>} : memref<128x64xf32, #tpu.memory_space<vmem>>, vector<1x16xf32>,
        %mul3A_313 = arith.mulf %broadcast_in_dim3A_294, %get3A_275 : vector<16xf32>
        %add3A_314 = arith.addf %get3A_279, %mul3A_313 : vector<16xf32>
        %mul3A_315 = arith.mulf %add3A_314, %add3A_271 : vector<16xf32>
        %swap3A_316 = arith.index_cast %add3A_257 : i32 to index
        %swap3A_317 = arith.constant 16 : index
        %swap3A_318 = tpu.vector_load %arg19[%swap3A_316, %swap3A_317] {strides = array<i32>} : memref<128x64xf32, #tpu.memory_space<vmem>>, vector<1x16xf32>,
        %swap3A_319 = vector.shape_cast %swap3A_318 : vector<1x16xf32> to vector<16xf32>
        %swap3A_320 = vector.shape_cast %mul3A_315 : vector<16xf32> to vector<1x16xf32>
        tpu.vector_store %arg19[%swap3A_316, %swap3A_317], %swap3A_320 {strides = array<i32>} : memref<128x64xf32, #tpu.memory_space<vmem>>, vector<1x16xf32>,
        %mul3A_321 = arith.mulf %broadcast_in_dim3A_297, %get3A_275 : vector<16xf32>
        %add3A_322 = arith.addf %get3A_283, %mul3A_321 : vector<16xf32>
        %mul3A_323 = arith.mulf %add3A_322, %add3A_271 : vector<16xf32>
        %swap3A_324 = arith.index_cast %add3A_257 : i32 to index
        %swap3A_325 = arith.constant 32 : index
        %swap3A_326 = tpu.vector_load %arg19[%swap3A_324, %swap3A_325] {strides = array<i32>} : memref<128x64xf32, #tpu.memory_space<vmem>>, vector<1x16xf32>,
        %swap3A_327 = vector.shape_cast %swap3A_326 : vector<1x16xf32> to vector<16xf32>
        %swap3A_328 = vector.shape_cast %mul3A_323 : vector<16xf32> to vector<1x16xf32>
        tpu.vector_store %arg19[%swap3A_324, %swap3A_325], %swap3A_328 {strides = array<i32>} : memref<128x64xf32, #tpu.memory_space<vmem>>, vector<1x16xf32>,
        %mul3A_329 = arith.mulf %broadcast_in_dim3A_300, %get3A_275 : vector<16xf32>
        %add3A_330 = arith.addf %get3A_287, %mul3A_329 : vector<16xf32>
        %mul3A_331 = arith.mulf %add3A_330, %add3A_271 : vector<16xf32>
        %swap3A_332 = arith.index_cast %add3A_257 : i32 to index
        %swap3A_333 = arith.constant 48 : index
        %swap3A_334 = tpu.vector_load %arg19[%swap3A_332, %swap3A_333] {strides = array<i32>} : memref<128x64xf32, #tpu.memory_space<vmem>>, vector<1x16xf32>,
        %swap3A_335 = vector.shape_cast %swap3A_334 : vector<1x16xf32> to vector<16xf32>
        %swap3A_336 = vector.shape_cast %mul3A_331 : vector<16xf32> to vector<1x16xf32>
        tpu.vector_store %arg19[%swap3A_332, %swap3A_333], %swap3A_336 {strides = array<i32>} : memref<128x64xf32, #tpu.memory_space<vmem>>, vector<1x16xf32>,
        %mul3A_337 = arith.constant 4 : i32
        %mul3A_338 = arith.muli %scan3A_175, %mul3A_337 : i32
        %add3A_339 = arith.constant 2 : i32
        %add3A_340 = arith.addi %mul3A_338, %add3A_339 : i32
        %get3A_341 = arith.index_cast %add3A_340 : i32 to index
        %get3A_342 = arith.constant 0 : index
        %get3A_343 = tpu.vector_load %arg13[%get3A_341, %get3A_342] {strides = array<i32>} : memref<128x32xf32, #tpu.memory_space<vmem>>, vector<1x16xf32>,
        %get3A_344 = vector.shape_cast %get3A_343 : vector<1x16xf32> to vector<16xf32>
        %get3A_345 = arith.index_cast %add3A_340 : i32 to index
        %get3A_346 = arith.constant 0 : index
        %get3A_347 = tpu.vector_load %arg15[%get3A_345, %get3A_346] {strides = array<i32>} : memref<128x16xf32, #tpu.memory_space<vmem>>, vector<1x16xf32>,
        %get3A_348 = vector.shape_cast %get3A_347 : vector<1x16xf32> to vector<16xf32>
        %add3A_349 = arith.addf %get3A_344, %get3A_348 : vector<16xf32>
        %get3A_350 = arith.index_cast %add3A_340 : i32 to index
        %get3A_351 = arith.constant 0 : index
        %get3A_352 = tpu.vector_load %arg17[%get3A_350, %get3A_351] {strides = array<i32>} : memref<128x80xf32, #tpu.memory_space<vmem>>, vector<1x16xf32>,
        %get3A_353 = vector.shape_cast %get3A_352 : vector<1x16xf32> to vector<16xf32>
        %add3A_354 = arith.addf %add3A_349, %get3A_353 : vector<16xf32>
        %get3A_355 = arith.index_cast %add3A_340 : i32 to index
        %get3A_356 = arith.constant 16 : index
        %get3A_357 = tpu.vector_load %arg17[%get3A_355, %get3A_356] {strides = array<i32>} : memref<128x80xf32, #tpu.memory_space<vmem>>, vector<1x16xf32>,
        %get3A_358 = vector.shape_cast %get3A_357 : vector<1x16xf32> to vector<16xf32>
        %get3A_359 = arith.index_cast %add3A_340 : i32 to index
        %get3A_360 = arith.constant 32 : index
        %get3A_361 = tpu.vector_load %arg17[%get3A_359, %get3A_360] {strides = array<i32>} : memref<128x80xf32, #tpu.memory_space<vmem>>, vector<1x16xf32>,
        %get3A_362 = vector.shape_cast %get3A_361 : vector<1x16xf32> to vector<16xf32>
        %get3A_363 = arith.index_cast %add3A_340 : i32 to index
        %get3A_364 = arith.constant 48 : index
        %get3A_365 = tpu.vector_load %arg17[%get3A_363, %get3A_364] {strides = array<i32>} : memref<128x80xf32, #tpu.memory_space<vmem>>, vector<1x16xf32>,
        %get3A_366 = vector.shape_cast %get3A_365 : vector<1x16xf32> to vector<16xf32>
        %get3A_367 = arith.index_cast %add3A_340 : i32 to index
        %get3A_368 = arith.constant 64 : index
        %get3A_369 = tpu.vector_load %arg17[%get3A_367, %get3A_368] {strides = array<i32>} : memref<128x80xf32, #tpu.memory_space<vmem>>, vector<1x16xf32>,
        %get3A_370 = vector.shape_cast %get3A_369 : vector<1x16xf32> to vector<16xf32>
        %get3A_371 = arith.index_cast %add3A_340 : i32 to index
        %get3A_372 = arith.constant 16 : index
        %get3A_373 = tpu.vector_load %arg13[%get3A_371, %get3A_372] {strides = array<i32>} : memref<128x32xf32, #tpu.memory_space<vmem>>, vector<1x16xf32>,
        %get3A_374 = vector.shape_cast %get3A_373 : vector<1x16xf32> to vector<16xf32>
        %slice3A_375 = vector.extract_strided_slice %get3A_374 {offsets = [0], sizes = [1], strides = [1]} : vector<16xf32> to vector<1xf32>
        %squeeze3A_376 = vector.extract %slice3A_375[0] : f32 from vector<1xf32>
        %broadcast_in_dim3A_377 = vector.broadcast %squeeze3A_376 : f32 to vector<16xf32>
        %slice3A_378 = vector.extract_strided_slice %get3A_374 {offsets = [1], sizes = [1], strides = [1]} : vector<16xf32> to vector<1xf32>
        %squeeze3A_379 = vector.extract %slice3A_378[0] : f32 from vector<1xf32>
        %broadcast_in_dim3A_380 = vector.broadcast %squeeze3A_379 : f32 to vector<16xf32>
        %slice3A_381 = vector.extract_strided_slice %get3A_374 {offsets = [2], sizes = [1], strides = [1]} : vector<16xf32> to vector<1xf32>
        %squeeze3A_382 = vector.extract %slice3A_381[0] : f32 from vector<1xf32>
        %broadcast_in_dim3A_383 = vector.broadcast %squeeze3A_382 : f32 to vector<16xf32>
        %mul3A_384 = arith.mulf %broadcast_in_dim3A_377, %get3A_362 : vector<16xf32>
        %add3A_385 = arith.addf %get3A_358, %mul3A_384 : vector<16xf32>
        %mul3A_386 = arith.mulf %broadcast_in_dim3A_380, %get3A_366 : vector<16xf32>
        %add3A_387 = arith.addf %add3A_385, %mul3A_386 : vector<16xf32>
        %mul3A_388 = arith.mulf %broadcast_in_dim3A_383, %get3A_370 : vector<16xf32>
        %add3A_389 = arith.addf %add3A_387, %mul3A_388 : vector<16xf32>
        %mul3A_390 = arith.mulf %add3A_389, %add3A_354 : vector<16xf32>
        %swap3A_391 = arith.index_cast %add3A_340 : i32 to index
        %swap3A_392 = arith.constant 0 : index
        %swap3A_393 = tpu.vector_load %arg19[%swap3A_391, %swap3A_392] {strides = array<i32>} : memref<128x64xf32, #tpu.memory_space<vmem>>, vector<1x16xf32>,
        %swap3A_394 = vector.shape_cast %swap3A_393 : vector<1x16xf32> to vector<16xf32>
        %swap3A_395 = vector.shape_cast %mul3A_390 : vector<16xf32> to vector<1x16xf32>
        tpu.vector_store %arg19[%swap3A_391, %swap3A_392], %swap3A_395 {strides = array<i32>} : memref<128x64xf32, #tpu.memory_space<vmem>>, vector<1x16xf32>,
        %mul3A_396 = arith.mulf %broadcast_in_dim3A_377, %get3A_358 : vector<16xf32>
        %add3A_397 = arith.addf %get3A_362, %mul3A_396 : vector<16xf32>
        %mul3A_398 = arith.mulf %add3A_397, %add3A_354 : vector<16xf32>
        %swap3A_399 = arith.index_cast %add3A_340 : i32 to index
        %swap3A_400 = arith.constant 16 : index
        %swap3A_401 = tpu.vector_load %arg19[%swap3A_399, %swap3A_400] {strides = array<i32>} : memref<128x64xf32, #tpu.memory_space<vmem>>, vector<1x16xf32>,
        %swap3A_402 = vector.shape_cast %swap3A_401 : vector<1x16xf32> to vector<16xf32>
        %swap3A_403 = vector.shape_cast %mul3A_398 : vector<16xf32> to vector<1x16xf32>
        tpu.vector_store %arg19[%swap3A_399, %swap3A_400], %swap3A_403 {strides = array<i32>} : memref<128x64xf32, #tpu.memory_space<vmem>>, vector<1x16xf32>,
        %mul3A_404 = arith.mulf %broadcast_in_dim3A_380, %get3A_358 : vector<16xf32>
        %add3A_405 = arith.addf %get3A_366, %mul3A_404 : vector<16xf32>
        %mul3A_406 = arith.mulf %add3A_405, %add3A_354 : vector<16xf32>
        %swap3A_407 = arith.index_cast %add3A_340 : i32 to index
        %swap3A_408 = arith.constant 32 : index
        %swap3A_409 = tpu.vector_load %arg19[%swap3A_407, %swap3A_408] {strides = array<i32>} : memref<128x64xf32, #tpu.memory_space<vmem>>, vector<1x16xf32>,
        %swap3A_410 = vector.shape_cast %swap3A_409 : vector<1x16xf32> to vector<16xf32>
        %swap3A_411 = vector.shape_cast %mul3A_406 : vector<16xf32> to vector<1x16xf32>
        tpu.vector_store %arg19[%swap3A_407, %swap3A_408], %swap3A_411 {strides = array<i32>} : memref<128x64xf32, #tpu.memory_space<vmem>>, vector<1x16xf32>,
        %mul3A_412 = arith.mulf %broadcast_in_dim3A_383, %get3A_358 : vector<16xf32>
        %add3A_413 = arith.addf %get3A_370, %mul3A_412 : vector<16xf32>
        %mul3A_414 = arith.mulf %add3A_413, %add3A_354 : vector<16xf32>
        %swap3A_415 = arith.index_cast %add3A_340 : i32 to index
        %swap3A_416 = arith.constant 48 : index
        %swap3A_417 = tpu.vector_load %arg19[%swap3A_415, %swap3A_416] {strides = array<i32>} : memref<128x64xf32, #tpu.memory_space<vmem>>, vector<1x16xf32>,
        %swap3A_418 = vector.shape_cast %swap3A_417 : vector<1x16xf32> to vector<16xf32>
        %swap3A_419 = vector.shape_cast %mul3A_414 : vector<16xf32> to vector<1x16xf32>
        tpu.vector_store %arg19[%swap3A_415, %swap3A_416], %swap3A_419 {strides = array<i32>} : memref<128x64xf32, #tpu.memory_space<vmem>>, vector<1x16xf32>,
        %mul3A_420 = arith.constant 4 : i32
        %mul3A_421 = arith.muli %scan3A_175, %mul3A_420 : i32
        %add3A_422 = arith.constant 3 : i32
        %add3A_423 = arith.addi %mul3A_421, %add3A_422 : i32
        %get3A_424 = arith.index_cast %add3A_423 : i32 to index
        %get3A_425 = arith.constant 0 : index
        %get3A_426 = tpu.vector_load %arg13[%get3A_424, %get3A_425] {strides = array<i32>} : memref<128x32xf32, #tpu.memory_space<vmem>>, vector<1x16xf32>,
        %get3A_427 = vector.shape_cast %get3A_426 : vector<1x16xf32> to vector<16xf32>
        %get3A_428 = arith.index_cast %add3A_423 : i32 to index
        %get3A_429 = arith.constant 0 : index
        %get3A_430 = tpu.vector_load %arg15[%get3A_428, %get3A_429] {strides = array<i32>} : memref<128x16xf32, #tpu.memory_space<vmem>>, vector<1x16xf32>,
        %get3A_431 = vector.shape_cast %get3A_430 : vector<1x16xf32> to vector<16xf32>
        %add3A_432 = arith.addf %get3A_427, %get3A_431 : vector<16xf32>
        %get3A_433 = arith.index_cast %add3A_423 : i32 to index
        %get3A_434 = arith.constant 0 : index
        %get3A_435 = tpu.vector_load %arg17[%get3A_433, %get3A_434] {strides = array<i32>} : memref<128x80xf32, #tpu.memory_space<vmem>>, vector<1x16xf32>,
        %get3A_436 = vector.shape_cast %get3A_435 : vector<1x16xf32> to vector<16xf32>
        %add3A_437 = arith.addf %add3A_432, %get3A_436 : vector<16xf32>
        %get3A_438 = arith.index_cast %add3A_423 : i32 to index
        %get3A_439 = arith.constant 16 : index
        %get3A_440 = tpu.vector_load %arg17[%get3A_438, %get3A_439] {strides = array<i32>} : memref<128x80xf32, #tpu.memory_space<vmem>>, vector<1x16xf32>,
        %get3A_441 = vector.shape_cast %get3A_440 : vector<1x16xf32> to vector<16xf32>
        %get3A_442 = arith.index_cast %add3A_423 : i32 to index
        %get3A_443 = arith.constant 32 : index
        %get3A_444 = tpu.vector_load %arg17[%get3A_442, %get3A_443] {strides = array<i32>} : memref<128x80xf32, #tpu.memory_space<vmem>>, vector<1x16xf32>,
        %get3A_445 = vector.shape_cast %get3A_444 : vector<1x16xf32> to vector<16xf32>
        %get3A_446 = arith.index_cast %add3A_423 : i32 to index
        %get3A_447 = arith.constant 48 : index
        %get3A_448 = tpu.vector_load %arg17[%get3A_446, %get3A_447] {strides = array<i32>} : memref<128x80xf32, #tpu.memory_space<vmem>>, vector<1x16xf32>,
        %get3A_449 = vector.shape_cast %get3A_448 : vector<1x16xf32> to vector<16xf32>
        %get3A_450 = arith.index_cast %add3A_423 : i32 to index
        %get3A_451 = arith.constant 64 : index
        %get3A_452 = tpu.vector_load %arg17[%get3A_450, %get3A_451] {strides = array<i32>} : memref<128x80xf32, #tpu.memory_space<vmem>>, vector<1x16xf32>,
        %get3A_453 = vector.shape_cast %get3A_452 : vector<1x16xf32> to vector<16xf32>
        %get3A_454 = arith.index_cast %add3A_423 : i32 to index
        %get3A_455 = arith.constant 16 : index
        %get3A_456 = tpu.vector_load %arg13[%get3A_454, %get3A_455] {strides = array<i32>} : memref<128x32xf32, #tpu.memory_space<vmem>>, vector<1x16xf32>,
        %get3A_457 = vector.shape_cast %get3A_456 : vector<1x16xf32> to vector<16xf32>
        %slice3A_458 = vector.extract_strided_slice %get3A_457 {offsets = [0], sizes = [1], strides = [1]} : vector<16xf32> to vector<1xf32>
        %squeeze3A_459 = vector.extract %slice3A_458[0] : f32 from vector<1xf32>
        %broadcast_in_dim3A_460 = vector.broadcast %squeeze3A_459 : f32 to vector<16xf32>
        %slice3A_461 = vector.extract_strided_slice %get3A_457 {offsets = [1], sizes = [1], strides = [1]} : vector<16xf32> to vector<1xf32>
        %squeeze3A_462 = vector.extract %slice3A_461[0] : f32 from vector<1xf32>
        %broadcast_in_dim3A_463 = vector.broadcast %squeeze3A_462 : f32 to vector<16xf32>
        %slice3A_464 = vector.extract_strided_slice %get3A_457 {offsets = [2], sizes = [1], strides = [1]} : vector<16xf32> to vector<1xf32>
        %squeeze3A_465 = vector.extract %slice3A_464[0] : f32 from vector<1xf32>
        %broadcast_in_dim3A_466 = vector.broadcast %squeeze3A_465 : f32 to vector<16xf32>
        %mul3A_467 = arith.mulf %broadcast_in_dim3A_460, %get3A_445 : vector<16xf32>
        %add3A_468 = arith.addf %get3A_441, %mul3A_467 : vector<16xf32>
        %mul3A_469 = arith.mulf %broadcast_in_dim3A_463, %get3A_449 : vector<16xf32>
        %add3A_470 = arith.addf %add3A_468, %mul3A_469 : vector<16xf32>
        %mul3A_471 = arith.mulf %broadcast_in_dim3A_466, %get3A_453 : vector<16xf32>
        %add3A_472 = arith.addf %add3A_470, %mul3A_471 : vector<16xf32>
        %mul3A_473 = arith.mulf %add3A_472, %add3A_437 : vector<16xf32>
        %swap3A_474 = arith.index_cast %add3A_423 : i32 to index
        %swap3A_475 = arith.constant 0 : index
        %swap3A_476 = tpu.vector_load %arg19[%swap3A_474, %swap3A_475] {strides = array<i32>} : memref<128x64xf32, #tpu.memory_space<vmem>>, vector<1x16xf32>,
        %swap3A_477 = vector.shape_cast %swap3A_476 : vector<1x16xf32> to vector<16xf32>
        %swap3A_478 = vector.shape_cast %mul3A_473 : vector<16xf32> to vector<1x16xf32>
        tpu.vector_store %arg19[%swap3A_474, %swap3A_475], %swap3A_478 {strides = array<i32>} : memref<128x64xf32, #tpu.memory_space<vmem>>, vector<1x16xf32>,
        %mul3A_479 = arith.mulf %broadcast_in_dim3A_460, %get3A_441 : vector<16xf32>
        %add3A_480 = arith.addf %get3A_445, %mul3A_479 : vector<16xf32>
        %mul3A_481 = arith.mulf %add3A_480, %add3A_437 : vector<16xf32>
        %swap3A_482 = arith.index_cast %add3A_423 : i32 to index
        %swap3A_483 = arith.constant 16 : index
        %swap3A_484 = tpu.vector_load %arg19[%swap3A_482, %swap3A_483] {strides = array<i32>} : memref<128x64xf32, #tpu.memory_space<vmem>>, vector<1x16xf32>,
        %swap3A_485 = vector.shape_cast %swap3A_484 : vector<1x16xf32> to vector<16xf32>
        %swap3A_486 = vector.shape_cast %mul3A_481 : vector<16xf32> to vector<1x16xf32>
        tpu.vector_store %arg19[%swap3A_482, %swap3A_483], %swap3A_486 {strides = array<i32>} : memref<128x64xf32, #tpu.memory_space<vmem>>, vector<1x16xf32>,
        %mul3A_487 = arith.mulf %broadcast_in_dim3A_463, %get3A_441 : vector<16xf32>
        %add3A_488 = arith.addf %get3A_449, %mul3A_487 : vector<16xf32>
        %mul3A_489 = arith.mulf %add3A_488, %add3A_437 : vector<16xf32>
        %swap3A_490 = arith.index_cast %add3A_423 : i32 to index
        %swap3A_491 = arith.constant 32 : index
        %swap3A_492 = tpu.vector_load %arg19[%swap3A_490, %swap3A_491] {strides = array<i32>} : memref<128x64xf32, #tpu.memory_space<vmem>>, vector<1x16xf32>,
        %swap3A_493 = vector.shape_cast %swap3A_492 : vector<1x16xf32> to vector<16xf32>
        %swap3A_494 = vector.shape_cast %mul3A_489 : vector<16xf32> to vector<1x16xf32>
        tpu.vector_store %arg19[%swap3A_490, %swap3A_491], %swap3A_494 {strides = array<i32>} : memref<128x64xf32, #tpu.memory_space<vmem>>, vector<1x16xf32>,
        %mul3A_495 = arith.mulf %broadcast_in_dim3A_466, %get3A_441 : vector<16xf32>
        %add3A_496 = arith.addf %get3A_453, %mul3A_495 : vector<16xf32>
        %mul3A_497 = arith.mulf %add3A_496, %add3A_437 : vector<16xf32>
        %swap3A_498 = arith.index_cast %add3A_423 : i32 to index
        %swap3A_499 = arith.constant 48 : index
        %swap3A_500 = tpu.vector_load %arg19[%swap3A_498, %swap3A_499] {strides = array<i32>} : memref<128x64xf32, #tpu.memory_space<vmem>>, vector<1x16xf32>,
        %swap3A_501 = vector.shape_cast %swap3A_500 : vector<1x16xf32> to vector<16xf32>
        %swap3A_502 = vector.shape_cast %mul3A_497 : vector<16xf32> to vector<1x16xf32>
        tpu.vector_store %arg19[%swap3A_498, %swap3A_499], %swap3A_502 {strides = array<i32>} : memref<128x64xf32, #tpu.memory_space<vmem>>, vector<1x16xf32>,
      }
      %scan3A_132 = arith.constant 32 : i32
      "tpu.region"() ({
        %run_scoped3A = tpu.sem_alloc : memref<!tpu.dma_semaphore, #tpu.memory_space<semaphore_mem>>
        %dma_start3A_175 = arith.constant 0 : i32
        %dma_start3A_176 = arith.constant 0 : i32
        %dma_start3A_177 = tpu.memref_slice %arg21[%dma_start3A_175, %dma_start3A_176] : memref<10240x64xf32, #tpu.memory_space<vmem_shared>> -> memref<10240x64xf32, #tpu.memory_space<vmem_shared>>
        tpu.enqueue_indirect_dma source(%arg19 : memref<128x64xf32, #tpu.memory_space<vmem>>) target(%dma_start3A_177 : memref<10240x64xf32, #tpu.memory_space<vmem_shared>>) offsets(%arg9 : memref<128xi32, #tpu.memory_space<vmem>>) semaphore(%run_scoped3A : memref<!tpu.dma_semaphore, #tpu.memory_space<semaphore_mem>>) {add = true}
        %dma_wait3A_178 = arith.constant 0 : i32
        %dma_wait3A_179 = arith.constant 0 : i32
        %dma_wait3A_180 = tpu.memref_slice %arg21[%dma_wait3A_178, %dma_wait3A_179] : memref<10240x64xf32, #tpu.memory_space<vmem_shared>> -> memref<10240x64xf32, #tpu.memory_space<vmem_shared>>
        tpu.wait_indirect_dma semaphore(%run_scoped3A : memref<!tpu.dma_semaphore, #tpu.memory_space<semaphore_mem>>) src(%arg19 : memref<128x64xf32, #tpu.memory_space<vmem>>) dst(%dma_wait3A_180 : memref<10240x64xf32, #tpu.memory_space<vmem_shared>>)
        tpu.yield
      }) : () -> ()
      %le3A = arith.constant 36 : i32
      %le3A_133 = arith.cmpi sle, %add3A_101, %le3A : i32
      %convert_element_type3A = arith.extui %le3A_133 : i1 to i32
      %cond3A = arith.constant 0 : i32
      %cond3A_134 = arith.cmpi ne, %convert_element_type3A, %cond3A : i32
      scf.if %cond3A_134 {
        %add3A_175 = arith.constant 2 : i32
        %add3A_176 = arith.addi %add3A_101, %add3A_175 : i32
        %mul3A_177 = arith.constant 128 : i32
        %mul3A_178 = arith.muli %add3A_176, %mul3A_177 : i32
        %add3A_179 = arith.addi %mul3A_2, %mul3A_178 : i32
        %dma_start3A_180 = tpu.memref_slice %arg5[%add3A_179] : memref<160000xi32, #tpu.memory_space<hbm>> -> memref<128xi32, #tpu.memory_space<hbm>>
        %dma_start3A_181 = tpu.memref_slice %arg5[%add3A_179] : memref<160000xi32, #tpu.memory_space<hbm>> -> memref<128xi32, #tpu.memory_space<hbm>>
        tpu.enqueue_dma source(%dma_start3A_181 : memref<128xi32, #tpu.memory_space<hbm>>) target(%arg9 : memref<128xi32, #tpu.memory_space<vmem>>) target_semaphore(%arg22 : memref<!tpu.dma_semaphore, #tpu.memory_space<semaphore_mem>>)
        %dma_start3A_182 = tpu.memref_slice %arg6[%add3A_179] : memref<160000xi32, #tpu.memory_space<hbm>> -> memref<128xi32, #tpu.memory_space<hbm>>
        %dma_start3A_183 = tpu.memref_slice %arg6[%add3A_179] : memref<160000xi32, #tpu.memory_space<hbm>> -> memref<128xi32, #tpu.memory_space<hbm>>
        tpu.enqueue_dma source(%dma_start3A_183 : memref<128xi32, #tpu.memory_space<hbm>>) target(%arg11 : memref<128xi32, #tpu.memory_space<vmem>>) target_semaphore(%arg22 : memref<!tpu.dma_semaphore, #tpu.memory_space<semaphore_mem>>)
        %dma_start3A_184 = arith.constant 0 : i32
        %dma_start3A_185 = tpu.memref_slice %arg4[%add3A_179, %dma_start3A_184] : memref<160000x128xf32, #tpu.memory_space<hbm>> -> memref<128x32xf32, #tpu.memory_space<hbm>>
        %dma_start3A_186 = arith.constant 0 : i32
        %dma_start3A_187 = tpu.memref_slice %arg4[%add3A_179, %dma_start3A_186] : memref<160000x128xf32, #tpu.memory_space<hbm>> -> memref<128x32xf32, #tpu.memory_space<hbm>>
        tpu.enqueue_dma source(%dma_start3A_187 : memref<128x32xf32, #tpu.memory_space<hbm>>) target(%arg13 : memref<128x32xf32, #tpu.memory_space<vmem>>) target_semaphore(%arg22 : memref<!tpu.dma_semaphore, #tpu.memory_space<semaphore_mem>>)
      } else {
      }
      %mul3A_135 = arith.constant 2 : i32
      %mul3A_136 = arith.muli %mul3A_135, %scan3A_97 : i32
      %add3A_137 = arith.constant 1 : i32
      %add3A_138 = arith.addi %mul3A_136, %add3A_137 : i32
      %add3A_139 = arith.constant 1 : i32
      %add3A_140 = arith.addi %add3A_138, %add3A_139 : i32
      %mul3A_141 = arith.constant 128 : i32
      %mul3A_142 = arith.muli %add3A_140, %mul3A_141 : i32
      %add3A_143 = arith.addi %mul3A_2, %mul3A_142 : i32
      %dma_wait3A_144 = tpu.memref_slice %arg5[%add3A_143] : memref<160000xi32, #tpu.memory_space<hbm>> -> memref<128xi32, #tpu.memory_space<hbm>>
      %dma_wait3A_145 = tpu.memref_slice %arg5[%add3A_143] : memref<160000xi32, #tpu.memory_space<hbm>> -> memref<128xi32, #tpu.memory_space<hbm>>
      tpu.wait_dma2 semaphore(%arg22 : memref<!tpu.dma_semaphore, #tpu.memory_space<semaphore_mem>>) src(%dma_wait3A_145 : memref<128xi32, #tpu.memory_space<hbm>>) dst(%arg9 : memref<128xi32, #tpu.memory_space<vmem>>)
      %dma_wait3A_146 = tpu.memref_slice %arg6[%add3A_143] : memref<160000xi32, #tpu.memory_space<hbm>> -> memref<128xi32, #tpu.memory_space<hbm>>
      %dma_wait3A_147 = tpu.memref_slice %arg6[%add3A_143] : memref<160000xi32, #tpu.memory_space<hbm>> -> memref<128xi32, #tpu.memory_space<hbm>>
      tpu.wait_dma2 semaphore(%arg22 : memref<!tpu.dma_semaphore, #tpu.memory_space<semaphore_mem>>) src(%dma_wait3A_147 : memref<128xi32, #tpu.memory_space<hbm>>) dst(%arg11 : memref<128xi32, #tpu.memory_space<vmem>>)
      %dma_wait3A_148 = arith.constant 0 : i32
      %dma_wait3A_149 = tpu.memref_slice %arg4[%add3A_143, %dma_wait3A_148] : memref<160000x128xf32, #tpu.memory_space<hbm>> -> memref<128x32xf32, #tpu.memory_space<hbm>>
      %dma_wait3A_150 = arith.constant 0 : i32
      %dma_wait3A_151 = tpu.memref_slice %arg4[%add3A_143, %dma_wait3A_150] : memref<160000x128xf32, #tpu.memory_space<hbm>> -> memref<128x32xf32, #tpu.memory_space<hbm>>
      tpu.wait_dma2 semaphore(%arg22 : memref<!tpu.dma_semaphore, #tpu.memory_space<semaphore_mem>>) src(%dma_wait3A_151 : memref<128x32xf32, #tpu.memory_space<hbm>>) dst(%arg13 : memref<128x32xf32, #tpu.memory_space<vmem>>)
      %dma_start3A_152 = arith.constant 0 : i32
      %dma_start3A_153 = arith.constant 0 : i32
      %dma_start3A_154 = tpu.memref_slice %arg2[%dma_start3A_152, %dma_start3A_153] : memref<10000x16xf32, #tpu.memory_space<hbm>> -> memref<10000x16xf32, #tpu.memory_space<hbm>>
      tpu.enqueue_indirect_dma source(%dma_start3A_154 : memref<10000x16xf32, #tpu.memory_space<hbm>>) target(%arg15 : memref<128x16xf32, #tpu.memory_space<vmem>>) offsets(%arg9 : memref<128xi32, #tpu.memory_space<vmem>>) semaphore(%arg24 : memref<!tpu.dma_semaphore, #tpu.memory_space<semaphore_mem>>)
      %dma_start3A_155 = arith.constant 0 : i32
      %dma_start3A_156 = arith.constant 0 : i32
      %dma_start3A_157 = tpu.memref_slice %arg3[%dma_start3A_155, %dma_start3A_156] : memref<10000x80xf32, #tpu.memory_space<hbm>> -> memref<10000x80xf32, #tpu.memory_space<hbm>>
      tpu.enqueue_indirect_dma source(%dma_start3A_157 : memref<10000x80xf32, #tpu.memory_space<hbm>>) target(%arg17 : memref<128x80xf32, #tpu.memory_space<vmem>>) offsets(%arg11 : memref<128xi32, #tpu.memory_space<vmem>>) semaphore(%arg24 : memref<!tpu.dma_semaphore, #tpu.memory_space<semaphore_mem>>)
      %dma_wait3A_158 = arith.constant 0 : i32
      %dma_wait3A_159 = arith.constant 0 : i32
      %dma_wait3A_160 = tpu.memref_slice %arg2[%dma_wait3A_158, %dma_wait3A_159] : memref<10000x16xf32, #tpu.memory_space<hbm>> -> memref<10000x16xf32, #tpu.memory_space<hbm>>
      tpu.wait_indirect_dma semaphore(%arg25 : memref<!tpu.dma_semaphore, #tpu.memory_space<semaphore_mem>>) src(%dma_wait3A_160 : memref<10000x16xf32, #tpu.memory_space<hbm>>) dst(%arg16 : memref<128x16xf32, #tpu.memory_space<vmem>>)
      %dma_wait3A_161 = arith.constant 0 : i32
      %dma_wait3A_162 = arith.constant 0 : i32
      %dma_wait3A_163 = tpu.memref_slice %arg3[%dma_wait3A_161, %dma_wait3A_162] : memref<10000x80xf32, #tpu.memory_space<hbm>> -> memref<10000x80xf32, #tpu.memory_space<hbm>>
      tpu.wait_indirect_dma semaphore(%arg25 : memref<!tpu.dma_semaphore, #tpu.memory_space<semaphore_mem>>) src(%dma_wait3A_163 : memref<10000x80xf32, #tpu.memory_space<hbm>>) dst(%arg18 : memref<128x80xf32, #tpu.memory_space<vmem>>)
      %scan3A_164 = arith.constant 0 : i32
      %scan3A_165 = arith.constant 0 : i32
      %scan3A_166 = arith.constant 32 : i32
      %scan3A_167 = arith.addi %scan3A_165, %scan3A_166 : i32
      %scan3A_168 = arith.constant 1 : i32
      scf.for %scan3A_175 = %scan3A_165 to %scan3A_167 step %scan3A_168  : i32 {
        %mul3A_176 = arith.constant 4 : i32
        %mul3A_177 = arith.muli %scan3A_175, %mul3A_176 : i32
        %add3A_178 = arith.constant 0 : i32
        %add3A_179 = arith.addi %mul3A_177, %add3A_178 : i32
        %get3A = arith.index_cast %add3A_179 : i32 to index
        %get3A_180 = arith.constant 0 : index
        %get3A_181 = tpu.vector_load %arg14[%get3A, %get3A_180] {strides = array<i32>} : memref<128x32xf32, #tpu.memory_space<vmem>>, vector<1x16xf32>,
        %get3A_182 = vector.shape_cast %get3A_181 : vector<1x16xf32> to vector<16xf32>
        %get3A_183 = arith.index_cast %add3A_179 : i32 to index
        %get3A_184 = arith.constant 0 : index
        %get3A_185 = tpu.vector_load %arg16[%get3A_183, %get3A_184] {strides = array<i32>} : memref<128x16xf32, #tpu.memory_space<vmem>>, vector<1x16xf32>,
        %get3A_186 = vector.shape_cast %get3A_185 : vector<1x16xf32> to vector<16xf32>
        %add3A_187 = arith.addf %get3A_182, %get3A_186 : vector<16xf32>
        %get3A_188 = arith.index_cast %add3A_179 : i32 to index
        %get3A_189 = arith.constant 0 : index
        %get3A_190 = tpu.vector_load %arg18[%get3A_188, %get3A_189] {strides = array<i32>} : memref<128x80xf32, #tpu.memory_space<vmem>>, vector<1x16xf32>,
        %get3A_191 = vector.shape_cast %get3A_190 : vector<1x16xf32> to vector<16xf32>
        %add3A_192 = arith.addf %add3A_187, %get3A_191 : vector<16xf32>
        %get3A_193 = arith.index_cast %add3A_179 : i32 to index
        %get3A_194 = arith.constant 16 : index
        %get3A_195 = tpu.vector_load %arg18[%get3A_193, %get3A_194] {strides = array<i32>} : memref<128x80xf32, #tpu.memory_space<vmem>>, vector<1x16xf32>,
        %get3A_196 = vector.shape_cast %get3A_195 : vector<1x16xf32> to vector<16xf32>
        %get3A_197 = arith.index_cast %add3A_179 : i32 to index
        %get3A_198 = arith.constant 32 : index
        %get3A_199 = tpu.vector_load %arg18[%get3A_197, %get3A_198] {strides = array<i32>} : memref<128x80xf32, #tpu.memory_space<vmem>>, vector<1x16xf32>,
        %get3A_200 = vector.shape_cast %get3A_199 : vector<1x16xf32> to vector<16xf32>
        %get3A_201 = arith.index_cast %add3A_179 : i32 to index
        %get3A_202 = arith.constant 48 : index
        %get3A_203 = tpu.vector_load %arg18[%get3A_201, %get3A_202] {strides = array<i32>} : memref<128x80xf32, #tpu.memory_space<vmem>>, vector<1x16xf32>,
        %get3A_204 = vector.shape_cast %get3A_203 : vector<1x16xf32> to vector<16xf32>
        %get3A_205 = arith.index_cast %add3A_179 : i32 to index
        %get3A_206 = arith.constant 64 : index
        %get3A_207 = tpu.vector_load %arg18[%get3A_205, %get3A_206] {strides = array<i32>} : memref<128x80xf32, #tpu.memory_space<vmem>>, vector<1x16xf32>,
        %get3A_208 = vector.shape_cast %get3A_207 : vector<1x16xf32> to vector<16xf32>
        %get3A_209 = arith.index_cast %add3A_179 : i32 to index
        %get3A_210 = arith.constant 16 : index
        %get3A_211 = tpu.vector_load %arg14[%get3A_209, %get3A_210] {strides = array<i32>} : memref<128x32xf32, #tpu.memory_space<vmem>>, vector<1x16xf32>,
        %get3A_212 = vector.shape_cast %get3A_211 : vector<1x16xf32> to vector<16xf32>
        %slice3A = vector.extract_strided_slice %get3A_212 {offsets = [0], sizes = [1], strides = [1]} : vector<16xf32> to vector<1xf32>
        %squeeze3A = vector.extract %slice3A[0] : f32 from vector<1xf32>
        %broadcast_in_dim3A = vector.broadcast %squeeze3A : f32 to vector<16xf32>
        %slice3A_213 = vector.extract_strided_slice %get3A_212 {offsets = [1], sizes = [1], strides = [1]} : vector<16xf32> to vector<1xf32>
        %squeeze3A_214 = vector.extract %slice3A_213[0] : f32 from vector<1xf32>
        %broadcast_in_dim3A_215 = vector.broadcast %squeeze3A_214 : f32 to vector<16xf32>
        %slice3A_216 = vector.extract_strided_slice %get3A_212 {offsets = [2], sizes = [1], strides = [1]} : vector<16xf32> to vector<1xf32>
        %squeeze3A_217 = vector.extract %slice3A_216[0] : f32 from vector<1xf32>
        %broadcast_in_dim3A_218 = vector.broadcast %squeeze3A_217 : f32 to vector<16xf32>
        %mul3A_219 = arith.mulf %broadcast_in_dim3A, %get3A_200 : vector<16xf32>
        %add3A_220 = arith.addf %get3A_196, %mul3A_219 : vector<16xf32>
        %mul3A_221 = arith.mulf %broadcast_in_dim3A_215, %get3A_204 : vector<16xf32>
        %add3A_222 = arith.addf %add3A_220, %mul3A_221 : vector<16xf32>
        %mul3A_223 = arith.mulf %broadcast_in_dim3A_218, %get3A_208 : vector<16xf32>
        %add3A_224 = arith.addf %add3A_222, %mul3A_223 : vector<16xf32>
        %mul3A_225 = arith.mulf %add3A_224, %add3A_192 : vector<16xf32>
        %swap3A = arith.index_cast %add3A_179 : i32 to index
        %swap3A_226 = arith.constant 0 : index
        %swap3A_227 = tpu.vector_load %arg19[%swap3A, %swap3A_226] {strides = array<i32>} : memref<128x64xf32, #tpu.memory_space<vmem>>, vector<1x16xf32>,
        %swap3A_228 = vector.shape_cast %swap3A_227 : vector<1x16xf32> to vector<16xf32>
        %swap3A_229 = vector.shape_cast %mul3A_225 : vector<16xf32> to vector<1x16xf32>
        tpu.vector_store %arg19[%swap3A, %swap3A_226], %swap3A_229 {strides = array<i32>} : memref<128x64xf32, #tpu.memory_space<vmem>>, vector<1x16xf32>,
        %mul3A_230 = arith.mulf %broadcast_in_dim3A, %get3A_196 : vector<16xf32>
        %add3A_231 = arith.addf %get3A_200, %mul3A_230 : vector<16xf32>
        %mul3A_232 = arith.mulf %add3A_231, %add3A_192 : vector<16xf32>
        %swap3A_233 = arith.index_cast %add3A_179 : i32 to index
        %swap3A_234 = arith.constant 16 : index
        %swap3A_235 = tpu.vector_load %arg19[%swap3A_233, %swap3A_234] {strides = array<i32>} : memref<128x64xf32, #tpu.memory_space<vmem>>, vector<1x16xf32>,
        %swap3A_236 = vector.shape_cast %swap3A_235 : vector<1x16xf32> to vector<16xf32>
        %swap3A_237 = vector.shape_cast %mul3A_232 : vector<16xf32> to vector<1x16xf32>
        tpu.vector_store %arg19[%swap3A_233, %swap3A_234], %swap3A_237 {strides = array<i32>} : memref<128x64xf32, #tpu.memory_space<vmem>>, vector<1x16xf32>,
        %mul3A_238 = arith.mulf %broadcast_in_dim3A_215, %get3A_196 : vector<16xf32>
        %add3A_239 = arith.addf %get3A_204, %mul3A_238 : vector<16xf32>
        %mul3A_240 = arith.mulf %add3A_239, %add3A_192 : vector<16xf32>
        %swap3A_241 = arith.index_cast %add3A_179 : i32 to index
        %swap3A_242 = arith.constant 32 : index
        %swap3A_243 = tpu.vector_load %arg19[%swap3A_241, %swap3A_242] {strides = array<i32>} : memref<128x64xf32, #tpu.memory_space<vmem>>, vector<1x16xf32>,
        %swap3A_244 = vector.shape_cast %swap3A_243 : vector<1x16xf32> to vector<16xf32>
        %swap3A_245 = vector.shape_cast %mul3A_240 : vector<16xf32> to vector<1x16xf32>
        tpu.vector_store %arg19[%swap3A_241, %swap3A_242], %swap3A_245 {strides = array<i32>} : memref<128x64xf32, #tpu.memory_space<vmem>>, vector<1x16xf32>,
        %mul3A_246 = arith.mulf %broadcast_in_dim3A_218, %get3A_196 : vector<16xf32>
        %add3A_247 = arith.addf %get3A_208, %mul3A_246 : vector<16xf32>
        %mul3A_248 = arith.mulf %add3A_247, %add3A_192 : vector<16xf32>
        %swap3A_249 = arith.index_cast %add3A_179 : i32 to index
        %swap3A_250 = arith.constant 48 : index
        %swap3A_251 = tpu.vector_load %arg19[%swap3A_249, %swap3A_250] {strides = array<i32>} : memref<128x64xf32, #tpu.memory_space<vmem>>, vector<1x16xf32>,
        %swap3A_252 = vector.shape_cast %swap3A_251 : vector<1x16xf32> to vector<16xf32>
        %swap3A_253 = vector.shape_cast %mul3A_248 : vector<16xf32> to vector<1x16xf32>
        tpu.vector_store %arg19[%swap3A_249, %swap3A_250], %swap3A_253 {strides = array<i32>} : memref<128x64xf32, #tpu.memory_space<vmem>>, vector<1x16xf32>,
        %mul3A_254 = arith.constant 4 : i32
        %mul3A_255 = arith.muli %scan3A_175, %mul3A_254 : i32
        %add3A_256 = arith.constant 1 : i32
        %add3A_257 = arith.addi %mul3A_255, %add3A_256 : i32
        %get3A_258 = arith.index_cast %add3A_257 : i32 to index
        %get3A_259 = arith.constant 0 : index
        %get3A_260 = tpu.vector_load %arg14[%get3A_258, %get3A_259] {strides = array<i32>} : memref<128x32xf32, #tpu.memory_space<vmem>>, vector<1x16xf32>,
        %get3A_261 = vector.shape_cast %get3A_260 : vector<1x16xf32> to vector<16xf32>
        %get3A_262 = arith.index_cast %add3A_257 : i32 to index
        %get3A_263 = arith.constant 0 : index
        %get3A_264 = tpu.vector_load %arg16[%get3A_262, %get3A_263] {strides = array<i32>} : memref<128x16xf32, #tpu.memory_space<vmem>>, vector<1x16xf32>,
        %get3A_265 = vector.shape_cast %get3A_264 : vector<1x16xf32> to vector<16xf32>
        %add3A_266 = arith.addf %get3A_261, %get3A_265 : vector<16xf32>
        %get3A_267 = arith.index_cast %add3A_257 : i32 to index
        %get3A_268 = arith.constant 0 : index
        %get3A_269 = tpu.vector_load %arg18[%get3A_267, %get3A_268] {strides = array<i32>} : memref<128x80xf32, #tpu.memory_space<vmem>>, vector<1x16xf32>,
        %get3A_270 = vector.shape_cast %get3A_269 : vector<1x16xf32> to vector<16xf32>
        %add3A_271 = arith.addf %add3A_266, %get3A_270 : vector<16xf32>
        %get3A_272 = arith.index_cast %add3A_257 : i32 to index
        %get3A_273 = arith.constant 16 : index
        %get3A_274 = tpu.vector_load %arg18[%get3A_272, %get3A_273] {strides = array<i32>} : memref<128x80xf32, #tpu.memory_space<vmem>>, vector<1x16xf32>,
        %get3A_275 = vector.shape_cast %get3A_274 : vector<1x16xf32> to vector<16xf32>
        %get3A_276 = arith.index_cast %add3A_257 : i32 to index
        %get3A_277 = arith.constant 32 : index
        %get3A_278 = tpu.vector_load %arg18[%get3A_276, %get3A_277] {strides = array<i32>} : memref<128x80xf32, #tpu.memory_space<vmem>>, vector<1x16xf32>,
        %get3A_279 = vector.shape_cast %get3A_278 : vector<1x16xf32> to vector<16xf32>
        %get3A_280 = arith.index_cast %add3A_257 : i32 to index
        %get3A_281 = arith.constant 48 : index
        %get3A_282 = tpu.vector_load %arg18[%get3A_280, %get3A_281] {strides = array<i32>} : memref<128x80xf32, #tpu.memory_space<vmem>>, vector<1x16xf32>,
        %get3A_283 = vector.shape_cast %get3A_282 : vector<1x16xf32> to vector<16xf32>
        %get3A_284 = arith.index_cast %add3A_257 : i32 to index
        %get3A_285 = arith.constant 64 : index
        %get3A_286 = tpu.vector_load %arg18[%get3A_284, %get3A_285] {strides = array<i32>} : memref<128x80xf32, #tpu.memory_space<vmem>>, vector<1x16xf32>,
        %get3A_287 = vector.shape_cast %get3A_286 : vector<1x16xf32> to vector<16xf32>
        %get3A_288 = arith.index_cast %add3A_257 : i32 to index
        %get3A_289 = arith.constant 16 : index
        %get3A_290 = tpu.vector_load %arg14[%get3A_288, %get3A_289] {strides = array<i32>} : memref<128x32xf32, #tpu.memory_space<vmem>>, vector<1x16xf32>,
        %get3A_291 = vector.shape_cast %get3A_290 : vector<1x16xf32> to vector<16xf32>
        %slice3A_292 = vector.extract_strided_slice %get3A_291 {offsets = [0], sizes = [1], strides = [1]} : vector<16xf32> to vector<1xf32>
        %squeeze3A_293 = vector.extract %slice3A_292[0] : f32 from vector<1xf32>
        %broadcast_in_dim3A_294 = vector.broadcast %squeeze3A_293 : f32 to vector<16xf32>
        %slice3A_295 = vector.extract_strided_slice %get3A_291 {offsets = [1], sizes = [1], strides = [1]} : vector<16xf32> to vector<1xf32>
        %squeeze3A_296 = vector.extract %slice3A_295[0] : f32 from vector<1xf32>
        %broadcast_in_dim3A_297 = vector.broadcast %squeeze3A_296 : f32 to vector<16xf32>
        %slice3A_298 = vector.extract_strided_slice %get3A_291 {offsets = [2], sizes = [1], strides = [1]} : vector<16xf32> to vector<1xf32>
        %squeeze3A_299 = vector.extract %slice3A_298[0] : f32 from vector<1xf32>
        %broadcast_in_dim3A_300 = vector.broadcast %squeeze3A_299 : f32 to vector<16xf32>
        %mul3A_301 = arith.mulf %broadcast_in_dim3A_294, %get3A_279 : vector<16xf32>
        %add3A_302 = arith.addf %get3A_275, %mul3A_301 : vector<16xf32>
        %mul3A_303 = arith.mulf %broadcast_in_dim3A_297, %get3A_283 : vector<16xf32>
        %add3A_304 = arith.addf %add3A_302, %mul3A_303 : vector<16xf32>
        %mul3A_305 = arith.mulf %broadcast_in_dim3A_300, %get3A_287 : vector<16xf32>
        %add3A_306 = arith.addf %add3A_304, %mul3A_305 : vector<16xf32>
        %mul3A_307 = arith.mulf %add3A_306, %add3A_271 : vector<16xf32>
        %swap3A_308 = arith.index_cast %add3A_257 : i32 to index
        %swap3A_309 = arith.constant 0 : index
        %swap3A_310 = tpu.vector_load %arg19[%swap3A_308, %swap3A_309] {strides = array<i32>} : memref<128x64xf32, #tpu.memory_space<vmem>>, vector<1x16xf32>,
        %swap3A_311 = vector.shape_cast %swap3A_310 : vector<1x16xf32> to vector<16xf32>
        %swap3A_312 = vector.shape_cast %mul3A_307 : vector<16xf32> to vector<1x16xf32>
        tpu.vector_store %arg19[%swap3A_308, %swap3A_309], %swap3A_312 {strides = array<i32>} : memref<128x64xf32, #tpu.memory_space<vmem>>, vector<1x16xf32>,
        %mul3A_313 = arith.mulf %broadcast_in_dim3A_294, %get3A_275 : vector<16xf32>
        %add3A_314 = arith.addf %get3A_279, %mul3A_313 : vector<16xf32>
        %mul3A_315 = arith.mulf %add3A_314, %add3A_271 : vector<16xf32>
        %swap3A_316 = arith.index_cast %add3A_257 : i32 to index
        %swap3A_317 = arith.constant 16 : index
        %swap3A_318 = tpu.vector_load %arg19[%swap3A_316, %swap3A_317] {strides = array<i32>} : memref<128x64xf32, #tpu.memory_space<vmem>>, vector<1x16xf32>,
        %swap3A_319 = vector.shape_cast %swap3A_318 : vector<1x16xf32> to vector<16xf32>
        %swap3A_320 = vector.shape_cast %mul3A_315 : vector<16xf32> to vector<1x16xf32>
        tpu.vector_store %arg19[%swap3A_316, %swap3A_317], %swap3A_320 {strides = array<i32>} : memref<128x64xf32, #tpu.memory_space<vmem>>, vector<1x16xf32>,
        %mul3A_321 = arith.mulf %broadcast_in_dim3A_297, %get3A_275 : vector<16xf32>
        %add3A_322 = arith.addf %get3A_283, %mul3A_321 : vector<16xf32>
        %mul3A_323 = arith.mulf %add3A_322, %add3A_271 : vector<16xf32>
        %swap3A_324 = arith.index_cast %add3A_257 : i32 to index
        %swap3A_325 = arith.constant 32 : index
        %swap3A_326 = tpu.vector_load %arg19[%swap3A_324, %swap3A_325] {strides = array<i32>} : memref<128x64xf32, #tpu.memory_space<vmem>>, vector<1x16xf32>,
        %swap3A_327 = vector.shape_cast %swap3A_326 : vector<1x16xf32> to vector<16xf32>
        %swap3A_328 = vector.shape_cast %mul3A_323 : vector<16xf32> to vector<1x16xf32>
        tpu.vector_store %arg19[%swap3A_324, %swap3A_325], %swap3A_328 {strides = array<i32>} : memref<128x64xf32, #tpu.memory_space<vmem>>, vector<1x16xf32>,
        %mul3A_329 = arith.mulf %broadcast_in_dim3A_300, %get3A_275 : vector<16xf32>
        %add3A_330 = arith.addf %get3A_287, %mul3A_329 : vector<16xf32>
        %mul3A_331 = arith.mulf %add3A_330, %add3A_271 : vector<16xf32>
        %swap3A_332 = arith.index_cast %add3A_257 : i32 to index
        %swap3A_333 = arith.constant 48 : index
        %swap3A_334 = tpu.vector_load %arg19[%swap3A_332, %swap3A_333] {strides = array<i32>} : memref<128x64xf32, #tpu.memory_space<vmem>>, vector<1x16xf32>,
        %swap3A_335 = vector.shape_cast %swap3A_334 : vector<1x16xf32> to vector<16xf32>
        %swap3A_336 = vector.shape_cast %mul3A_331 : vector<16xf32> to vector<1x16xf32>
        tpu.vector_store %arg19[%swap3A_332, %swap3A_333], %swap3A_336 {strides = array<i32>} : memref<128x64xf32, #tpu.memory_space<vmem>>, vector<1x16xf32>,
        %mul3A_337 = arith.constant 4 : i32
        %mul3A_338 = arith.muli %scan3A_175, %mul3A_337 : i32
        %add3A_339 = arith.constant 2 : i32
        %add3A_340 = arith.addi %mul3A_338, %add3A_339 : i32
        %get3A_341 = arith.index_cast %add3A_340 : i32 to index
        %get3A_342 = arith.constant 0 : index
        %get3A_343 = tpu.vector_load %arg14[%get3A_341, %get3A_342] {strides = array<i32>} : memref<128x32xf32, #tpu.memory_space<vmem>>, vector<1x16xf32>,
        %get3A_344 = vector.shape_cast %get3A_343 : vector<1x16xf32> to vector<16xf32>
        %get3A_345 = arith.index_cast %add3A_340 : i32 to index
        %get3A_346 = arith.constant 0 : index
        %get3A_347 = tpu.vector_load %arg16[%get3A_345, %get3A_346] {strides = array<i32>} : memref<128x16xf32, #tpu.memory_space<vmem>>, vector<1x16xf32>,
        %get3A_348 = vector.shape_cast %get3A_347 : vector<1x16xf32> to vector<16xf32>
        %add3A_349 = arith.addf %get3A_344, %get3A_348 : vector<16xf32>
        %get3A_350 = arith.index_cast %add3A_340 : i32 to index
        %get3A_351 = arith.constant 0 : index
        %get3A_352 = tpu.vector_load %arg18[%get3A_350, %get3A_351] {strides = array<i32>} : memref<128x80xf32, #tpu.memory_space<vmem>>, vector<1x16xf32>,
        %get3A_353 = vector.shape_cast %get3A_352 : vector<1x16xf32> to vector<16xf32>
        %add3A_354 = arith.addf %add3A_349, %get3A_353 : vector<16xf32>
        %get3A_355 = arith.index_cast %add3A_340 : i32 to index
        %get3A_356 = arith.constant 16 : index
        %get3A_357 = tpu.vector_load %arg18[%get3A_355, %get3A_356] {strides = array<i32>} : memref<128x80xf32, #tpu.memory_space<vmem>>, vector<1x16xf32>,
        %get3A_358 = vector.shape_cast %get3A_357 : vector<1x16xf32> to vector<16xf32>
        %get3A_359 = arith.index_cast %add3A_340 : i32 to index
        %get3A_360 = arith.constant 32 : index
        %get3A_361 = tpu.vector_load %arg18[%get3A_359, %get3A_360] {strides = array<i32>} : memref<128x80xf32, #tpu.memory_space<vmem>>, vector<1x16xf32>,
        %get3A_362 = vector.shape_cast %get3A_361 : vector<1x16xf32> to vector<16xf32>
        %get3A_363 = arith.index_cast %add3A_340 : i32 to index
        %get3A_364 = arith.constant 48 : index
        %get3A_365 = tpu.vector_load %arg18[%get3A_363, %get3A_364] {strides = array<i32>} : memref<128x80xf32, #tpu.memory_space<vmem>>, vector<1x16xf32>,
        %get3A_366 = vector.shape_cast %get3A_365 : vector<1x16xf32> to vector<16xf32>
        %get3A_367 = arith.index_cast %add3A_340 : i32 to index
        %get3A_368 = arith.constant 64 : index
        %get3A_369 = tpu.vector_load %arg18[%get3A_367, %get3A_368] {strides = array<i32>} : memref<128x80xf32, #tpu.memory_space<vmem>>, vector<1x16xf32>,
        %get3A_370 = vector.shape_cast %get3A_369 : vector<1x16xf32> to vector<16xf32>
        %get3A_371 = arith.index_cast %add3A_340 : i32 to index
        %get3A_372 = arith.constant 16 : index
        %get3A_373 = tpu.vector_load %arg14[%get3A_371, %get3A_372] {strides = array<i32>} : memref<128x32xf32, #tpu.memory_space<vmem>>, vector<1x16xf32>,
        %get3A_374 = vector.shape_cast %get3A_373 : vector<1x16xf32> to vector<16xf32>
        %slice3A_375 = vector.extract_strided_slice %get3A_374 {offsets = [0], sizes = [1], strides = [1]} : vector<16xf32> to vector<1xf32>
        %squeeze3A_376 = vector.extract %slice3A_375[0] : f32 from vector<1xf32>
        %broadcast_in_dim3A_377 = vector.broadcast %squeeze3A_376 : f32 to vector<16xf32>
        %slice3A_378 = vector.extract_strided_slice %get3A_374 {offsets = [1], sizes = [1], strides = [1]} : vector<16xf32> to vector<1xf32>
        %squeeze3A_379 = vector.extract %slice3A_378[0] : f32 from vector<1xf32>
        %broadcast_in_dim3A_380 = vector.broadcast %squeeze3A_379 : f32 to vector<16xf32>
        %slice3A_381 = vector.extract_strided_slice %get3A_374 {offsets = [2], sizes = [1], strides = [1]} : vector<16xf32> to vector<1xf32>
        %squeeze3A_382 = vector.extract %slice3A_381[0] : f32 from vector<1xf32>
        %broadcast_in_dim3A_383 = vector.broadcast %squeeze3A_382 : f32 to vector<16xf32>
        %mul3A_384 = arith.mulf %broadcast_in_dim3A_377, %get3A_362 : vector<16xf32>
        %add3A_385 = arith.addf %get3A_358, %mul3A_384 : vector<16xf32>
        %mul3A_386 = arith.mulf %broadcast_in_dim3A_380, %get3A_366 : vector<16xf32>
        %add3A_387 = arith.addf %add3A_385, %mul3A_386 : vector<16xf32>
        %mul3A_388 = arith.mulf %broadcast_in_dim3A_383, %get3A_370 : vector<16xf32>
        %add3A_389 = arith.addf %add3A_387, %mul3A_388 : vector<16xf32>
        %mul3A_390 = arith.mulf %add3A_389, %add3A_354 : vector<16xf32>
        %swap3A_391 = arith.index_cast %add3A_340 : i32 to index
        %swap3A_392 = arith.constant 0 : index
        %swap3A_393 = tpu.vector_load %arg19[%swap3A_391, %swap3A_392] {strides = array<i32>} : memref<128x64xf32, #tpu.memory_space<vmem>>, vector<1x16xf32>,
        %swap3A_394 = vector.shape_cast %swap3A_393 : vector<1x16xf32> to vector<16xf32>
        %swap3A_395 = vector.shape_cast %mul3A_390 : vector<16xf32> to vector<1x16xf32>
        tpu.vector_store %arg19[%swap3A_391, %swap3A_392], %swap3A_395 {strides = array<i32>} : memref<128x64xf32, #tpu.memory_space<vmem>>, vector<1x16xf32>,
        %mul3A_396 = arith.mulf %broadcast_in_dim3A_377, %get3A_358 : vector<16xf32>
        %add3A_397 = arith.addf %get3A_362, %mul3A_396 : vector<16xf32>
        %mul3A_398 = arith.mulf %add3A_397, %add3A_354 : vector<16xf32>
        %swap3A_399 = arith.index_cast %add3A_340 : i32 to index
        %swap3A_400 = arith.constant 16 : index
        %swap3A_401 = tpu.vector_load %arg19[%swap3A_399, %swap3A_400] {strides = array<i32>} : memref<128x64xf32, #tpu.memory_space<vmem>>, vector<1x16xf32>,
        %swap3A_402 = vector.shape_cast %swap3A_401 : vector<1x16xf32> to vector<16xf32>
        %swap3A_403 = vector.shape_cast %mul3A_398 : vector<16xf32> to vector<1x16xf32>
        tpu.vector_store %arg19[%swap3A_399, %swap3A_400], %swap3A_403 {strides = array<i32>} : memref<128x64xf32, #tpu.memory_space<vmem>>, vector<1x16xf32>,
        %mul3A_404 = arith.mulf %broadcast_in_dim3A_380, %get3A_358 : vector<16xf32>
        %add3A_405 = arith.addf %get3A_366, %mul3A_404 : vector<16xf32>
        %mul3A_406 = arith.mulf %add3A_405, %add3A_354 : vector<16xf32>
        %swap3A_407 = arith.index_cast %add3A_340 : i32 to index
        %swap3A_408 = arith.constant 32 : index
        %swap3A_409 = tpu.vector_load %arg19[%swap3A_407, %swap3A_408] {strides = array<i32>} : memref<128x64xf32, #tpu.memory_space<vmem>>, vector<1x16xf32>,
        %swap3A_410 = vector.shape_cast %swap3A_409 : vector<1x16xf32> to vector<16xf32>
        %swap3A_411 = vector.shape_cast %mul3A_406 : vector<16xf32> to vector<1x16xf32>
        tpu.vector_store %arg19[%swap3A_407, %swap3A_408], %swap3A_411 {strides = array<i32>} : memref<128x64xf32, #tpu.memory_space<vmem>>, vector<1x16xf32>,
        %mul3A_412 = arith.mulf %broadcast_in_dim3A_383, %get3A_358 : vector<16xf32>
        %add3A_413 = arith.addf %get3A_370, %mul3A_412 : vector<16xf32>
        %mul3A_414 = arith.mulf %add3A_413, %add3A_354 : vector<16xf32>
        %swap3A_415 = arith.index_cast %add3A_340 : i32 to index
        %swap3A_416 = arith.constant 48 : index
        %swap3A_417 = tpu.vector_load %arg19[%swap3A_415, %swap3A_416] {strides = array<i32>} : memref<128x64xf32, #tpu.memory_space<vmem>>, vector<1x16xf32>,
        %swap3A_418 = vector.shape_cast %swap3A_417 : vector<1x16xf32> to vector<16xf32>
        %swap3A_419 = vector.shape_cast %mul3A_414 : vector<16xf32> to vector<1x16xf32>
        tpu.vector_store %arg19[%swap3A_415, %swap3A_416], %swap3A_419 {strides = array<i32>} : memref<128x64xf32, #tpu.memory_space<vmem>>, vector<1x16xf32>,
        %mul3A_420 = arith.constant 4 : i32
        %mul3A_421 = arith.muli %scan3A_175, %mul3A_420 : i32
        %add3A_422 = arith.constant 3 : i32
        %add3A_423 = arith.addi %mul3A_421, %add3A_422 : i32
        %get3A_424 = arith.index_cast %add3A_423 : i32 to index
        %get3A_425 = arith.constant 0 : index
        %get3A_426 = tpu.vector_load %arg14[%get3A_424, %get3A_425] {strides = array<i32>} : memref<128x32xf32, #tpu.memory_space<vmem>>, vector<1x16xf32>,
        %get3A_427 = vector.shape_cast %get3A_426 : vector<1x16xf32> to vector<16xf32>
        %get3A_428 = arith.index_cast %add3A_423 : i32 to index
        %get3A_429 = arith.constant 0 : index
        %get3A_430 = tpu.vector_load %arg16[%get3A_428, %get3A_429] {strides = array<i32>} : memref<128x16xf32, #tpu.memory_space<vmem>>, vector<1x16xf32>,
        %get3A_431 = vector.shape_cast %get3A_430 : vector<1x16xf32> to vector<16xf32>
        %add3A_432 = arith.addf %get3A_427, %get3A_431 : vector<16xf32>
        %get3A_433 = arith.index_cast %add3A_423 : i32 to index
        %get3A_434 = arith.constant 0 : index
        %get3A_435 = tpu.vector_load %arg18[%get3A_433, %get3A_434] {strides = array<i32>} : memref<128x80xf32, #tpu.memory_space<vmem>>, vector<1x16xf32>,
        %get3A_436 = vector.shape_cast %get3A_435 : vector<1x16xf32> to vector<16xf32>
        %add3A_437 = arith.addf %add3A_432, %get3A_436 : vector<16xf32>
        %get3A_438 = arith.index_cast %add3A_423 : i32 to index
        %get3A_439 = arith.constant 16 : index
        %get3A_440 = tpu.vector_load %arg18[%get3A_438, %get3A_439] {strides = array<i32>} : memref<128x80xf32, #tpu.memory_space<vmem>>, vector<1x16xf32>,
        %get3A_441 = vector.shape_cast %get3A_440 : vector<1x16xf32> to vector<16xf32>
        %get3A_442 = arith.index_cast %add3A_423 : i32 to index
        %get3A_443 = arith.constant 32 : index
        %get3A_444 = tpu.vector_load %arg18[%get3A_442, %get3A_443] {strides = array<i32>} : memref<128x80xf32, #tpu.memory_space<vmem>>, vector<1x16xf32>,
        %get3A_445 = vector.shape_cast %get3A_444 : vector<1x16xf32> to vector<16xf32>
        %get3A_446 = arith.index_cast %add3A_423 : i32 to index
        %get3A_447 = arith.constant 48 : index
        %get3A_448 = tpu.vector_load %arg18[%get3A_446, %get3A_447] {strides = array<i32>} : memref<128x80xf32, #tpu.memory_space<vmem>>, vector<1x16xf32>,
        %get3A_449 = vector.shape_cast %get3A_448 : vector<1x16xf32> to vector<16xf32>
        %get3A_450 = arith.index_cast %add3A_423 : i32 to index
        %get3A_451 = arith.constant 64 : index
        %get3A_452 = tpu.vector_load %arg18[%get3A_450, %get3A_451] {strides = array<i32>} : memref<128x80xf32, #tpu.memory_space<vmem>>, vector<1x16xf32>,
        %get3A_453 = vector.shape_cast %get3A_452 : vector<1x16xf32> to vector<16xf32>
        %get3A_454 = arith.index_cast %add3A_423 : i32 to index
        %get3A_455 = arith.constant 16 : index
        %get3A_456 = tpu.vector_load %arg14[%get3A_454, %get3A_455] {strides = array<i32>} : memref<128x32xf32, #tpu.memory_space<vmem>>, vector<1x16xf32>,
        %get3A_457 = vector.shape_cast %get3A_456 : vector<1x16xf32> to vector<16xf32>
        %slice3A_458 = vector.extract_strided_slice %get3A_457 {offsets = [0], sizes = [1], strides = [1]} : vector<16xf32> to vector<1xf32>
        %squeeze3A_459 = vector.extract %slice3A_458[0] : f32 from vector<1xf32>
        %broadcast_in_dim3A_460 = vector.broadcast %squeeze3A_459 : f32 to vector<16xf32>
        %slice3A_461 = vector.extract_strided_slice %get3A_457 {offsets = [1], sizes = [1], strides = [1]} : vector<16xf32> to vector<1xf32>
        %squeeze3A_462 = vector.extract %slice3A_461[0] : f32 from vector<1xf32>
        %broadcast_in_dim3A_463 = vector.broadcast %squeeze3A_462 : f32 to vector<16xf32>
        %slice3A_464 = vector.extract_strided_slice %get3A_457 {offsets = [2], sizes = [1], strides = [1]} : vector<16xf32> to vector<1xf32>
        %squeeze3A_465 = vector.extract %slice3A_464[0] : f32 from vector<1xf32>
        %broadcast_in_dim3A_466 = vector.broadcast %squeeze3A_465 : f32 to vector<16xf32>
        %mul3A_467 = arith.mulf %broadcast_in_dim3A_460, %get3A_445 : vector<16xf32>
        %add3A_468 = arith.addf %get3A_441, %mul3A_467 : vector<16xf32>
        %mul3A_469 = arith.mulf %broadcast_in_dim3A_463, %get3A_449 : vector<16xf32>
        %add3A_470 = arith.addf %add3A_468, %mul3A_469 : vector<16xf32>
        %mul3A_471 = arith.mulf %broadcast_in_dim3A_466, %get3A_453 : vector<16xf32>
        %add3A_472 = arith.addf %add3A_470, %mul3A_471 : vector<16xf32>
        %mul3A_473 = arith.mulf %add3A_472, %add3A_437 : vector<16xf32>
        %swap3A_474 = arith.index_cast %add3A_423 : i32 to index
        %swap3A_475 = arith.constant 0 : index
        %swap3A_476 = tpu.vector_load %arg19[%swap3A_474, %swap3A_475] {strides = array<i32>} : memref<128x64xf32, #tpu.memory_space<vmem>>, vector<1x16xf32>,
        %swap3A_477 = vector.shape_cast %swap3A_476 : vector<1x16xf32> to vector<16xf32>
        %swap3A_478 = vector.shape_cast %mul3A_473 : vector<16xf32> to vector<1x16xf32>
        tpu.vector_store %arg19[%swap3A_474, %swap3A_475], %swap3A_478 {strides = array<i32>} : memref<128x64xf32, #tpu.memory_space<vmem>>, vector<1x16xf32>,
        %mul3A_479 = arith.mulf %broadcast_in_dim3A_460, %get3A_441 : vector<16xf32>
        %add3A_480 = arith.addf %get3A_445, %mul3A_479 : vector<16xf32>
        %mul3A_481 = arith.mulf %add3A_480, %add3A_437 : vector<16xf32>
        %swap3A_482 = arith.index_cast %add3A_423 : i32 to index
        %swap3A_483 = arith.constant 16 : index
        %swap3A_484 = tpu.vector_load %arg19[%swap3A_482, %swap3A_483] {strides = array<i32>} : memref<128x64xf32, #tpu.memory_space<vmem>>, vector<1x16xf32>,
        %swap3A_485 = vector.shape_cast %swap3A_484 : vector<1x16xf32> to vector<16xf32>
        %swap3A_486 = vector.shape_cast %mul3A_481 : vector<16xf32> to vector<1x16xf32>
        tpu.vector_store %arg19[%swap3A_482, %swap3A_483], %swap3A_486 {strides = array<i32>} : memref<128x64xf32, #tpu.memory_space<vmem>>, vector<1x16xf32>,
        %mul3A_487 = arith.mulf %broadcast_in_dim3A_463, %get3A_441 : vector<16xf32>
        %add3A_488 = arith.addf %get3A_449, %mul3A_487 : vector<16xf32>
        %mul3A_489 = arith.mulf %add3A_488, %add3A_437 : vector<16xf32>
        %swap3A_490 = arith.index_cast %add3A_423 : i32 to index
        %swap3A_491 = arith.constant 32 : index
        %swap3A_492 = tpu.vector_load %arg19[%swap3A_490, %swap3A_491] {strides = array<i32>} : memref<128x64xf32, #tpu.memory_space<vmem>>, vector<1x16xf32>,
        %swap3A_493 = vector.shape_cast %swap3A_492 : vector<1x16xf32> to vector<16xf32>
        %swap3A_494 = vector.shape_cast %mul3A_489 : vector<16xf32> to vector<1x16xf32>
        tpu.vector_store %arg19[%swap3A_490, %swap3A_491], %swap3A_494 {strides = array<i32>} : memref<128x64xf32, #tpu.memory_space<vmem>>, vector<1x16xf32>,
        %mul3A_495 = arith.mulf %broadcast_in_dim3A_466, %get3A_441 : vector<16xf32>
        %add3A_496 = arith.addf %get3A_453, %mul3A_495 : vector<16xf32>
        %mul3A_497 = arith.mulf %add3A_496, %add3A_437 : vector<16xf32>
        %swap3A_498 = arith.index_cast %add3A_423 : i32 to index
        %swap3A_499 = arith.constant 48 : index
        %swap3A_500 = tpu.vector_load %arg19[%swap3A_498, %swap3A_499] {strides = array<i32>} : memref<128x64xf32, #tpu.memory_space<vmem>>, vector<1x16xf32>,
        %swap3A_501 = vector.shape_cast %swap3A_500 : vector<1x16xf32> to vector<16xf32>
        %swap3A_502 = vector.shape_cast %mul3A_497 : vector<16xf32> to vector<1x16xf32>
        tpu.vector_store %arg19[%swap3A_498, %swap3A_499], %swap3A_502 {strides = array<i32>} : memref<128x64xf32, #tpu.memory_space<vmem>>, vector<1x16xf32>,
      }
      %scan3A_169 = arith.constant 32 : i32
      "tpu.region"() ({
        %run_scoped3A = tpu.sem_alloc : memref<!tpu.dma_semaphore, #tpu.memory_space<semaphore_mem>>
        %dma_start3A_175 = arith.constant 0 : i32
        %dma_start3A_176 = arith.constant 0 : i32
        %dma_start3A_177 = tpu.memref_slice %arg21[%dma_start3A_175, %dma_start3A_176] : memref<10240x64xf32, #tpu.memory_space<vmem_shared>> -> memref<10240x64xf32, #tpu.memory_space<vmem_shared>>
        tpu.enqueue_indirect_dma source(%arg19 : memref<128x64xf32, #tpu.memory_space<vmem>>) target(%dma_start3A_177 : memref<10240x64xf32, #tpu.memory_space<vmem_shared>>) offsets(%arg10 : memref<128xi32, #tpu.memory_space<vmem>>) semaphore(%run_scoped3A : memref<!tpu.dma_semaphore, #tpu.memory_space<semaphore_mem>>) {add = true}
        %dma_wait3A_178 = arith.constant 0 : i32
        %dma_wait3A_179 = arith.constant 0 : i32
        %dma_wait3A_180 = tpu.memref_slice %arg21[%dma_wait3A_178, %dma_wait3A_179] : memref<10240x64xf32, #tpu.memory_space<vmem_shared>> -> memref<10240x64xf32, #tpu.memory_space<vmem_shared>>
        tpu.wait_indirect_dma semaphore(%run_scoped3A : memref<!tpu.dma_semaphore, #tpu.memory_space<semaphore_mem>>) src(%arg19 : memref<128x64xf32, #tpu.memory_space<vmem>>) dst(%dma_wait3A_180 : memref<10240x64xf32, #tpu.memory_space<vmem_shared>>)
        tpu.yield
      }) : () -> ()
      %le3A_170 = arith.constant 36 : i32
      %le3A_171 = arith.cmpi sle, %add3A_138, %le3A_170 : i32
      %convert_element_type3A_172 = arith.extui %le3A_171 : i1 to i32
      %cond3A_173 = arith.constant 0 : i32
      %cond3A_174 = arith.cmpi ne, %convert_element_type3A_172, %cond3A_173 : i32
      scf.if %cond3A_174 {
        %add3A_175 = arith.constant 2 : i32
        %add3A_176 = arith.addi %add3A_138, %add3A_175 : i32
        %mul3A_177 = arith.constant 128 : i32
        %mul3A_178 = arith.muli %add3A_176, %mul3A_177 : i32
        %add3A_179 = arith.addi %mul3A_2, %mul3A_178 : i32
        %dma_start3A_180 = tpu.memref_slice %arg5[%add3A_179] : memref<160000xi32, #tpu.memory_space<hbm>> -> memref<128xi32, #tpu.memory_space<hbm>>
        %dma_start3A_181 = tpu.memref_slice %arg5[%add3A_179] : memref<160000xi32, #tpu.memory_space<hbm>> -> memref<128xi32, #tpu.memory_space<hbm>>
        tpu.enqueue_dma source(%dma_start3A_181 : memref<128xi32, #tpu.memory_space<hbm>>) target(%arg10 : memref<128xi32, #tpu.memory_space<vmem>>) target_semaphore(%arg23 : memref<!tpu.dma_semaphore, #tpu.memory_space<semaphore_mem>>)
        %dma_start3A_182 = tpu.memref_slice %arg6[%add3A_179] : memref<160000xi32, #tpu.memory_space<hbm>> -> memref<128xi32, #tpu.memory_space<hbm>>
        %dma_start3A_183 = tpu.memref_slice %arg6[%add3A_179] : memref<160000xi32, #tpu.memory_space<hbm>> -> memref<128xi32, #tpu.memory_space<hbm>>
        tpu.enqueue_dma source(%dma_start3A_183 : memref<128xi32, #tpu.memory_space<hbm>>) target(%arg12 : memref<128xi32, #tpu.memory_space<vmem>>) target_semaphore(%arg23 : memref<!tpu.dma_semaphore, #tpu.memory_space<semaphore_mem>>)
        %dma_start3A_184 = arith.constant 0 : i32
        %dma_start3A_185 = tpu.memref_slice %arg4[%add3A_179, %dma_start3A_184] : memref<160000x128xf32, #tpu.memory_space<hbm>> -> memref<128x32xf32, #tpu.memory_space<hbm>>
        %dma_start3A_186 = arith.constant 0 : i32
        %dma_start3A_187 = tpu.memref_slice %arg4[%add3A_179, %dma_start3A_186] : memref<160000x128xf32, #tpu.memory_space<hbm>> -> memref<128x32xf32, #tpu.memory_space<hbm>>
        tpu.enqueue_dma source(%dma_start3A_187 : memref<128x32xf32, #tpu.memory_space<hbm>>) target(%arg14 : memref<128x32xf32, #tpu.memory_space<vmem>>) target_semaphore(%arg23 : memref<!tpu.dma_semaphore, #tpu.memory_space<semaphore_mem>>)
      } else {
      }
    }
    %scan3A_43 = arith.constant 19 : i32
    %dma_wait3A_44 = arith.constant 0 : i32
    %dma_wait3A_45 = arith.constant 0 : i32
    %dma_wait3A_46 = tpu.memref_slice %arg2[%dma_wait3A_44, %dma_wait3A_45] : memref<10000x16xf32, #tpu.memory_space<hbm>> -> memref<10000x16xf32, #tpu.memory_space<hbm>>
    tpu.wait_indirect_dma semaphore(%arg24 : memref<!tpu.dma_semaphore, #tpu.memory_space<semaphore_mem>>) src(%dma_wait3A_46 : memref<10000x16xf32, #tpu.memory_space<hbm>>) dst(%arg15 : memref<128x16xf32, #tpu.memory_space<vmem>>)
    %dma_wait3A_47 = arith.constant 0 : i32
    %dma_wait3A_48 = arith.constant 0 : i32
    %dma_wait3A_49 = tpu.memref_slice %arg3[%dma_wait3A_47, %dma_wait3A_48] : memref<10000x80xf32, #tpu.memory_space<hbm>> -> memref<10000x80xf32, #tpu.memory_space<hbm>>
    tpu.wait_indirect_dma semaphore(%arg24 : memref<!tpu.dma_semaphore, #tpu.memory_space<semaphore_mem>>) src(%dma_wait3A_49 : memref<10000x80xf32, #tpu.memory_space<hbm>>) dst(%arg17 : memref<128x80xf32, #tpu.memory_space<vmem>>)
    %scan3A_50 = arith.constant 0 : i32
    %scan3A_51 = arith.constant 0 : i32
    %scan3A_52 = arith.constant 32 : i32
    %scan3A_53 = arith.addi %scan3A_51, %scan3A_52 : i32
    %scan3A_54 = arith.constant 1 : i32
    scf.for %scan3A_97 = %scan3A_51 to %scan3A_53 step %scan3A_54  : i32 {
      %mul3A_98 = arith.constant 4 : i32
      %mul3A_99 = arith.muli %scan3A_97, %mul3A_98 : i32
      %add3A_100 = arith.constant 0 : i32
      %add3A_101 = arith.addi %mul3A_99, %add3A_100 : i32
      %get3A = arith.index_cast %add3A_101 : i32 to index
      %get3A_102 = arith.constant 0 : index
      %get3A_103 = tpu.vector_load %arg13[%get3A, %get3A_102] {strides = array<i32>} : memref<128x32xf32, #tpu.memory_space<vmem>>, vector<1x16xf32>,
      %get3A_104 = vector.shape_cast %get3A_103 : vector<1x16xf32> to vector<16xf32>
      %get3A_105 = arith.index_cast %add3A_101 : i32 to index
      %get3A_106 = arith.constant 0 : index
      %get3A_107 = tpu.vector_load %arg15[%get3A_105, %get3A_106] {strides = array<i32>} : memref<128x16xf32, #tpu.memory_space<vmem>>, vector<1x16xf32>,
      %get3A_108 = vector.shape_cast %get3A_107 : vector<1x16xf32> to vector<16xf32>
      %add3A_109 = arith.addf %get3A_104, %get3A_108 : vector<16xf32>
      %get3A_110 = arith.index_cast %add3A_101 : i32 to index
      %get3A_111 = arith.constant 0 : index
      %get3A_112 = tpu.vector_load %arg17[%get3A_110, %get3A_111] {strides = array<i32>} : memref<128x80xf32, #tpu.memory_space<vmem>>, vector<1x16xf32>,
      %get3A_113 = vector.shape_cast %get3A_112 : vector<1x16xf32> to vector<16xf32>
      %add3A_114 = arith.addf %add3A_109, %get3A_113 : vector<16xf32>
      %get3A_115 = arith.index_cast %add3A_101 : i32 to index
      %get3A_116 = arith.constant 16 : index
      %get3A_117 = tpu.vector_load %arg17[%get3A_115, %get3A_116] {strides = array<i32>} : memref<128x80xf32, #tpu.memory_space<vmem>>, vector<1x16xf32>,
      %get3A_118 = vector.shape_cast %get3A_117 : vector<1x16xf32> to vector<16xf32>
      %get3A_119 = arith.index_cast %add3A_101 : i32 to index
      %get3A_120 = arith.constant 32 : index
      %get3A_121 = tpu.vector_load %arg17[%get3A_119, %get3A_120] {strides = array<i32>} : memref<128x80xf32, #tpu.memory_space<vmem>>, vector<1x16xf32>,
      %get3A_122 = vector.shape_cast %get3A_121 : vector<1x16xf32> to vector<16xf32>
      %get3A_123 = arith.index_cast %add3A_101 : i32 to index
      %get3A_124 = arith.constant 48 : index
      %get3A_125 = tpu.vector_load %arg17[%get3A_123, %get3A_124] {strides = array<i32>} : memref<128x80xf32, #tpu.memory_space<vmem>>, vector<1x16xf32>,
      %get3A_126 = vector.shape_cast %get3A_125 : vector<1x16xf32> to vector<16xf32>
      %get3A_127 = arith.index_cast %add3A_101 : i32 to index
      %get3A_128 = arith.constant 64 : index
      %get3A_129 = tpu.vector_load %arg17[%get3A_127, %get3A_128] {strides = array<i32>} : memref<128x80xf32, #tpu.memory_space<vmem>>, vector<1x16xf32>,
      %get3A_130 = vector.shape_cast %get3A_129 : vector<1x16xf32> to vector<16xf32>
      %get3A_131 = arith.index_cast %add3A_101 : i32 to index
      %get3A_132 = arith.constant 16 : index
      %get3A_133 = tpu.vector_load %arg13[%get3A_131, %get3A_132] {strides = array<i32>} : memref<128x32xf32, #tpu.memory_space<vmem>>, vector<1x16xf32>,
      %get3A_134 = vector.shape_cast %get3A_133 : vector<1x16xf32> to vector<16xf32>
      %slice3A = vector.extract_strided_slice %get3A_134 {offsets = [0], sizes = [1], strides = [1]} : vector<16xf32> to vector<1xf32>
      %squeeze3A = vector.extract %slice3A[0] : f32 from vector<1xf32>
      %broadcast_in_dim3A = vector.broadcast %squeeze3A : f32 to vector<16xf32>
      %slice3A_135 = vector.extract_strided_slice %get3A_134 {offsets = [1], sizes = [1], strides = [1]} : vector<16xf32> to vector<1xf32>
      %squeeze3A_136 = vector.extract %slice3A_135[0] : f32 from vector<1xf32>
      %broadcast_in_dim3A_137 = vector.broadcast %squeeze3A_136 : f32 to vector<16xf32>
      %slice3A_138 = vector.extract_strided_slice %get3A_134 {offsets = [2], sizes = [1], strides = [1]} : vector<16xf32> to vector<1xf32>
      %squeeze3A_139 = vector.extract %slice3A_138[0] : f32 from vector<1xf32>
      %broadcast_in_dim3A_140 = vector.broadcast %squeeze3A_139 : f32 to vector<16xf32>
      %mul3A_141 = arith.mulf %broadcast_in_dim3A, %get3A_122 : vector<16xf32>
      %add3A_142 = arith.addf %get3A_118, %mul3A_141 : vector<16xf32>
      %mul3A_143 = arith.mulf %broadcast_in_dim3A_137, %get3A_126 : vector<16xf32>
      %add3A_144 = arith.addf %add3A_142, %mul3A_143 : vector<16xf32>
      %mul3A_145 = arith.mulf %broadcast_in_dim3A_140, %get3A_130 : vector<16xf32>
      %add3A_146 = arith.addf %add3A_144, %mul3A_145 : vector<16xf32>
      %mul3A_147 = arith.mulf %add3A_146, %add3A_114 : vector<16xf32>
      %swap3A = arith.index_cast %add3A_101 : i32 to index
      %swap3A_148 = arith.constant 0 : index
      %swap3A_149 = tpu.vector_load %arg19[%swap3A, %swap3A_148] {strides = array<i32>} : memref<128x64xf32, #tpu.memory_space<vmem>>, vector<1x16xf32>,
      %swap3A_150 = vector.shape_cast %swap3A_149 : vector<1x16xf32> to vector<16xf32>
      %swap3A_151 = vector.shape_cast %mul3A_147 : vector<16xf32> to vector<1x16xf32>
      tpu.vector_store %arg19[%swap3A, %swap3A_148], %swap3A_151 {strides = array<i32>} : memref<128x64xf32, #tpu.memory_space<vmem>>, vector<1x16xf32>,
      %mul3A_152 = arith.mulf %broadcast_in_dim3A, %get3A_118 : vector<16xf32>
      %add3A_153 = arith.addf %get3A_122, %mul3A_152 : vector<16xf32>
      %mul3A_154 = arith.mulf %add3A_153, %add3A_114 : vector<16xf32>
      %swap3A_155 = arith.index_cast %add3A_101 : i32 to index
      %swap3A_156 = arith.constant 16 : index
      %swap3A_157 = tpu.vector_load %arg19[%swap3A_155, %swap3A_156] {strides = array<i32>} : memref<128x64xf32, #tpu.memory_space<vmem>>, vector<1x16xf32>,
      %swap3A_158 = vector.shape_cast %swap3A_157 : vector<1x16xf32> to vector<16xf32>
      %swap3A_159 = vector.shape_cast %mul3A_154 : vector<16xf32> to vector<1x16xf32>
      tpu.vector_store %arg19[%swap3A_155, %swap3A_156], %swap3A_159 {strides = array<i32>} : memref<128x64xf32, #tpu.memory_space<vmem>>, vector<1x16xf32>,
      %mul3A_160 = arith.mulf %broadcast_in_dim3A_137, %get3A_118 : vector<16xf32>
      %add3A_161 = arith.addf %get3A_126, %mul3A_160 : vector<16xf32>
      %mul3A_162 = arith.mulf %add3A_161, %add3A_114 : vector<16xf32>
      %swap3A_163 = arith.index_cast %add3A_101 : i32 to index
      %swap3A_164 = arith.constant 32 : index
      %swap3A_165 = tpu.vector_load %arg19[%swap3A_163, %swap3A_164] {strides = array<i32>} : memref<128x64xf32, #tpu.memory_space<vmem>>, vector<1x16xf32>,
      %swap3A_166 = vector.shape_cast %swap3A_165 : vector<1x16xf32> to vector<16xf32>
      %swap3A_167 = vector.shape_cast %mul3A_162 : vector<16xf32> to vector<1x16xf32>
      tpu.vector_store %arg19[%swap3A_163, %swap3A_164], %swap3A_167 {strides = array<i32>} : memref<128x64xf32, #tpu.memory_space<vmem>>, vector<1x16xf32>,
      %mul3A_168 = arith.mulf %broadcast_in_dim3A_140, %get3A_118 : vector<16xf32>
      %add3A_169 = arith.addf %get3A_130, %mul3A_168 : vector<16xf32>
      %mul3A_170 = arith.mulf %add3A_169, %add3A_114 : vector<16xf32>
      %swap3A_171 = arith.index_cast %add3A_101 : i32 to index
      %swap3A_172 = arith.constant 48 : index
      %swap3A_173 = tpu.vector_load %arg19[%swap3A_171, %swap3A_172] {strides = array<i32>} : memref<128x64xf32, #tpu.memory_space<vmem>>, vector<1x16xf32>,
      %swap3A_174 = vector.shape_cast %swap3A_173 : vector<1x16xf32> to vector<16xf32>
      %swap3A_175 = vector.shape_cast %mul3A_170 : vector<16xf32> to vector<1x16xf32>
      tpu.vector_store %arg19[%swap3A_171, %swap3A_172], %swap3A_175 {strides = array<i32>} : memref<128x64xf32, #tpu.memory_space<vmem>>, vector<1x16xf32>,
      %mul3A_176 = arith.constant 4 : i32
      %mul3A_177 = arith.muli %scan3A_97, %mul3A_176 : i32
      %add3A_178 = arith.constant 1 : i32
      %add3A_179 = arith.addi %mul3A_177, %add3A_178 : i32
      %get3A_180 = arith.index_cast %add3A_179 : i32 to index
      %get3A_181 = arith.constant 0 : index
      %get3A_182 = tpu.vector_load %arg13[%get3A_180, %get3A_181] {strides = array<i32>} : memref<128x32xf32, #tpu.memory_space<vmem>>, vector<1x16xf32>,
      %get3A_183 = vector.shape_cast %get3A_182 : vector<1x16xf32> to vector<16xf32>
      %get3A_184 = arith.index_cast %add3A_179 : i32 to index
      %get3A_185 = arith.constant 0 : index
      %get3A_186 = tpu.vector_load %arg15[%get3A_184, %get3A_185] {strides = array<i32>} : memref<128x16xf32, #tpu.memory_space<vmem>>, vector<1x16xf32>,
      %get3A_187 = vector.shape_cast %get3A_186 : vector<1x16xf32> to vector<16xf32>
      %add3A_188 = arith.addf %get3A_183, %get3A_187 : vector<16xf32>
      %get3A_189 = arith.index_cast %add3A_179 : i32 to index
      %get3A_190 = arith.constant 0 : index
      %get3A_191 = tpu.vector_load %arg17[%get3A_189, %get3A_190] {strides = array<i32>} : memref<128x80xf32, #tpu.memory_space<vmem>>, vector<1x16xf32>,
      %get3A_192 = vector.shape_cast %get3A_191 : vector<1x16xf32> to vector<16xf32>
      %add3A_193 = arith.addf %add3A_188, %get3A_192 : vector<16xf32>
      %get3A_194 = arith.index_cast %add3A_179 : i32 to index
      %get3A_195 = arith.constant 16 : index
      %get3A_196 = tpu.vector_load %arg17[%get3A_194, %get3A_195] {strides = array<i32>} : memref<128x80xf32, #tpu.memory_space<vmem>>, vector<1x16xf32>,
      %get3A_197 = vector.shape_cast %get3A_196 : vector<1x16xf32> to vector<16xf32>
      %get3A_198 = arith.index_cast %add3A_179 : i32 to index
      %get3A_199 = arith.constant 32 : index
      %get3A_200 = tpu.vector_load %arg17[%get3A_198, %get3A_199] {strides = array<i32>} : memref<128x80xf32, #tpu.memory_space<vmem>>, vector<1x16xf32>,
      %get3A_201 = vector.shape_cast %get3A_200 : vector<1x16xf32> to vector<16xf32>
      %get3A_202 = arith.index_cast %add3A_179 : i32 to index
      %get3A_203 = arith.constant 48 : index
      %get3A_204 = tpu.vector_load %arg17[%get3A_202, %get3A_203] {strides = array<i32>} : memref<128x80xf32, #tpu.memory_space<vmem>>, vector<1x16xf32>,
      %get3A_205 = vector.shape_cast %get3A_204 : vector<1x16xf32> to vector<16xf32>
      %get3A_206 = arith.index_cast %add3A_179 : i32 to index
      %get3A_207 = arith.constant 64 : index
      %get3A_208 = tpu.vector_load %arg17[%get3A_206, %get3A_207] {strides = array<i32>} : memref<128x80xf32, #tpu.memory_space<vmem>>, vector<1x16xf32>,
      %get3A_209 = vector.shape_cast %get3A_208 : vector<1x16xf32> to vector<16xf32>
      %get3A_210 = arith.index_cast %add3A_179 : i32 to index
      %get3A_211 = arith.constant 16 : index
      %get3A_212 = tpu.vector_load %arg13[%get3A_210, %get3A_211] {strides = array<i32>} : memref<128x32xf32, #tpu.memory_space<vmem>>, vector<1x16xf32>,
      %get3A_213 = vector.shape_cast %get3A_212 : vector<1x16xf32> to vector<16xf32>
      %slice3A_214 = vector.extract_strided_slice %get3A_213 {offsets = [0], sizes = [1], strides = [1]} : vector<16xf32> to vector<1xf32>
      %squeeze3A_215 = vector.extract %slice3A_214[0] : f32 from vector<1xf32>
      %broadcast_in_dim3A_216 = vector.broadcast %squeeze3A_215 : f32 to vector<16xf32>
      %slice3A_217 = vector.extract_strided_slice %get3A_213 {offsets = [1], sizes = [1], strides = [1]} : vector<16xf32> to vector<1xf32>
      %squeeze3A_218 = vector.extract %slice3A_217[0] : f32 from vector<1xf32>
      %broadcast_in_dim3A_219 = vector.broadcast %squeeze3A_218 : f32 to vector<16xf32>
      %slice3A_220 = vector.extract_strided_slice %get3A_213 {offsets = [2], sizes = [1], strides = [1]} : vector<16xf32> to vector<1xf32>
      %squeeze3A_221 = vector.extract %slice3A_220[0] : f32 from vector<1xf32>
      %broadcast_in_dim3A_222 = vector.broadcast %squeeze3A_221 : f32 to vector<16xf32>
      %mul3A_223 = arith.mulf %broadcast_in_dim3A_216, %get3A_201 : vector<16xf32>
      %add3A_224 = arith.addf %get3A_197, %mul3A_223 : vector<16xf32>
      %mul3A_225 = arith.mulf %broadcast_in_dim3A_219, %get3A_205 : vector<16xf32>
      %add3A_226 = arith.addf %add3A_224, %mul3A_225 : vector<16xf32>
      %mul3A_227 = arith.mulf %broadcast_in_dim3A_222, %get3A_209 : vector<16xf32>
      %add3A_228 = arith.addf %add3A_226, %mul3A_227 : vector<16xf32>
      %mul3A_229 = arith.mulf %add3A_228, %add3A_193 : vector<16xf32>
      %swap3A_230 = arith.index_cast %add3A_179 : i32 to index
      %swap3A_231 = arith.constant 0 : index
      %swap3A_232 = tpu.vector_load %arg19[%swap3A_230, %swap3A_231] {strides = array<i32>} : memref<128x64xf32, #tpu.memory_space<vmem>>, vector<1x16xf32>,
      %swap3A_233 = vector.shape_cast %swap3A_232 : vector<1x16xf32> to vector<16xf32>
      %swap3A_234 = vector.shape_cast %mul3A_229 : vector<16xf32> to vector<1x16xf32>
      tpu.vector_store %arg19[%swap3A_230, %swap3A_231], %swap3A_234 {strides = array<i32>} : memref<128x64xf32, #tpu.memory_space<vmem>>, vector<1x16xf32>,
      %mul3A_235 = arith.mulf %broadcast_in_dim3A_216, %get3A_197 : vector<16xf32>
      %add3A_236 = arith.addf %get3A_201, %mul3A_235 : vector<16xf32>
      %mul3A_237 = arith.mulf %add3A_236, %add3A_193 : vector<16xf32>
      %swap3A_238 = arith.index_cast %add3A_179 : i32 to index
      %swap3A_239 = arith.constant 16 : index
      %swap3A_240 = tpu.vector_load %arg19[%swap3A_238, %swap3A_239] {strides = array<i32>} : memref<128x64xf32, #tpu.memory_space<vmem>>, vector<1x16xf32>,
      %swap3A_241 = vector.shape_cast %swap3A_240 : vector<1x16xf32> to vector<16xf32>
      %swap3A_242 = vector.shape_cast %mul3A_237 : vector<16xf32> to vector<1x16xf32>
      tpu.vector_store %arg19[%swap3A_238, %swap3A_239], %swap3A_242 {strides = array<i32>} : memref<128x64xf32, #tpu.memory_space<vmem>>, vector<1x16xf32>,
      %mul3A_243 = arith.mulf %broadcast_in_dim3A_219, %get3A_197 : vector<16xf32>
      %add3A_244 = arith.addf %get3A_205, %mul3A_243 : vector<16xf32>
      %mul3A_245 = arith.mulf %add3A_244, %add3A_193 : vector<16xf32>
      %swap3A_246 = arith.index_cast %add3A_179 : i32 to index
      %swap3A_247 = arith.constant 32 : index
      %swap3A_248 = tpu.vector_load %arg19[%swap3A_246, %swap3A_247] {strides = array<i32>} : memref<128x64xf32, #tpu.memory_space<vmem>>, vector<1x16xf32>,
      %swap3A_249 = vector.shape_cast %swap3A_248 : vector<1x16xf32> to vector<16xf32>
      %swap3A_250 = vector.shape_cast %mul3A_245 : vector<16xf32> to vector<1x16xf32>
      tpu.vector_store %arg19[%swap3A_246, %swap3A_247], %swap3A_250 {strides = array<i32>} : memref<128x64xf32, #tpu.memory_space<vmem>>, vector<1x16xf32>,
      %mul3A_251 = arith.mulf %broadcast_in_dim3A_222, %get3A_197 : vector<16xf32>
      %add3A_252 = arith.addf %get3A_209, %mul3A_251 : vector<16xf32>
      %mul3A_253 = arith.mulf %add3A_252, %add3A_193 : vector<16xf32>
      %swap3A_254 = arith.index_cast %add3A_179 : i32 to index
      %swap3A_255 = arith.constant 48 : index
      %swap3A_256 = tpu.vector_load %arg19[%swap3A_254, %swap3A_255] {strides = array<i32>} : memref<128x64xf32, #tpu.memory_space<vmem>>, vector<1x16xf32>,
      %swap3A_257 = vector.shape_cast %swap3A_256 : vector<1x16xf32> to vector<16xf32>
      %swap3A_258 = vector.shape_cast %mul3A_253 : vector<16xf32> to vector<1x16xf32>
      tpu.vector_store %arg19[%swap3A_254, %swap3A_255], %swap3A_258 {strides = array<i32>} : memref<128x64xf32, #tpu.memory_space<vmem>>, vector<1x16xf32>,
      %mul3A_259 = arith.constant 4 : i32
      %mul3A_260 = arith.muli %scan3A_97, %mul3A_259 : i32
      %add3A_261 = arith.constant 2 : i32
      %add3A_262 = arith.addi %mul3A_260, %add3A_261 : i32
      %get3A_263 = arith.index_cast %add3A_262 : i32 to index
      %get3A_264 = arith.constant 0 : index
      %get3A_265 = tpu.vector_load %arg13[%get3A_263, %get3A_264] {strides = array<i32>} : memref<128x32xf32, #tpu.memory_space<vmem>>, vector<1x16xf32>,
      %get3A_266 = vector.shape_cast %get3A_265 : vector<1x16xf32> to vector<16xf32>
      %get3A_267 = arith.index_cast %add3A_262 : i32 to index
      %get3A_268 = arith.constant 0 : index
      %get3A_269 = tpu.vector_load %arg15[%get3A_267, %get3A_268] {strides = array<i32>} : memref<128x16xf32, #tpu.memory_space<vmem>>, vector<1x16xf32>,
      %get3A_270 = vector.shape_cast %get3A_269 : vector<1x16xf32> to vector<16xf32>
      %add3A_271 = arith.addf %get3A_266, %get3A_270 : vector<16xf32>
      %get3A_272 = arith.index_cast %add3A_262 : i32 to index
      %get3A_273 = arith.constant 0 : index
      %get3A_274 = tpu.vector_load %arg17[%get3A_272, %get3A_273] {strides = array<i32>} : memref<128x80xf32, #tpu.memory_space<vmem>>, vector<1x16xf32>,
      %get3A_275 = vector.shape_cast %get3A_274 : vector<1x16xf32> to vector<16xf32>
      %add3A_276 = arith.addf %add3A_271, %get3A_275 : vector<16xf32>
      %get3A_277 = arith.index_cast %add3A_262 : i32 to index
      %get3A_278 = arith.constant 16 : index
      %get3A_279 = tpu.vector_load %arg17[%get3A_277, %get3A_278] {strides = array<i32>} : memref<128x80xf32, #tpu.memory_space<vmem>>, vector<1x16xf32>,
      %get3A_280 = vector.shape_cast %get3A_279 : vector<1x16xf32> to vector<16xf32>
      %get3A_281 = arith.index_cast %add3A_262 : i32 to index
      %get3A_282 = arith.constant 32 : index
      %get3A_283 = tpu.vector_load %arg17[%get3A_281, %get3A_282] {strides = array<i32>} : memref<128x80xf32, #tpu.memory_space<vmem>>, vector<1x16xf32>,
      %get3A_284 = vector.shape_cast %get3A_283 : vector<1x16xf32> to vector<16xf32>
      %get3A_285 = arith.index_cast %add3A_262 : i32 to index
      %get3A_286 = arith.constant 48 : index
      %get3A_287 = tpu.vector_load %arg17[%get3A_285, %get3A_286] {strides = array<i32>} : memref<128x80xf32, #tpu.memory_space<vmem>>, vector<1x16xf32>,
      %get3A_288 = vector.shape_cast %get3A_287 : vector<1x16xf32> to vector<16xf32>
      %get3A_289 = arith.index_cast %add3A_262 : i32 to index
      %get3A_290 = arith.constant 64 : index
      %get3A_291 = tpu.vector_load %arg17[%get3A_289, %get3A_290] {strides = array<i32>} : memref<128x80xf32, #tpu.memory_space<vmem>>, vector<1x16xf32>,
      %get3A_292 = vector.shape_cast %get3A_291 : vector<1x16xf32> to vector<16xf32>
      %get3A_293 = arith.index_cast %add3A_262 : i32 to index
      %get3A_294 = arith.constant 16 : index
      %get3A_295 = tpu.vector_load %arg13[%get3A_293, %get3A_294] {strides = array<i32>} : memref<128x32xf32, #tpu.memory_space<vmem>>, vector<1x16xf32>,
      %get3A_296 = vector.shape_cast %get3A_295 : vector<1x16xf32> to vector<16xf32>
      %slice3A_297 = vector.extract_strided_slice %get3A_296 {offsets = [0], sizes = [1], strides = [1]} : vector<16xf32> to vector<1xf32>
      %squeeze3A_298 = vector.extract %slice3A_297[0] : f32 from vector<1xf32>
      %broadcast_in_dim3A_299 = vector.broadcast %squeeze3A_298 : f32 to vector<16xf32>
      %slice3A_300 = vector.extract_strided_slice %get3A_296 {offsets = [1], sizes = [1], strides = [1]} : vector<16xf32> to vector<1xf32>
      %squeeze3A_301 = vector.extract %slice3A_300[0] : f32 from vector<1xf32>
      %broadcast_in_dim3A_302 = vector.broadcast %squeeze3A_301 : f32 to vector<16xf32>
      %slice3A_303 = vector.extract_strided_slice %get3A_296 {offsets = [2], sizes = [1], strides = [1]} : vector<16xf32> to vector<1xf32>
      %squeeze3A_304 = vector.extract %slice3A_303[0] : f32 from vector<1xf32>
      %broadcast_in_dim3A_305 = vector.broadcast %squeeze3A_304 : f32 to vector<16xf32>
      %mul3A_306 = arith.mulf %broadcast_in_dim3A_299, %get3A_284 : vector<16xf32>
      %add3A_307 = arith.addf %get3A_280, %mul3A_306 : vector<16xf32>
      %mul3A_308 = arith.mulf %broadcast_in_dim3A_302, %get3A_288 : vector<16xf32>
      %add3A_309 = arith.addf %add3A_307, %mul3A_308 : vector<16xf32>
      %mul3A_310 = arith.mulf %broadcast_in_dim3A_305, %get3A_292 : vector<16xf32>
      %add3A_311 = arith.addf %add3A_309, %mul3A_310 : vector<16xf32>
      %mul3A_312 = arith.mulf %add3A_311, %add3A_276 : vector<16xf32>
      %swap3A_313 = arith.index_cast %add3A_262 : i32 to index
      %swap3A_314 = arith.constant 0 : index
      %swap3A_315 = tpu.vector_load %arg19[%swap3A_313, %swap3A_314] {strides = array<i32>} : memref<128x64xf32, #tpu.memory_space<vmem>>, vector<1x16xf32>,
      %swap3A_316 = vector.shape_cast %swap3A_315 : vector<1x16xf32> to vector<16xf32>
      %swap3A_317 = vector.shape_cast %mul3A_312 : vector<16xf32> to vector<1x16xf32>
      tpu.vector_store %arg19[%swap3A_313, %swap3A_314], %swap3A_317 {strides = array<i32>} : memref<128x64xf32, #tpu.memory_space<vmem>>, vector<1x16xf32>,
      %mul3A_318 = arith.mulf %broadcast_in_dim3A_299, %get3A_280 : vector<16xf32>
      %add3A_319 = arith.addf %get3A_284, %mul3A_318 : vector<16xf32>
      %mul3A_320 = arith.mulf %add3A_319, %add3A_276 : vector<16xf32>
      %swap3A_321 = arith.index_cast %add3A_262 : i32 to index
      %swap3A_322 = arith.constant 16 : index
      %swap3A_323 = tpu.vector_load %arg19[%swap3A_321, %swap3A_322] {strides = array<i32>} : memref<128x64xf32, #tpu.memory_space<vmem>>, vector<1x16xf32>,
      %swap3A_324 = vector.shape_cast %swap3A_323 : vector<1x16xf32> to vector<16xf32>
      %swap3A_325 = vector.shape_cast %mul3A_320 : vector<16xf32> to vector<1x16xf32>
      tpu.vector_store %arg19[%swap3A_321, %swap3A_322], %swap3A_325 {strides = array<i32>} : memref<128x64xf32, #tpu.memory_space<vmem>>, vector<1x16xf32>,
      %mul3A_326 = arith.mulf %broadcast_in_dim3A_302, %get3A_280 : vector<16xf32>
      %add3A_327 = arith.addf %get3A_288, %mul3A_326 : vector<16xf32>
      %mul3A_328 = arith.mulf %add3A_327, %add3A_276 : vector<16xf32>
      %swap3A_329 = arith.index_cast %add3A_262 : i32 to index
      %swap3A_330 = arith.constant 32 : index
      %swap3A_331 = tpu.vector_load %arg19[%swap3A_329, %swap3A_330] {strides = array<i32>} : memref<128x64xf32, #tpu.memory_space<vmem>>, vector<1x16xf32>,
      %swap3A_332 = vector.shape_cast %swap3A_331 : vector<1x16xf32> to vector<16xf32>
      %swap3A_333 = vector.shape_cast %mul3A_328 : vector<16xf32> to vector<1x16xf32>
      tpu.vector_store %arg19[%swap3A_329, %swap3A_330], %swap3A_333 {strides = array<i32>} : memref<128x64xf32, #tpu.memory_space<vmem>>, vector<1x16xf32>,
      %mul3A_334 = arith.mulf %broadcast_in_dim3A_305, %get3A_280 : vector<16xf32>
      %add3A_335 = arith.addf %get3A_292, %mul3A_334 : vector<16xf32>
      %mul3A_336 = arith.mulf %add3A_335, %add3A_276 : vector<16xf32>
      %swap3A_337 = arith.index_cast %add3A_262 : i32 to index
      %swap3A_338 = arith.constant 48 : index
      %swap3A_339 = tpu.vector_load %arg19[%swap3A_337, %swap3A_338] {strides = array<i32>} : memref<128x64xf32, #tpu.memory_space<vmem>>, vector<1x16xf32>,
      %swap3A_340 = vector.shape_cast %swap3A_339 : vector<1x16xf32> to vector<16xf32>
      %swap3A_341 = vector.shape_cast %mul3A_336 : vector<16xf32> to vector<1x16xf32>
      tpu.vector_store %arg19[%swap3A_337, %swap3A_338], %swap3A_341 {strides = array<i32>} : memref<128x64xf32, #tpu.memory_space<vmem>>, vector<1x16xf32>,
      %mul3A_342 = arith.constant 4 : i32
      %mul3A_343 = arith.muli %scan3A_97, %mul3A_342 : i32
      %add3A_344 = arith.constant 3 : i32
      %add3A_345 = arith.addi %mul3A_343, %add3A_344 : i32
      %get3A_346 = arith.index_cast %add3A_345 : i32 to index
      %get3A_347 = arith.constant 0 : index
      %get3A_348 = tpu.vector_load %arg13[%get3A_346, %get3A_347] {strides = array<i32>} : memref<128x32xf32, #tpu.memory_space<vmem>>, vector<1x16xf32>,
      %get3A_349 = vector.shape_cast %get3A_348 : vector<1x16xf32> to vector<16xf32>
      %get3A_350 = arith.index_cast %add3A_345 : i32 to index
      %get3A_351 = arith.constant 0 : index
      %get3A_352 = tpu.vector_load %arg15[%get3A_350, %get3A_351] {strides = array<i32>} : memref<128x16xf32, #tpu.memory_space<vmem>>, vector<1x16xf32>,
      %get3A_353 = vector.shape_cast %get3A_352 : vector<1x16xf32> to vector<16xf32>
      %add3A_354 = arith.addf %get3A_349, %get3A_353 : vector<16xf32>
      %get3A_355 = arith.index_cast %add3A_345 : i32 to index
      %get3A_356 = arith.constant 0 : index
      %get3A_357 = tpu.vector_load %arg17[%get3A_355, %get3A_356] {strides = array<i32>} : memref<128x80xf32, #tpu.memory_space<vmem>>, vector<1x16xf32>,
      %get3A_358 = vector.shape_cast %get3A_357 : vector<1x16xf32> to vector<16xf32>
      %add3A_359 = arith.addf %add3A_354, %get3A_358 : vector<16xf32>
      %get3A_360 = arith.index_cast %add3A_345 : i32 to index
      %get3A_361 = arith.constant 16 : index
      %get3A_362 = tpu.vector_load %arg17[%get3A_360, %get3A_361] {strides = array<i32>} : memref<128x80xf32, #tpu.memory_space<vmem>>, vector<1x16xf32>,
      %get3A_363 = vector.shape_cast %get3A_362 : vector<1x16xf32> to vector<16xf32>
      %get3A_364 = arith.index_cast %add3A_345 : i32 to index
      %get3A_365 = arith.constant 32 : index
      %get3A_366 = tpu.vector_load %arg17[%get3A_364, %get3A_365] {strides = array<i32>} : memref<128x80xf32, #tpu.memory_space<vmem>>, vector<1x16xf32>,
      %get3A_367 = vector.shape_cast %get3A_366 : vector<1x16xf32> to vector<16xf32>
      %get3A_368 = arith.index_cast %add3A_345 : i32 to index
      %get3A_369 = arith.constant 48 : index
      %get3A_370 = tpu.vector_load %arg17[%get3A_368, %get3A_369] {strides = array<i32>} : memref<128x80xf32, #tpu.memory_space<vmem>>, vector<1x16xf32>,
      %get3A_371 = vector.shape_cast %get3A_370 : vector<1x16xf32> to vector<16xf32>
      %get3A_372 = arith.index_cast %add3A_345 : i32 to index
      %get3A_373 = arith.constant 64 : index
      %get3A_374 = tpu.vector_load %arg17[%get3A_372, %get3A_373] {strides = array<i32>} : memref<128x80xf32, #tpu.memory_space<vmem>>, vector<1x16xf32>,
      %get3A_375 = vector.shape_cast %get3A_374 : vector<1x16xf32> to vector<16xf32>
      %get3A_376 = arith.index_cast %add3A_345 : i32 to index
      %get3A_377 = arith.constant 16 : index
      %get3A_378 = tpu.vector_load %arg13[%get3A_376, %get3A_377] {strides = array<i32>} : memref<128x32xf32, #tpu.memory_space<vmem>>, vector<1x16xf32>,
      %get3A_379 = vector.shape_cast %get3A_378 : vector<1x16xf32> to vector<16xf32>
      %slice3A_380 = vector.extract_strided_slice %get3A_379 {offsets = [0], sizes = [1], strides = [1]} : vector<16xf32> to vector<1xf32>
      %squeeze3A_381 = vector.extract %slice3A_380[0] : f32 from vector<1xf32>
      %broadcast_in_dim3A_382 = vector.broadcast %squeeze3A_381 : f32 to vector<16xf32>
      %slice3A_383 = vector.extract_strided_slice %get3A_379 {offsets = [1], sizes = [1], strides = [1]} : vector<16xf32> to vector<1xf32>
      %squeeze3A_384 = vector.extract %slice3A_383[0] : f32 from vector<1xf32>
      %broadcast_in_dim3A_385 = vector.broadcast %squeeze3A_384 : f32 to vector<16xf32>
      %slice3A_386 = vector.extract_strided_slice %get3A_379 {offsets = [2], sizes = [1], strides = [1]} : vector<16xf32> to vector<1xf32>
      %squeeze3A_387 = vector.extract %slice3A_386[0] : f32 from vector<1xf32>
      %broadcast_in_dim3A_388 = vector.broadcast %squeeze3A_387 : f32 to vector<16xf32>
      %mul3A_389 = arith.mulf %broadcast_in_dim3A_382, %get3A_367 : vector<16xf32>
      %add3A_390 = arith.addf %get3A_363, %mul3A_389 : vector<16xf32>
      %mul3A_391 = arith.mulf %broadcast_in_dim3A_385, %get3A_371 : vector<16xf32>
      %add3A_392 = arith.addf %add3A_390, %mul3A_391 : vector<16xf32>
      %mul3A_393 = arith.mulf %broadcast_in_dim3A_388, %get3A_375 : vector<16xf32>
      %add3A_394 = arith.addf %add3A_392, %mul3A_393 : vector<16xf32>
      %mul3A_395 = arith.mulf %add3A_394, %add3A_359 : vector<16xf32>
      %swap3A_396 = arith.index_cast %add3A_345 : i32 to index
      %swap3A_397 = arith.constant 0 : index
      %swap3A_398 = tpu.vector_load %arg19[%swap3A_396, %swap3A_397] {strides = array<i32>} : memref<128x64xf32, #tpu.memory_space<vmem>>, vector<1x16xf32>,
      %swap3A_399 = vector.shape_cast %swap3A_398 : vector<1x16xf32> to vector<16xf32>
      %swap3A_400 = vector.shape_cast %mul3A_395 : vector<16xf32> to vector<1x16xf32>
      tpu.vector_store %arg19[%swap3A_396, %swap3A_397], %swap3A_400 {strides = array<i32>} : memref<128x64xf32, #tpu.memory_space<vmem>>, vector<1x16xf32>,
      %mul3A_401 = arith.mulf %broadcast_in_dim3A_382, %get3A_363 : vector<16xf32>
      %add3A_402 = arith.addf %get3A_367, %mul3A_401 : vector<16xf32>
      %mul3A_403 = arith.mulf %add3A_402, %add3A_359 : vector<16xf32>
      %swap3A_404 = arith.index_cast %add3A_345 : i32 to index
      %swap3A_405 = arith.constant 16 : index
      %swap3A_406 = tpu.vector_load %arg19[%swap3A_404, %swap3A_405] {strides = array<i32>} : memref<128x64xf32, #tpu.memory_space<vmem>>, vector<1x16xf32>,
      %swap3A_407 = vector.shape_cast %swap3A_406 : vector<1x16xf32> to vector<16xf32>
      %swap3A_408 = vector.shape_cast %mul3A_403 : vector<16xf32> to vector<1x16xf32>
      tpu.vector_store %arg19[%swap3A_404, %swap3A_405], %swap3A_408 {strides = array<i32>} : memref<128x64xf32, #tpu.memory_space<vmem>>, vector<1x16xf32>,
      %mul3A_409 = arith.mulf %broadcast_in_dim3A_385, %get3A_363 : vector<16xf32>
      %add3A_410 = arith.addf %get3A_371, %mul3A_409 : vector<16xf32>
      %mul3A_411 = arith.mulf %add3A_410, %add3A_359 : vector<16xf32>
      %swap3A_412 = arith.index_cast %add3A_345 : i32 to index
      %swap3A_413 = arith.constant 32 : index
      %swap3A_414 = tpu.vector_load %arg19[%swap3A_412, %swap3A_413] {strides = array<i32>} : memref<128x64xf32, #tpu.memory_space<vmem>>, vector<1x16xf32>,
      %swap3A_415 = vector.shape_cast %swap3A_414 : vector<1x16xf32> to vector<16xf32>
      %swap3A_416 = vector.shape_cast %mul3A_411 : vector<16xf32> to vector<1x16xf32>
      tpu.vector_store %arg19[%swap3A_412, %swap3A_413], %swap3A_416 {strides = array<i32>} : memref<128x64xf32, #tpu.memory_space<vmem>>, vector<1x16xf32>,
      %mul3A_417 = arith.mulf %broadcast_in_dim3A_388, %get3A_363 : vector<16xf32>
      %add3A_418 = arith.addf %get3A_375, %mul3A_417 : vector<16xf32>
      %mul3A_419 = arith.mulf %add3A_418, %add3A_359 : vector<16xf32>
      %swap3A_420 = arith.index_cast %add3A_345 : i32 to index
      %swap3A_421 = arith.constant 48 : index
      %swap3A_422 = tpu.vector_load %arg19[%swap3A_420, %swap3A_421] {strides = array<i32>} : memref<128x64xf32, #tpu.memory_space<vmem>>, vector<1x16xf32>,
      %swap3A_423 = vector.shape_cast %swap3A_422 : vector<1x16xf32> to vector<16xf32>
      %swap3A_424 = vector.shape_cast %mul3A_419 : vector<16xf32> to vector<1x16xf32>
      tpu.vector_store %arg19[%swap3A_420, %swap3A_421], %swap3A_424 {strides = array<i32>} : memref<128x64xf32, #tpu.memory_space<vmem>>, vector<1x16xf32>,
    }
    %scan3A_55 = arith.constant 32 : i32
    "tpu.region"() ({
      %run_scoped3A = tpu.sem_alloc : memref<!tpu.dma_semaphore, #tpu.memory_space<semaphore_mem>>
      %dma_start3A_97 = arith.constant 0 : i32
      %dma_start3A_98 = arith.constant 0 : i32
      %dma_start3A_99 = tpu.memref_slice %arg21[%dma_start3A_97, %dma_start3A_98] : memref<10240x64xf32, #tpu.memory_space<vmem_shared>> -> memref<10240x64xf32, #tpu.memory_space<vmem_shared>>
      tpu.enqueue_indirect_dma source(%arg19 : memref<128x64xf32, #tpu.memory_space<vmem>>) target(%dma_start3A_99 : memref<10240x64xf32, #tpu.memory_space<vmem_shared>>) offsets(%arg9 : memref<128xi32, #tpu.memory_space<vmem>>) semaphore(%run_scoped3A : memref<!tpu.dma_semaphore, #tpu.memory_space<semaphore_mem>>) {add = true}
      %dma_wait3A_100 = arith.constant 0 : i32
      %dma_wait3A_101 = arith.constant 0 : i32
      %dma_wait3A_102 = tpu.memref_slice %arg21[%dma_wait3A_100, %dma_wait3A_101] : memref<10240x64xf32, #tpu.memory_space<vmem_shared>> -> memref<10240x64xf32, #tpu.memory_space<vmem_shared>>
      tpu.wait_indirect_dma semaphore(%run_scoped3A : memref<!tpu.dma_semaphore, #tpu.memory_space<semaphore_mem>>) src(%arg19 : memref<128x64xf32, #tpu.memory_space<vmem>>) dst(%dma_wait3A_102 : memref<10240x64xf32, #tpu.memory_space<vmem_shared>>)
      tpu.yield
    }) : () -> ()
    %add3A_56 = arith.constant 4992 : i32
    %add3A_57 = arith.addi %mul3A_2, %add3A_56 : i32
    "tpu.region"() ({
      %run_scoped3A = tpu.sem_alloc : memref<!tpu.dma_semaphore, #tpu.memory_space<semaphore_mem>>
      %dma_start3A_97 = tpu.memref_slice %arg5[%add3A_57] : memref<160000xi32, #tpu.memory_space<hbm>> -> memref<8xi32, #tpu.memory_space<hbm>>
      %dma_start3A_98 = tpu.memref_slice %arg5[%add3A_57] : memref<160000xi32, #tpu.memory_space<hbm>> -> memref<8xi32, #tpu.memory_space<hbm>>
      tpu.enqueue_dma source(%dma_start3A_98 : memref<8xi32, #tpu.memory_space<hbm>>) target(%arg20 : memref<8xi32, #tpu.memory_space<vmem>>) target_semaphore(%run_scoped3A : memref<!tpu.dma_semaphore, #tpu.memory_space<semaphore_mem>>)
      %dma_wait3A_99 = tpu.memref_slice %arg5[%add3A_57] : memref<160000xi32, #tpu.memory_space<hbm>> -> memref<8xi32, #tpu.memory_space<hbm>>
      %dma_wait3A_100 = tpu.memref_slice %arg5[%add3A_57] : memref<160000xi32, #tpu.memory_space<hbm>> -> memref<8xi32, #tpu.memory_space<hbm>>
      tpu.wait_dma2 semaphore(%run_scoped3A : memref<!tpu.dma_semaphore, #tpu.memory_space<semaphore_mem>>) src(%dma_wait3A_100 : memref<8xi32, #tpu.memory_space<hbm>>) dst(%arg20 : memref<8xi32, #tpu.memory_space<vmem>>)
      tpu.yield
    }) : () -> ()
    "tpu.region"() ({
      %run_scoped3A = tpu.sem_alloc : memref<!tpu.dma_semaphore, #tpu.memory_space<semaphore_mem>>
      %dma_start3A_97 = arith.constant 0 : i32
      %dma_start3A_98 = tpu.memref_slice %arg11[%dma_start3A_97] : memref<128xi32, #tpu.memory_space<vmem>> -> memref<8xi32, #tpu.memory_space<vmem>>
      %dma_start3A_99 = tpu.memref_slice %arg6[%add3A_57] : memref<160000xi32, #tpu.memory_space<hbm>> -> memref<8xi32, #tpu.memory_space<hbm>>
      %dma_start3A_100 = arith.constant 0 : i32
      %dma_start3A_101 = tpu.memref_slice %arg11[%dma_start3A_100] : memref<128xi32, #tpu.memory_space<vmem>> -> memref<8xi32, #tpu.memory_space<vmem>>
      %dma_start3A_102 = tpu.memref_slice %arg6[%add3A_57] : memref<160000xi32, #tpu.memory_space<hbm>> -> memref<8xi32, #tpu.memory_space<hbm>>
      tpu.enqueue_dma source(%dma_start3A_102 : memref<8xi32, #tpu.memory_space<hbm>>) target(%dma_start3A_101 : memref<8xi32, #tpu.memory_space<vmem>>) target_semaphore(%run_scoped3A : memref<!tpu.dma_semaphore, #tpu.memory_space<semaphore_mem>>)
      %dma_wait3A_103 = arith.constant 0 : i32
      %dma_wait3A_104 = tpu.memref_slice %arg11[%dma_wait3A_103] : memref<128xi32, #tpu.memory_space<vmem>> -> memref<8xi32, #tpu.memory_space<vmem>>
      %dma_wait3A_105 = tpu.memref_slice %arg6[%add3A_57] : memref<160000xi32, #tpu.memory_space<hbm>> -> memref<8xi32, #tpu.memory_space<hbm>>
      %dma_wait3A_106 = arith.constant 0 : i32
      %dma_wait3A_107 = tpu.memref_slice %arg11[%dma_wait3A_106] : memref<128xi32, #tpu.memory_space<vmem>> -> memref<8xi32, #tpu.memory_space<vmem>>
      %dma_wait3A_108 = tpu.memref_slice %arg6[%add3A_57] : memref<160000xi32, #tpu.memory_space<hbm>> -> memref<8xi32, #tpu.memory_space<hbm>>
      tpu.wait_dma2 semaphore(%run_scoped3A : memref<!tpu.dma_semaphore, #tpu.memory_space<semaphore_mem>>) src(%dma_wait3A_108 : memref<8xi32, #tpu.memory_space<hbm>>) dst(%dma_wait3A_107 : memref<8xi32, #tpu.memory_space<vmem>>)
      tpu.yield
    }) : () -> ()
    "tpu.region"() ({
      %run_scoped3A = tpu.sem_alloc : memref<!tpu.dma_semaphore, #tpu.memory_space<semaphore_mem>>
      %dma_start3A_97 = arith.constant 0 : i32
      %dma_start3A_98 = arith.constant 0 : i32
      %dma_start3A_99 = tpu.memref_slice %arg13[%dma_start3A_97, %dma_start3A_98] : memref<128x32xf32, #tpu.memory_space<vmem>> -> memref<8x32xf32, #tpu.memory_space<vmem>>
      %dma_start3A_100 = arith.constant 0 : i32
      %dma_start3A_101 = tpu.memref_slice %arg4[%add3A_57, %dma_start3A_100] : memref<160000x128xf32, #tpu.memory_space<hbm>> -> memref<8x32xf32, #tpu.memory_space<hbm>>
      %dma_start3A_102 = arith.constant 0 : i32
      %dma_start3A_103 = arith.constant 0 : i32
      %dma_start3A_104 = tpu.memref_slice %arg13[%dma_start3A_102, %dma_start3A_103] : memref<128x32xf32, #tpu.memory_space<vmem>> -> memref<8x32xf32, #tpu.memory_space<vmem>>
      %dma_start3A_105 = arith.constant 0 : i32
      %dma_start3A_106 = tpu.memref_slice %arg4[%add3A_57, %dma_start3A_105] : memref<160000x128xf32, #tpu.memory_space<hbm>> -> memref<8x32xf32, #tpu.memory_space<hbm>>
      tpu.enqueue_dma source(%dma_start3A_106 : memref<8x32xf32, #tpu.memory_space<hbm>>) target(%dma_start3A_104 : memref<8x32xf32, #tpu.memory_space<vmem>>) target_semaphore(%run_scoped3A : memref<!tpu.dma_semaphore, #tpu.memory_space<semaphore_mem>>)
      %dma_wait3A_107 = arith.constant 0 : i32
      %dma_wait3A_108 = arith.constant 0 : i32
      %dma_wait3A_109 = tpu.memref_slice %arg13[%dma_wait3A_107, %dma_wait3A_108] : memref<128x32xf32, #tpu.memory_space<vmem>> -> memref<8x32xf32, #tpu.memory_space<vmem>>
      %dma_wait3A_110 = arith.constant 0 : i32
      %dma_wait3A_111 = tpu.memref_slice %arg4[%add3A_57, %dma_wait3A_110] : memref<160000x128xf32, #tpu.memory_space<hbm>> -> memref<8x32xf32, #tpu.memory_space<hbm>>
      %dma_wait3A_112 = arith.constant 0 : i32
      %dma_wait3A_113 = arith.constant 0 : i32
      %dma_wait3A_114 = tpu.memref_slice %arg13[%dma_wait3A_112, %dma_wait3A_113] : memref<128x32xf32, #tpu.memory_space<vmem>> -> memref<8x32xf32, #tpu.memory_space<vmem>>
      %dma_wait3A_115 = arith.constant 0 : i32
      %dma_wait3A_116 = tpu.memref_slice %arg4[%add3A_57, %dma_wait3A_115] : memref<160000x128xf32, #tpu.memory_space<hbm>> -> memref<8x32xf32, #tpu.memory_space<hbm>>
      tpu.wait_dma2 semaphore(%run_scoped3A : memref<!tpu.dma_semaphore, #tpu.memory_space<semaphore_mem>>) src(%dma_wait3A_116 : memref<8x32xf32, #tpu.memory_space<hbm>>) dst(%dma_wait3A_114 : memref<8x32xf32, #tpu.memory_space<vmem>>)
      tpu.yield
    }) : () -> ()
    %dma_start3A_58 = arith.constant 0 : i32
    %dma_start3A_59 = arith.constant 0 : i32
    %dma_start3A_60 = tpu.memref_slice %arg15[%dma_start3A_58, %dma_start3A_59] : memref<128x16xf32, #tpu.memory_space<vmem>> -> memref<8x16xf32, #tpu.memory_space<vmem>>
    %dma_start3A_61 = arith.constant 0 : i32
    %dma_start3A_62 = arith.constant 0 : i32
    %dma_start3A_63 = tpu.memref_slice %arg2[%dma_start3A_61, %dma_start3A_62] : memref<10000x16xf32, #tpu.memory_space<hbm>> -> memref<10000x16xf32, #tpu.memory_space<hbm>>
    tpu.enqueue_indirect_dma source(%dma_start3A_63 : memref<10000x16xf32, #tpu.memory_space<hbm>>) target(%dma_start3A_60 : memref<8x16xf32, #tpu.memory_space<vmem>>) offsets(%arg20 : memref<8xi32, #tpu.memory_space<vmem>>) semaphore(%arg24 : memref<!tpu.dma_semaphore, #tpu.memory_space<semaphore_mem>>)
    %dma_wait3A_64 = arith.constant 0 : i32
    %dma_wait3A_65 = arith.constant 0 : i32
    %dma_wait3A_66 = tpu.memref_slice %arg15[%dma_wait3A_64, %dma_wait3A_65] : memref<128x16xf32, #tpu.memory_space<vmem>> -> memref<8x16xf32, #tpu.memory_space<vmem>>
    %dma_wait3A_67 = arith.constant 0 : i32
    %dma_wait3A_68 = arith.constant 0 : i32
    %dma_wait3A_69 = tpu.memref_slice %arg2[%dma_wait3A_67, %dma_wait3A_68] : memref<10000x16xf32, #tpu.memory_space<hbm>> -> memref<10000x16xf32, #tpu.memory_space<hbm>>
    tpu.wait_indirect_dma semaphore(%arg24 : memref<!tpu.dma_semaphore, #tpu.memory_space<semaphore_mem>>) src(%dma_wait3A_69 : memref<10000x16xf32, #tpu.memory_space<hbm>>) dst(%dma_wait3A_66 : memref<8x16xf32, #tpu.memory_space<vmem>>)
    %dma_start3A_70 = arith.constant 0 : i32
    %dma_start3A_71 = arith.constant 0 : i32
    %dma_start3A_72 = tpu.memref_slice %arg17[%dma_start3A_70, %dma_start3A_71] : memref<128x80xf32, #tpu.memory_space<vmem>> -> memref<8x80xf32, #tpu.memory_space<vmem>>
    %dma_start3A_73 = arith.constant 0 : i32
    %dma_start3A_74 = tpu.memref_slice %arg11[%dma_start3A_73] : memref<128xi32, #tpu.memory_space<vmem>> -> memref<8xi32, #tpu.memory_space<vmem>>
    %dma_start3A_75 = arith.constant 0 : i32
    %dma_start3A_76 = arith.constant 0 : i32
    %dma_start3A_77 = tpu.memref_slice %arg3[%dma_start3A_75, %dma_start3A_76] : memref<10000x80xf32, #tpu.memory_space<hbm>> -> memref<10000x80xf32, #tpu.memory_space<hbm>>
    tpu.enqueue_indirect_dma source(%dma_start3A_77 : memref<10000x80xf32, #tpu.memory_space<hbm>>) target(%dma_start3A_72 : memref<8x80xf32, #tpu.memory_space<vmem>>) offsets(%dma_start3A_74 : memref<8xi32, #tpu.memory_space<vmem>>) semaphore(%arg24 : memref<!tpu.dma_semaphore, #tpu.memory_space<semaphore_mem>>)
    %dma_wait3A_78 = arith.constant 0 : i32
    %dma_wait3A_79 = arith.constant 0 : i32
    %dma_wait3A_80 = tpu.memref_slice %arg17[%dma_wait3A_78, %dma_wait3A_79] : memref<128x80xf32, #tpu.memory_space<vmem>> -> memref<8x80xf32, #tpu.memory_space<vmem>>
    %dma_wait3A_81 = arith.constant 0 : i32
    %dma_wait3A_82 = tpu.memref_slice %arg11[%dma_wait3A_81] : memref<128xi32, #tpu.memory_space<vmem>> -> memref<8xi32, #tpu.memory_space<vmem>>
    %dma_wait3A_83 = arith.constant 0 : i32
    %dma_wait3A_84 = arith.constant 0 : i32
    %dma_wait3A_85 = tpu.memref_slice %arg3[%dma_wait3A_83, %dma_wait3A_84] : memref<10000x80xf32, #tpu.memory_space<hbm>> -> memref<10000x80xf32, #tpu.memory_space<hbm>>
    tpu.wait_indirect_dma semaphore(%arg24 : memref<!tpu.dma_semaphore, #tpu.memory_space<semaphore_mem>>) src(%dma_wait3A_85 : memref<10000x80xf32, #tpu.memory_space<hbm>>) dst(%dma_wait3A_80 : memref<8x80xf32, #tpu.memory_space<vmem>>)
    %scan3A_86 = arith.constant 0 : i32
    %scan3A_87 = arith.constant 0 : i32
    %scan3A_88 = arith.constant 2 : i32
    %scan3A_89 = arith.addi %scan3A_87, %scan3A_88 : i32
    %scan3A_90 = arith.constant 1 : i32
    scf.for %scan3A_97 = %scan3A_87 to %scan3A_89 step %scan3A_90  : i32 {
      %mul3A_98 = arith.constant 4 : i32
      %mul3A_99 = arith.muli %scan3A_97, %mul3A_98 : i32
      %add3A_100 = arith.constant 0 : i32
      %add3A_101 = arith.addi %mul3A_99, %add3A_100 : i32
      %get3A = arith.index_cast %add3A_101 : i32 to index
      %get3A_102 = arith.constant 0 : index
      %get3A_103 = tpu.vector_load %arg13[%get3A, %get3A_102] {strides = array<i32>} : memref<128x32xf32, #tpu.memory_space<vmem>>, vector<1x16xf32>,
      %get3A_104 = vector.shape_cast %get3A_103 : vector<1x16xf32> to vector<16xf32>
      %get3A_105 = arith.index_cast %add3A_101 : i32 to index
      %get3A_106 = arith.constant 0 : index
      %get3A_107 = tpu.vector_load %arg15[%get3A_105, %get3A_106] {strides = array<i32>} : memref<128x16xf32, #tpu.memory_space<vmem>>, vector<1x16xf32>,
      %get3A_108 = vector.shape_cast %get3A_107 : vector<1x16xf32> to vector<16xf32>
      %add3A_109 = arith.addf %get3A_104, %get3A_108 : vector<16xf32>
      %get3A_110 = arith.index_cast %add3A_101 : i32 to index
      %get3A_111 = arith.constant 0 : index
      %get3A_112 = tpu.vector_load %arg17[%get3A_110, %get3A_111] {strides = array<i32>} : memref<128x80xf32, #tpu.memory_space<vmem>>, vector<1x16xf32>,
      %get3A_113 = vector.shape_cast %get3A_112 : vector<1x16xf32> to vector<16xf32>
      %add3A_114 = arith.addf %add3A_109, %get3A_113 : vector<16xf32>
      %get3A_115 = arith.index_cast %add3A_101 : i32 to index
      %get3A_116 = arith.constant 16 : index
      %get3A_117 = tpu.vector_load %arg17[%get3A_115, %get3A_116] {strides = array<i32>} : memref<128x80xf32, #tpu.memory_space<vmem>>, vector<1x16xf32>,
      %get3A_118 = vector.shape_cast %get3A_117 : vector<1x16xf32> to vector<16xf32>
      %get3A_119 = arith.index_cast %add3A_101 : i32 to index
      %get3A_120 = arith.constant 32 : index
      %get3A_121 = tpu.vector_load %arg17[%get3A_119, %get3A_120] {strides = array<i32>} : memref<128x80xf32, #tpu.memory_space<vmem>>, vector<1x16xf32>,
      %get3A_122 = vector.shape_cast %get3A_121 : vector<1x16xf32> to vector<16xf32>
      %get3A_123 = arith.index_cast %add3A_101 : i32 to index
      %get3A_124 = arith.constant 48 : index
      %get3A_125 = tpu.vector_load %arg17[%get3A_123, %get3A_124] {strides = array<i32>} : memref<128x80xf32, #tpu.memory_space<vmem>>, vector<1x16xf32>,
      %get3A_126 = vector.shape_cast %get3A_125 : vector<1x16xf32> to vector<16xf32>
      %get3A_127 = arith.index_cast %add3A_101 : i32 to index
      %get3A_128 = arith.constant 64 : index
      %get3A_129 = tpu.vector_load %arg17[%get3A_127, %get3A_128] {strides = array<i32>} : memref<128x80xf32, #tpu.memory_space<vmem>>, vector<1x16xf32>,
      %get3A_130 = vector.shape_cast %get3A_129 : vector<1x16xf32> to vector<16xf32>
      %get3A_131 = arith.index_cast %add3A_101 : i32 to index
      %get3A_132 = arith.constant 16 : index
      %get3A_133 = tpu.vector_load %arg13[%get3A_131, %get3A_132] {strides = array<i32>} : memref<128x32xf32, #tpu.memory_space<vmem>>, vector<1x16xf32>,
      %get3A_134 = vector.shape_cast %get3A_133 : vector<1x16xf32> to vector<16xf32>
      %slice3A = vector.extract_strided_slice %get3A_134 {offsets = [0], sizes = [1], strides = [1]} : vector<16xf32> to vector<1xf32>
      %squeeze3A = vector.extract %slice3A[0] : f32 from vector<1xf32>
      %broadcast_in_dim3A = vector.broadcast %squeeze3A : f32 to vector<16xf32>
      %slice3A_135 = vector.extract_strided_slice %get3A_134 {offsets = [1], sizes = [1], strides = [1]} : vector<16xf32> to vector<1xf32>
      %squeeze3A_136 = vector.extract %slice3A_135[0] : f32 from vector<1xf32>
      %broadcast_in_dim3A_137 = vector.broadcast %squeeze3A_136 : f32 to vector<16xf32>
      %slice3A_138 = vector.extract_strided_slice %get3A_134 {offsets = [2], sizes = [1], strides = [1]} : vector<16xf32> to vector<1xf32>
      %squeeze3A_139 = vector.extract %slice3A_138[0] : f32 from vector<1xf32>
      %broadcast_in_dim3A_140 = vector.broadcast %squeeze3A_139 : f32 to vector<16xf32>
      %mul3A_141 = arith.mulf %broadcast_in_dim3A, %get3A_122 : vector<16xf32>
      %add3A_142 = arith.addf %get3A_118, %mul3A_141 : vector<16xf32>
      %mul3A_143 = arith.mulf %broadcast_in_dim3A_137, %get3A_126 : vector<16xf32>
      %add3A_144 = arith.addf %add3A_142, %mul3A_143 : vector<16xf32>
      %mul3A_145 = arith.mulf %broadcast_in_dim3A_140, %get3A_130 : vector<16xf32>
      %add3A_146 = arith.addf %add3A_144, %mul3A_145 : vector<16xf32>
      %mul3A_147 = arith.mulf %add3A_146, %add3A_114 : vector<16xf32>
      %swap3A = arith.index_cast %add3A_101 : i32 to index
      %swap3A_148 = arith.constant 0 : index
      %swap3A_149 = tpu.vector_load %arg19[%swap3A, %swap3A_148] {strides = array<i32>} : memref<128x64xf32, #tpu.memory_space<vmem>>, vector<1x16xf32>,
      %swap3A_150 = vector.shape_cast %swap3A_149 : vector<1x16xf32> to vector<16xf32>
      %swap3A_151 = vector.shape_cast %mul3A_147 : vector<16xf32> to vector<1x16xf32>
      tpu.vector_store %arg19[%swap3A, %swap3A_148], %swap3A_151 {strides = array<i32>} : memref<128x64xf32, #tpu.memory_space<vmem>>, vector<1x16xf32>,
      %mul3A_152 = arith.mulf %broadcast_in_dim3A, %get3A_118 : vector<16xf32>
      %add3A_153 = arith.addf %get3A_122, %mul3A_152 : vector<16xf32>
      %mul3A_154 = arith.mulf %add3A_153, %add3A_114 : vector<16xf32>
      %swap3A_155 = arith.index_cast %add3A_101 : i32 to index
      %swap3A_156 = arith.constant 16 : index
      %swap3A_157 = tpu.vector_load %arg19[%swap3A_155, %swap3A_156] {strides = array<i32>} : memref<128x64xf32, #tpu.memory_space<vmem>>, vector<1x16xf32>,
      %swap3A_158 = vector.shape_cast %swap3A_157 : vector<1x16xf32> to vector<16xf32>
      %swap3A_159 = vector.shape_cast %mul3A_154 : vector<16xf32> to vector<1x16xf32>
      tpu.vector_store %arg19[%swap3A_155, %swap3A_156], %swap3A_159 {strides = array<i32>} : memref<128x64xf32, #tpu.memory_space<vmem>>, vector<1x16xf32>,
      %mul3A_160 = arith.mulf %broadcast_in_dim3A_137, %get3A_118 : vector<16xf32>
      %add3A_161 = arith.addf %get3A_126, %mul3A_160 : vector<16xf32>
      %mul3A_162 = arith.mulf %add3A_161, %add3A_114 : vector<16xf32>
      %swap3A_163 = arith.index_cast %add3A_101 : i32 to index
      %swap3A_164 = arith.constant 32 : index
      %swap3A_165 = tpu.vector_load %arg19[%swap3A_163, %swap3A_164] {strides = array<i32>} : memref<128x64xf32, #tpu.memory_space<vmem>>, vector<1x16xf32>,
      %swap3A_166 = vector.shape_cast %swap3A_165 : vector<1x16xf32> to vector<16xf32>
      %swap3A_167 = vector.shape_cast %mul3A_162 : vector<16xf32> to vector<1x16xf32>
      tpu.vector_store %arg19[%swap3A_163, %swap3A_164], %swap3A_167 {strides = array<i32>} : memref<128x64xf32, #tpu.memory_space<vmem>>, vector<1x16xf32>,
      %mul3A_168 = arith.mulf %broadcast_in_dim3A_140, %get3A_118 : vector<16xf32>
      %add3A_169 = arith.addf %get3A_130, %mul3A_168 : vector<16xf32>
      %mul3A_170 = arith.mulf %add3A_169, %add3A_114 : vector<16xf32>
      %swap3A_171 = arith.index_cast %add3A_101 : i32 to index
      %swap3A_172 = arith.constant 48 : index
      %swap3A_173 = tpu.vector_load %arg19[%swap3A_171, %swap3A_172] {strides = array<i32>} : memref<128x64xf32, #tpu.memory_space<vmem>>, vector<1x16xf32>,
      %swap3A_174 = vector.shape_cast %swap3A_173 : vector<1x16xf32> to vector<16xf32>
      %swap3A_175 = vector.shape_cast %mul3A_170 : vector<16xf32> to vector<1x16xf32>
      tpu.vector_store %arg19[%swap3A_171, %swap3A_172], %swap3A_175 {strides = array<i32>} : memref<128x64xf32, #tpu.memory_space<vmem>>, vector<1x16xf32>,
      %mul3A_176 = arith.constant 4 : i32
      %mul3A_177 = arith.muli %scan3A_97, %mul3A_176 : i32
      %add3A_178 = arith.constant 1 : i32
      %add3A_179 = arith.addi %mul3A_177, %add3A_178 : i32
      %get3A_180 = arith.index_cast %add3A_179 : i32 to index
      %get3A_181 = arith.constant 0 : index
      %get3A_182 = tpu.vector_load %arg13[%get3A_180, %get3A_181] {strides = array<i32>} : memref<128x32xf32, #tpu.memory_space<vmem>>, vector<1x16xf32>,
      %get3A_183 = vector.shape_cast %get3A_182 : vector<1x16xf32> to vector<16xf32>
      %get3A_184 = arith.index_cast %add3A_179 : i32 to index
      %get3A_185 = arith.constant 0 : index
      %get3A_186 = tpu.vector_load %arg15[%get3A_184, %get3A_185] {strides = array<i32>} : memref<128x16xf32, #tpu.memory_space<vmem>>, vector<1x16xf32>,
      %get3A_187 = vector.shape_cast %get3A_186 : vector<1x16xf32> to vector<16xf32>
      %add3A_188 = arith.addf %get3A_183, %get3A_187 : vector<16xf32>
      %get3A_189 = arith.index_cast %add3A_179 : i32 to index
      %get3A_190 = arith.constant 0 : index
      %get3A_191 = tpu.vector_load %arg17[%get3A_189, %get3A_190] {strides = array<i32>} : memref<128x80xf32, #tpu.memory_space<vmem>>, vector<1x16xf32>,
      %get3A_192 = vector.shape_cast %get3A_191 : vector<1x16xf32> to vector<16xf32>
      %add3A_193 = arith.addf %add3A_188, %get3A_192 : vector<16xf32>
      %get3A_194 = arith.index_cast %add3A_179 : i32 to index
      %get3A_195 = arith.constant 16 : index
      %get3A_196 = tpu.vector_load %arg17[%get3A_194, %get3A_195] {strides = array<i32>} : memref<128x80xf32, #tpu.memory_space<vmem>>, vector<1x16xf32>,
      %get3A_197 = vector.shape_cast %get3A_196 : vector<1x16xf32> to vector<16xf32>
      %get3A_198 = arith.index_cast %add3A_179 : i32 to index
      %get3A_199 = arith.constant 32 : index
      %get3A_200 = tpu.vector_load %arg17[%get3A_198, %get3A_199] {strides = array<i32>} : memref<128x80xf32, #tpu.memory_space<vmem>>, vector<1x16xf32>,
      %get3A_201 = vector.shape_cast %get3A_200 : vector<1x16xf32> to vector<16xf32>
      %get3A_202 = arith.index_cast %add3A_179 : i32 to index
      %get3A_203 = arith.constant 48 : index
      %get3A_204 = tpu.vector_load %arg17[%get3A_202, %get3A_203] {strides = array<i32>} : memref<128x80xf32, #tpu.memory_space<vmem>>, vector<1x16xf32>,
      %get3A_205 = vector.shape_cast %get3A_204 : vector<1x16xf32> to vector<16xf32>
      %get3A_206 = arith.index_cast %add3A_179 : i32 to index
      %get3A_207 = arith.constant 64 : index
      %get3A_208 = tpu.vector_load %arg17[%get3A_206, %get3A_207] {strides = array<i32>} : memref<128x80xf32, #tpu.memory_space<vmem>>, vector<1x16xf32>,
      %get3A_209 = vector.shape_cast %get3A_208 : vector<1x16xf32> to vector<16xf32>
      %get3A_210 = arith.index_cast %add3A_179 : i32 to index
      %get3A_211 = arith.constant 16 : index
      %get3A_212 = tpu.vector_load %arg13[%get3A_210, %get3A_211] {strides = array<i32>} : memref<128x32xf32, #tpu.memory_space<vmem>>, vector<1x16xf32>,
      %get3A_213 = vector.shape_cast %get3A_212 : vector<1x16xf32> to vector<16xf32>
      %slice3A_214 = vector.extract_strided_slice %get3A_213 {offsets = [0], sizes = [1], strides = [1]} : vector<16xf32> to vector<1xf32>
      %squeeze3A_215 = vector.extract %slice3A_214[0] : f32 from vector<1xf32>
      %broadcast_in_dim3A_216 = vector.broadcast %squeeze3A_215 : f32 to vector<16xf32>
      %slice3A_217 = vector.extract_strided_slice %get3A_213 {offsets = [1], sizes = [1], strides = [1]} : vector<16xf32> to vector<1xf32>
      %squeeze3A_218 = vector.extract %slice3A_217[0] : f32 from vector<1xf32>
      %broadcast_in_dim3A_219 = vector.broadcast %squeeze3A_218 : f32 to vector<16xf32>
      %slice3A_220 = vector.extract_strided_slice %get3A_213 {offsets = [2], sizes = [1], strides = [1]} : vector<16xf32> to vector<1xf32>
      %squeeze3A_221 = vector.extract %slice3A_220[0] : f32 from vector<1xf32>
      %broadcast_in_dim3A_222 = vector.broadcast %squeeze3A_221 : f32 to vector<16xf32>
      %mul3A_223 = arith.mulf %broadcast_in_dim3A_216, %get3A_201 : vector<16xf32>
      %add3A_224 = arith.addf %get3A_197, %mul3A_223 : vector<16xf32>
      %mul3A_225 = arith.mulf %broadcast_in_dim3A_219, %get3A_205 : vector<16xf32>
      %add3A_226 = arith.addf %add3A_224, %mul3A_225 : vector<16xf32>
      %mul3A_227 = arith.mulf %broadcast_in_dim3A_222, %get3A_209 : vector<16xf32>
      %add3A_228 = arith.addf %add3A_226, %mul3A_227 : vector<16xf32>
      %mul3A_229 = arith.mulf %add3A_228, %add3A_193 : vector<16xf32>
      %swap3A_230 = arith.index_cast %add3A_179 : i32 to index
      %swap3A_231 = arith.constant 0 : index
      %swap3A_232 = tpu.vector_load %arg19[%swap3A_230, %swap3A_231] {strides = array<i32>} : memref<128x64xf32, #tpu.memory_space<vmem>>, vector<1x16xf32>,
      %swap3A_233 = vector.shape_cast %swap3A_232 : vector<1x16xf32> to vector<16xf32>
      %swap3A_234 = vector.shape_cast %mul3A_229 : vector<16xf32> to vector<1x16xf32>
      tpu.vector_store %arg19[%swap3A_230, %swap3A_231], %swap3A_234 {strides = array<i32>} : memref<128x64xf32, #tpu.memory_space<vmem>>, vector<1x16xf32>,
      %mul3A_235 = arith.mulf %broadcast_in_dim3A_216, %get3A_197 : vector<16xf32>
      %add3A_236 = arith.addf %get3A_201, %mul3A_235 : vector<16xf32>
      %mul3A_237 = arith.mulf %add3A_236, %add3A_193 : vector<16xf32>
      %swap3A_238 = arith.index_cast %add3A_179 : i32 to index
      %swap3A_239 = arith.constant 16 : index
      %swap3A_240 = tpu.vector_load %arg19[%swap3A_238, %swap3A_239] {strides = array<i32>} : memref<128x64xf32, #tpu.memory_space<vmem>>, vector<1x16xf32>,
      %swap3A_241 = vector.shape_cast %swap3A_240 : vector<1x16xf32> to vector<16xf32>
      %swap3A_242 = vector.shape_cast %mul3A_237 : vector<16xf32> to vector<1x16xf32>
      tpu.vector_store %arg19[%swap3A_238, %swap3A_239], %swap3A_242 {strides = array<i32>} : memref<128x64xf32, #tpu.memory_space<vmem>>, vector<1x16xf32>,
      %mul3A_243 = arith.mulf %broadcast_in_dim3A_219, %get3A_197 : vector<16xf32>
      %add3A_244 = arith.addf %get3A_205, %mul3A_243 : vector<16xf32>
      %mul3A_245 = arith.mulf %add3A_244, %add3A_193 : vector<16xf32>
      %swap3A_246 = arith.index_cast %add3A_179 : i32 to index
      %swap3A_247 = arith.constant 32 : index
      %swap3A_248 = tpu.vector_load %arg19[%swap3A_246, %swap3A_247] {strides = array<i32>} : memref<128x64xf32, #tpu.memory_space<vmem>>, vector<1x16xf32>,
      %swap3A_249 = vector.shape_cast %swap3A_248 : vector<1x16xf32> to vector<16xf32>
      %swap3A_250 = vector.shape_cast %mul3A_245 : vector<16xf32> to vector<1x16xf32>
      tpu.vector_store %arg19[%swap3A_246, %swap3A_247], %swap3A_250 {strides = array<i32>} : memref<128x64xf32, #tpu.memory_space<vmem>>, vector<1x16xf32>,
      %mul3A_251 = arith.mulf %broadcast_in_dim3A_222, %get3A_197 : vector<16xf32>
      %add3A_252 = arith.addf %get3A_209, %mul3A_251 : vector<16xf32>
      %mul3A_253 = arith.mulf %add3A_252, %add3A_193 : vector<16xf32>
      %swap3A_254 = arith.index_cast %add3A_179 : i32 to index
      %swap3A_255 = arith.constant 48 : index
      %swap3A_256 = tpu.vector_load %arg19[%swap3A_254, %swap3A_255] {strides = array<i32>} : memref<128x64xf32, #tpu.memory_space<vmem>>, vector<1x16xf32>,
      %swap3A_257 = vector.shape_cast %swap3A_256 : vector<1x16xf32> to vector<16xf32>
      %swap3A_258 = vector.shape_cast %mul3A_253 : vector<16xf32> to vector<1x16xf32>
      tpu.vector_store %arg19[%swap3A_254, %swap3A_255], %swap3A_258 {strides = array<i32>} : memref<128x64xf32, #tpu.memory_space<vmem>>, vector<1x16xf32>,
      %mul3A_259 = arith.constant 4 : i32
      %mul3A_260 = arith.muli %scan3A_97, %mul3A_259 : i32
      %add3A_261 = arith.constant 2 : i32
      %add3A_262 = arith.addi %mul3A_260, %add3A_261 : i32
      %get3A_263 = arith.index_cast %add3A_262 : i32 to index
      %get3A_264 = arith.constant 0 : index
      %get3A_265 = tpu.vector_load %arg13[%get3A_263, %get3A_264] {strides = array<i32>} : memref<128x32xf32, #tpu.memory_space<vmem>>, vector<1x16xf32>,
      %get3A_266 = vector.shape_cast %get3A_265 : vector<1x16xf32> to vector<16xf32>
      %get3A_267 = arith.index_cast %add3A_262 : i32 to index
      %get3A_268 = arith.constant 0 : index
      %get3A_269 = tpu.vector_load %arg15[%get3A_267, %get3A_268] {strides = array<i32>} : memref<128x16xf32, #tpu.memory_space<vmem>>, vector<1x16xf32>,
      %get3A_270 = vector.shape_cast %get3A_269 : vector<1x16xf32> to vector<16xf32>
      %add3A_271 = arith.addf %get3A_266, %get3A_270 : vector<16xf32>
      %get3A_272 = arith.index_cast %add3A_262 : i32 to index
      %get3A_273 = arith.constant 0 : index
      %get3A_274 = tpu.vector_load %arg17[%get3A_272, %get3A_273] {strides = array<i32>} : memref<128x80xf32, #tpu.memory_space<vmem>>, vector<1x16xf32>,
      %get3A_275 = vector.shape_cast %get3A_274 : vector<1x16xf32> to vector<16xf32>
      %add3A_276 = arith.addf %add3A_271, %get3A_275 : vector<16xf32>
      %get3A_277 = arith.index_cast %add3A_262 : i32 to index
      %get3A_278 = arith.constant 16 : index
      %get3A_279 = tpu.vector_load %arg17[%get3A_277, %get3A_278] {strides = array<i32>} : memref<128x80xf32, #tpu.memory_space<vmem>>, vector<1x16xf32>,
      %get3A_280 = vector.shape_cast %get3A_279 : vector<1x16xf32> to vector<16xf32>
      %get3A_281 = arith.index_cast %add3A_262 : i32 to index
      %get3A_282 = arith.constant 32 : index
      %get3A_283 = tpu.vector_load %arg17[%get3A_281, %get3A_282] {strides = array<i32>} : memref<128x80xf32, #tpu.memory_space<vmem>>, vector<1x16xf32>,
      %get3A_284 = vector.shape_cast %get3A_283 : vector<1x16xf32> to vector<16xf32>
      %get3A_285 = arith.index_cast %add3A_262 : i32 to index
      %get3A_286 = arith.constant 48 : index
      %get3A_287 = tpu.vector_load %arg17[%get3A_285, %get3A_286] {strides = array<i32>} : memref<128x80xf32, #tpu.memory_space<vmem>>, vector<1x16xf32>,
      %get3A_288 = vector.shape_cast %get3A_287 : vector<1x16xf32> to vector<16xf32>
      %get3A_289 = arith.index_cast %add3A_262 : i32 to index
      %get3A_290 = arith.constant 64 : index
      %get3A_291 = tpu.vector_load %arg17[%get3A_289, %get3A_290] {strides = array<i32>} : memref<128x80xf32, #tpu.memory_space<vmem>>, vector<1x16xf32>,
      %get3A_292 = vector.shape_cast %get3A_291 : vector<1x16xf32> to vector<16xf32>
      %get3A_293 = arith.index_cast %add3A_262 : i32 to index
      %get3A_294 = arith.constant 16 : index
      %get3A_295 = tpu.vector_load %arg13[%get3A_293, %get3A_294] {strides = array<i32>} : memref<128x32xf32, #tpu.memory_space<vmem>>, vector<1x16xf32>,
      %get3A_296 = vector.shape_cast %get3A_295 : vector<1x16xf32> to vector<16xf32>
      %slice3A_297 = vector.extract_strided_slice %get3A_296 {offsets = [0], sizes = [1], strides = [1]} : vector<16xf32> to vector<1xf32>
      %squeeze3A_298 = vector.extract %slice3A_297[0] : f32 from vector<1xf32>
      %broadcast_in_dim3A_299 = vector.broadcast %squeeze3A_298 : f32 to vector<16xf32>
      %slice3A_300 = vector.extract_strided_slice %get3A_296 {offsets = [1], sizes = [1], strides = [1]} : vector<16xf32> to vector<1xf32>
      %squeeze3A_301 = vector.extract %slice3A_300[0] : f32 from vector<1xf32>
      %broadcast_in_dim3A_302 = vector.broadcast %squeeze3A_301 : f32 to vector<16xf32>
      %slice3A_303 = vector.extract_strided_slice %get3A_296 {offsets = [2], sizes = [1], strides = [1]} : vector<16xf32> to vector<1xf32>
      %squeeze3A_304 = vector.extract %slice3A_303[0] : f32 from vector<1xf32>
      %broadcast_in_dim3A_305 = vector.broadcast %squeeze3A_304 : f32 to vector<16xf32>
      %mul3A_306 = arith.mulf %broadcast_in_dim3A_299, %get3A_284 : vector<16xf32>
      %add3A_307 = arith.addf %get3A_280, %mul3A_306 : vector<16xf32>
      %mul3A_308 = arith.mulf %broadcast_in_dim3A_302, %get3A_288 : vector<16xf32>
      %add3A_309 = arith.addf %add3A_307, %mul3A_308 : vector<16xf32>
      %mul3A_310 = arith.mulf %broadcast_in_dim3A_305, %get3A_292 : vector<16xf32>
      %add3A_311 = arith.addf %add3A_309, %mul3A_310 : vector<16xf32>
      %mul3A_312 = arith.mulf %add3A_311, %add3A_276 : vector<16xf32>
      %swap3A_313 = arith.index_cast %add3A_262 : i32 to index
      %swap3A_314 = arith.constant 0 : index
      %swap3A_315 = tpu.vector_load %arg19[%swap3A_313, %swap3A_314] {strides = array<i32>} : memref<128x64xf32, #tpu.memory_space<vmem>>, vector<1x16xf32>,
      %swap3A_316 = vector.shape_cast %swap3A_315 : vector<1x16xf32> to vector<16xf32>
      %swap3A_317 = vector.shape_cast %mul3A_312 : vector<16xf32> to vector<1x16xf32>
      tpu.vector_store %arg19[%swap3A_313, %swap3A_314], %swap3A_317 {strides = array<i32>} : memref<128x64xf32, #tpu.memory_space<vmem>>, vector<1x16xf32>,
      %mul3A_318 = arith.mulf %broadcast_in_dim3A_299, %get3A_280 : vector<16xf32>
      %add3A_319 = arith.addf %get3A_284, %mul3A_318 : vector<16xf32>
      %mul3A_320 = arith.mulf %add3A_319, %add3A_276 : vector<16xf32>
      %swap3A_321 = arith.index_cast %add3A_262 : i32 to index
      %swap3A_322 = arith.constant 16 : index
      %swap3A_323 = tpu.vector_load %arg19[%swap3A_321, %swap3A_322] {strides = array<i32>} : memref<128x64xf32, #tpu.memory_space<vmem>>, vector<1x16xf32>,
      %swap3A_324 = vector.shape_cast %swap3A_323 : vector<1x16xf32> to vector<16xf32>
      %swap3A_325 = vector.shape_cast %mul3A_320 : vector<16xf32> to vector<1x16xf32>
      tpu.vector_store %arg19[%swap3A_321, %swap3A_322], %swap3A_325 {strides = array<i32>} : memref<128x64xf32, #tpu.memory_space<vmem>>, vector<1x16xf32>,
      %mul3A_326 = arith.mulf %broadcast_in_dim3A_302, %get3A_280 : vector<16xf32>
      %add3A_327 = arith.addf %get3A_288, %mul3A_326 : vector<16xf32>
      %mul3A_328 = arith.mulf %add3A_327, %add3A_276 : vector<16xf32>
      %swap3A_329 = arith.index_cast %add3A_262 : i32 to index
      %swap3A_330 = arith.constant 32 : index
      %swap3A_331 = tpu.vector_load %arg19[%swap3A_329, %swap3A_330] {strides = array<i32>} : memref<128x64xf32, #tpu.memory_space<vmem>>, vector<1x16xf32>,
      %swap3A_332 = vector.shape_cast %swap3A_331 : vector<1x16xf32> to vector<16xf32>
      %swap3A_333 = vector.shape_cast %mul3A_328 : vector<16xf32> to vector<1x16xf32>
      tpu.vector_store %arg19[%swap3A_329, %swap3A_330], %swap3A_333 {strides = array<i32>} : memref<128x64xf32, #tpu.memory_space<vmem>>, vector<1x16xf32>,
      %mul3A_334 = arith.mulf %broadcast_in_dim3A_305, %get3A_280 : vector<16xf32>
      %add3A_335 = arith.addf %get3A_292, %mul3A_334 : vector<16xf32>
      %mul3A_336 = arith.mulf %add3A_335, %add3A_276 : vector<16xf32>
      %swap3A_337 = arith.index_cast %add3A_262 : i32 to index
      %swap3A_338 = arith.constant 48 : index
      %swap3A_339 = tpu.vector_load %arg19[%swap3A_337, %swap3A_338] {strides = array<i32>} : memref<128x64xf32, #tpu.memory_space<vmem>>, vector<1x16xf32>,
      %swap3A_340 = vector.shape_cast %swap3A_339 : vector<1x16xf32> to vector<16xf32>
      %swap3A_341 = vector.shape_cast %mul3A_336 : vector<16xf32> to vector<1x16xf32>
      tpu.vector_store %arg19[%swap3A_337, %swap3A_338], %swap3A_341 {strides = array<i32>} : memref<128x64xf32, #tpu.memory_space<vmem>>, vector<1x16xf32>,
      %mul3A_342 = arith.constant 4 : i32
      %mul3A_343 = arith.muli %scan3A_97, %mul3A_342 : i32
      %add3A_344 = arith.constant 3 : i32
      %add3A_345 = arith.addi %mul3A_343, %add3A_344 : i32
      %get3A_346 = arith.index_cast %add3A_345 : i32 to index
      %get3A_347 = arith.constant 0 : index
      %get3A_348 = tpu.vector_load %arg13[%get3A_346, %get3A_347] {strides = array<i32>} : memref<128x32xf32, #tpu.memory_space<vmem>>, vector<1x16xf32>,
      %get3A_349 = vector.shape_cast %get3A_348 : vector<1x16xf32> to vector<16xf32>
      %get3A_350 = arith.index_cast %add3A_345 : i32 to index
      %get3A_351 = arith.constant 0 : index
      %get3A_352 = tpu.vector_load %arg15[%get3A_350, %get3A_351] {strides = array<i32>} : memref<128x16xf32, #tpu.memory_space<vmem>>, vector<1x16xf32>,
      %get3A_353 = vector.shape_cast %get3A_352 : vector<1x16xf32> to vector<16xf32>
      %add3A_354 = arith.addf %get3A_349, %get3A_353 : vector<16xf32>
      %get3A_355 = arith.index_cast %add3A_345 : i32 to index
      %get3A_356 = arith.constant 0 : index
      %get3A_357 = tpu.vector_load %arg17[%get3A_355, %get3A_356] {strides = array<i32>} : memref<128x80xf32, #tpu.memory_space<vmem>>, vector<1x16xf32>,
      %get3A_358 = vector.shape_cast %get3A_357 : vector<1x16xf32> to vector<16xf32>
      %add3A_359 = arith.addf %add3A_354, %get3A_358 : vector<16xf32>
      %get3A_360 = arith.index_cast %add3A_345 : i32 to index
      %get3A_361 = arith.constant 16 : index
      %get3A_362 = tpu.vector_load %arg17[%get3A_360, %get3A_361] {strides = array<i32>} : memref<128x80xf32, #tpu.memory_space<vmem>>, vector<1x16xf32>,
      %get3A_363 = vector.shape_cast %get3A_362 : vector<1x16xf32> to vector<16xf32>
      %get3A_364 = arith.index_cast %add3A_345 : i32 to index
      %get3A_365 = arith.constant 32 : index
      %get3A_366 = tpu.vector_load %arg17[%get3A_364, %get3A_365] {strides = array<i32>} : memref<128x80xf32, #tpu.memory_space<vmem>>, vector<1x16xf32>,
      %get3A_367 = vector.shape_cast %get3A_366 : vector<1x16xf32> to vector<16xf32>
      %get3A_368 = arith.index_cast %add3A_345 : i32 to index
      %get3A_369 = arith.constant 48 : index
      %get3A_370 = tpu.vector_load %arg17[%get3A_368, %get3A_369] {strides = array<i32>} : memref<128x80xf32, #tpu.memory_space<vmem>>, vector<1x16xf32>,
      %get3A_371 = vector.shape_cast %get3A_370 : vector<1x16xf32> to vector<16xf32>
      %get3A_372 = arith.index_cast %add3A_345 : i32 to index
      %get3A_373 = arith.constant 64 : index
      %get3A_374 = tpu.vector_load %arg17[%get3A_372, %get3A_373] {strides = array<i32>} : memref<128x80xf32, #tpu.memory_space<vmem>>, vector<1x16xf32>,
      %get3A_375 = vector.shape_cast %get3A_374 : vector<1x16xf32> to vector<16xf32>
      %get3A_376 = arith.index_cast %add3A_345 : i32 to index
      %get3A_377 = arith.constant 16 : index
      %get3A_378 = tpu.vector_load %arg13[%get3A_376, %get3A_377] {strides = array<i32>} : memref<128x32xf32, #tpu.memory_space<vmem>>, vector<1x16xf32>,
      %get3A_379 = vector.shape_cast %get3A_378 : vector<1x16xf32> to vector<16xf32>
      %slice3A_380 = vector.extract_strided_slice %get3A_379 {offsets = [0], sizes = [1], strides = [1]} : vector<16xf32> to vector<1xf32>
      %squeeze3A_381 = vector.extract %slice3A_380[0] : f32 from vector<1xf32>
      %broadcast_in_dim3A_382 = vector.broadcast %squeeze3A_381 : f32 to vector<16xf32>
      %slice3A_383 = vector.extract_strided_slice %get3A_379 {offsets = [1], sizes = [1], strides = [1]} : vector<16xf32> to vector<1xf32>
      %squeeze3A_384 = vector.extract %slice3A_383[0] : f32 from vector<1xf32>
      %broadcast_in_dim3A_385 = vector.broadcast %squeeze3A_384 : f32 to vector<16xf32>
      %slice3A_386 = vector.extract_strided_slice %get3A_379 {offsets = [2], sizes = [1], strides = [1]} : vector<16xf32> to vector<1xf32>
      %squeeze3A_387 = vector.extract %slice3A_386[0] : f32 from vector<1xf32>
      %broadcast_in_dim3A_388 = vector.broadcast %squeeze3A_387 : f32 to vector<16xf32>
      %mul3A_389 = arith.mulf %broadcast_in_dim3A_382, %get3A_367 : vector<16xf32>
      %add3A_390 = arith.addf %get3A_363, %mul3A_389 : vector<16xf32>
      %mul3A_391 = arith.mulf %broadcast_in_dim3A_385, %get3A_371 : vector<16xf32>
      %add3A_392 = arith.addf %add3A_390, %mul3A_391 : vector<16xf32>
      %mul3A_393 = arith.mulf %broadcast_in_dim3A_388, %get3A_375 : vector<16xf32>
      %add3A_394 = arith.addf %add3A_392, %mul3A_393 : vector<16xf32>
      %mul3A_395 = arith.mulf %add3A_394, %add3A_359 : vector<16xf32>
      %swap3A_396 = arith.index_cast %add3A_345 : i32 to index
      %swap3A_397 = arith.constant 0 : index
      %swap3A_398 = tpu.vector_load %arg19[%swap3A_396, %swap3A_397] {strides = array<i32>} : memref<128x64xf32, #tpu.memory_space<vmem>>, vector<1x16xf32>,
      %swap3A_399 = vector.shape_cast %swap3A_398 : vector<1x16xf32> to vector<16xf32>
      %swap3A_400 = vector.shape_cast %mul3A_395 : vector<16xf32> to vector<1x16xf32>
      tpu.vector_store %arg19[%swap3A_396, %swap3A_397], %swap3A_400 {strides = array<i32>} : memref<128x64xf32, #tpu.memory_space<vmem>>, vector<1x16xf32>,
      %mul3A_401 = arith.mulf %broadcast_in_dim3A_382, %get3A_363 : vector<16xf32>
      %add3A_402 = arith.addf %get3A_367, %mul3A_401 : vector<16xf32>
      %mul3A_403 = arith.mulf %add3A_402, %add3A_359 : vector<16xf32>
      %swap3A_404 = arith.index_cast %add3A_345 : i32 to index
      %swap3A_405 = arith.constant 16 : index
      %swap3A_406 = tpu.vector_load %arg19[%swap3A_404, %swap3A_405] {strides = array<i32>} : memref<128x64xf32, #tpu.memory_space<vmem>>, vector<1x16xf32>,
      %swap3A_407 = vector.shape_cast %swap3A_406 : vector<1x16xf32> to vector<16xf32>
      %swap3A_408 = vector.shape_cast %mul3A_403 : vector<16xf32> to vector<1x16xf32>
      tpu.vector_store %arg19[%swap3A_404, %swap3A_405], %swap3A_408 {strides = array<i32>} : memref<128x64xf32, #tpu.memory_space<vmem>>, vector<1x16xf32>,
      %mul3A_409 = arith.mulf %broadcast_in_dim3A_385, %get3A_363 : vector<16xf32>
      %add3A_410 = arith.addf %get3A_371, %mul3A_409 : vector<16xf32>
      %mul3A_411 = arith.mulf %add3A_410, %add3A_359 : vector<16xf32>
      %swap3A_412 = arith.index_cast %add3A_345 : i32 to index
      %swap3A_413 = arith.constant 32 : index
      %swap3A_414 = tpu.vector_load %arg19[%swap3A_412, %swap3A_413] {strides = array<i32>} : memref<128x64xf32, #tpu.memory_space<vmem>>, vector<1x16xf32>,
      %swap3A_415 = vector.shape_cast %swap3A_414 : vector<1x16xf32> to vector<16xf32>
      %swap3A_416 = vector.shape_cast %mul3A_411 : vector<16xf32> to vector<1x16xf32>
      tpu.vector_store %arg19[%swap3A_412, %swap3A_413], %swap3A_416 {strides = array<i32>} : memref<128x64xf32, #tpu.memory_space<vmem>>, vector<1x16xf32>,
      %mul3A_417 = arith.mulf %broadcast_in_dim3A_388, %get3A_363 : vector<16xf32>
      %add3A_418 = arith.addf %get3A_375, %mul3A_417 : vector<16xf32>
      %mul3A_419 = arith.mulf %add3A_418, %add3A_359 : vector<16xf32>
      %swap3A_420 = arith.index_cast %add3A_345 : i32 to index
      %swap3A_421 = arith.constant 48 : index
      %swap3A_422 = tpu.vector_load %arg19[%swap3A_420, %swap3A_421] {strides = array<i32>} : memref<128x64xf32, #tpu.memory_space<vmem>>, vector<1x16xf32>,
      %swap3A_423 = vector.shape_cast %swap3A_422 : vector<1x16xf32> to vector<16xf32>
      %swap3A_424 = vector.shape_cast %mul3A_419 : vector<16xf32> to vector<1x16xf32>
      tpu.vector_store %arg19[%swap3A_420, %swap3A_421], %swap3A_424 {strides = array<i32>} : memref<128x64xf32, #tpu.memory_space<vmem>>, vector<1x16xf32>,
    }
    %scan3A_91 = arith.constant 2 : i32
    "tpu.region"() ({
      %run_scoped3A = tpu.sem_alloc : memref<!tpu.dma_semaphore, #tpu.memory_space<semaphore_mem>>
      %dma_start3A_97 = arith.constant 0 : i32
      %dma_start3A_98 = arith.constant 0 : i32
      %dma_start3A_99 = tpu.memref_slice %arg19[%dma_start3A_97, %dma_start3A_98] : memref<128x64xf32, #tpu.memory_space<vmem>> -> memref<8x64xf32, #tpu.memory_space<vmem>>
      %dma_start3A_100 = arith.constant 0 : i32
      %dma_start3A_101 = arith.constant 0 : i32
      %dma_start3A_102 = tpu.memref_slice %arg21[%dma_start3A_100, %dma_start3A_101] : memref<10240x64xf32, #tpu.memory_space<vmem_shared>> -> memref<10240x64xf32, #tpu.memory_space<vmem_shared>>
      tpu.enqueue_indirect_dma source(%dma_start3A_99 : memref<8x64xf32, #tpu.memory_space<vmem>>) target(%dma_start3A_102 : memref<10240x64xf32, #tpu.memory_space<vmem_shared>>) offsets(%arg20 : memref<8xi32, #tpu.memory_space<vmem>>) semaphore(%run_scoped3A : memref<!tpu.dma_semaphore, #tpu.memory_space<semaphore_mem>>) {add = true}
      %dma_wait3A_103 = arith.constant 0 : i32
      %dma_wait3A_104 = arith.constant 0 : i32
      %dma_wait3A_105 = tpu.memref_slice %arg19[%dma_wait3A_103, %dma_wait3A_104] : memref<128x64xf32, #tpu.memory_space<vmem>> -> memref<8x64xf32, #tpu.memory_space<vmem>>
      %dma_wait3A_106 = arith.constant 0 : i32
      %dma_wait3A_107 = arith.constant 0 : i32
      %dma_wait3A_108 = tpu.memref_slice %arg21[%dma_wait3A_106, %dma_wait3A_107] : memref<10240x64xf32, #tpu.memory_space<vmem_shared>> -> memref<10240x64xf32, #tpu.memory_space<vmem_shared>>
      tpu.wait_indirect_dma semaphore(%run_scoped3A : memref<!tpu.dma_semaphore, #tpu.memory_space<semaphore_mem>>) src(%dma_wait3A_105 : memref<8x64xf32, #tpu.memory_space<vmem>>) dst(%dma_wait3A_108 : memref<10240x64xf32, #tpu.memory_space<vmem_shared>>)
      tpu.yield
    }) : () -> ()
    %barrier3A_92 = arith.constant 0 : index
    tpu.barrier barrier_id(%barrier3A_92)
    %mul3A_93 = arith.constant 640 : i32
    %mul3A_94 = arith.muli %arg1, %mul3A_93 : i32
    %mul3A_95 = arith.constant 640 : i32
    %mul3A_96 = arith.muli %arg1, %mul3A_95 : i32
    "tpu.region"() ({
      %run_scoped3A = tpu.sem_alloc : memref<!tpu.dma_semaphore, #tpu.memory_space<semaphore_mem>>
      %dma_start3A_97 = arith.constant 0 : i32
      %dma_start3A_98 = tpu.memref_slice %arg8[%arg0, %mul3A_96, %dma_start3A_97] : memref<2x10240x64xf32, #tpu.memory_space<hbm>> -> memref<1x640x64xf32, #tpu.memory_space<hbm>>
      %dma_start3A_99 = tpu.memref_squeeze %dma_start3A_98 : memref<1x640x64xf32, #tpu.memory_space<hbm>> -> memref<640x64xf32, #tpu.memory_space<hbm>>
      %dma_start3A_100 = arith.constant 0 : i32
      %dma_start3A_101 = tpu.memref_slice %arg21[%mul3A_94, %dma_start3A_100] : memref<10240x64xf32, #tpu.memory_space<vmem_shared>> -> memref<640x64xf32, #tpu.memory_space<vmem_shared>>
      tpu.enqueue_dma source(%dma_start3A_101 : memref<640x64xf32, #tpu.memory_space<vmem_shared>>) target(%dma_start3A_99 : memref<640x64xf32, #tpu.memory_space<hbm>>) target_semaphore(%run_scoped3A : memref<!tpu.dma_semaphore, #tpu.memory_space<semaphore_mem>>)
      %dma_wait3A_102 = arith.constant 0 : i32
      %dma_wait3A_103 = tpu.memref_slice %arg8[%arg0, %mul3A_96, %dma_wait3A_102] : memref<2x10240x64xf32, #tpu.memory_space<hbm>> -> memref<1x640x64xf32, #tpu.memory_space<hbm>>
      %dma_wait3A_104 = tpu.memref_squeeze %dma_wait3A_103 : memref<1x640x64xf32, #tpu.memory_space<hbm>> -> memref<640x64xf32, #tpu.memory_space<hbm>>
      %dma_wait3A_105 = arith.constant 0 : i32
      %dma_wait3A_106 = tpu.memref_slice %arg21[%mul3A_94, %dma_wait3A_105] : memref<10240x64xf32, #tpu.memory_space<vmem_shared>> -> memref<640x64xf32, #tpu.memory_space<vmem_shared>>
      tpu.wait_dma2 semaphore(%run_scoped3A : memref<!tpu.dma_semaphore, #tpu.memory_space<semaphore_mem>>) src(%dma_wait3A_106 : memref<640x64xf32, #tpu.memory_space<vmem_shared>>) dst(%dma_wait3A_104 : memref<640x64xf32, #tpu.memory_space<hbm>>)
      tpu.yield
    }) : () -> ()
    return
  }
}

module attributes {stable_mosaic.version = 14 : i64} {
  func.func @_prep_nodes_body(%arg0: i32, %arg1: memref<2000x128xf32, #tpu.memory_space<vmem>>, %arg2: memref<2000x128xf32, #tpu.memory_space<vmem>>, %arg3: memref<2000x128xf32, #tpu.memory_space<vmem>>, %arg4: memref<2000x128xf32, #tpu.memory_space<vmem>>, %arg5: memref<2000x128xf32, #tpu.memory_space<vmem>>, %arg6: memref<128x128xf32, #tpu.memory_space<vmem>>, %arg7: memref<128x128xf32, #tpu.memory_space<vmem>>, %arg8: memref<128x16xf32, #tpu.memory_space<vmem>>, %arg9: memref<128x16xf32, #tpu.memory_space<vmem>>, %arg10: memref<128x16xf32, #tpu.memory_space<vmem>>, %arg11: memref<2000x16xf32, #tpu.memory_space<vmem>>, %arg12: memref<2000x80xf32, #tpu.memory_space<vmem>>) attributes {dimension_semantics = [#tpu.dimension_semantics<arbitrary>], iteration_bounds = array<i64: 5>, scalar_prefetch = 0 : i64, scratch_operands = 0 : i64, tpu.core_type = #tpu.core_type<tc>, window_params = [{transform_indices = @transform_0, window_bounds = array<i64: 2000, 128>}, {transform_indices = @transform_1, window_bounds = array<i64: 2000, 128>}, {transform_indices = @transform_2, window_bounds = array<i64: 2000, 128>}, {transform_indices = @transform_3, window_bounds = array<i64: 2000, 128>}, {transform_indices = @transform_4, window_bounds = array<i64: 2000, 128>}, {pipeline_mode = #tpu.pipeline_mode<synchronous>, transform_indices = @transform_5, window_bounds = array<i64: 128, 128>}, {pipeline_mode = #tpu.pipeline_mode<synchronous>, transform_indices = @transform_6, window_bounds = array<i64: 128, 128>}, {pipeline_mode = #tpu.pipeline_mode<synchronous>, transform_indices = @transform_7, window_bounds = array<i64: 128, 16>}, {pipeline_mode = #tpu.pipeline_mode<synchronous>, transform_indices = @transform_8, window_bounds = array<i64: 128, 16>}, {pipeline_mode = #tpu.pipeline_mode<synchronous>, transform_indices = @transform_9, window_bounds = array<i64: 128, 16>}, {transform_indices = @transform_10, window_bounds = array<i64: 2000, 16>}, {transform_indices = @transform_11, window_bounds = array<i64: 2000, 80>}]} {
    %get3A = arith.constant 0 : index
    %get3A_0 = arith.constant 0 : index
    %get3A_1 = vector.load %arg8[%get3A, %get3A_0] : memref<128x16xf32, #tpu.memory_space<vmem>>, vector<128x16xf32>
    %get3A_2 = arith.constant 0 : index
    %get3A_3 = arith.constant 0 : index
    %get3A_4 = vector.load %arg6[%get3A_2, %get3A_3] : memref<128x128xf32, #tpu.memory_space<vmem>>, vector<128x128xf32>
    %dot_general3A = arith.constant dense<0.000000e+00> : vector<128x16xf32>
    %dot_general3A_5 = tpu.matmul %get3A_4, %get3A_1, %dot_general3A {dimension_numbers = #tpu.dot_dimension_numbers<[1], [0], [0], [1], [0, 0, 1, 1], [], []>, transpose_lhs_hint = false} : vector<128x128xf32>, vector<128x16xf32>, vector<128x16xf32> -> vector<128x16xf32>
    %get3A_6 = arith.constant 0 : index
    %get3A_7 = arith.constant 0 : index
    %get3A_8 = vector.load %arg7[%get3A_6, %get3A_7] : memref<128x128xf32, #tpu.memory_space<vmem>>, vector<128x128xf32>
    %dot_general3A_9 = arith.constant dense<0.000000e+00> : vector<128x16xf32>
    %dot_general3A_10 = tpu.matmul %get3A_8, %get3A_1, %dot_general3A_9 {dimension_numbers = #tpu.dot_dimension_numbers<[1], [0], [0], [1], [0, 0, 1, 1], [], []>, transpose_lhs_hint = false} : vector<128x128xf32>, vector<128x16xf32>, vector<128x16xf32> -> vector<128x16xf32>
    %get3A_11 = arith.constant 0 : index
    %get3A_12 = arith.constant 0 : index
    %get3A_13 = vector.load %arg1[%get3A_11, %get3A_12] : memref<2000x128xf32, #tpu.memory_space<vmem>>, vector<2000x128xf32>
    %dot_general3A_14 = arith.constant dense<0.000000e+00> : vector<2000x16xf32>
    %dot_general3A_15 = tpu.matmul %get3A_13, %dot_general3A_5, %dot_general3A_14 {dimension_numbers = #tpu.dot_dimension_numbers<[1], [0], [0], [1], [0, 0, 1, 1], [], []>, transpose_lhs_hint = false} : vector<2000x128xf32>, vector<128x16xf32>, vector<2000x16xf32> -> vector<2000x16xf32>
    %swap3A = arith.constant 0 : index
    %swap3A_16 = arith.constant 0 : index
    %swap3A_17 = vector.load %arg11[%swap3A, %swap3A_16] : memref<2000x16xf32, #tpu.memory_space<vmem>>, vector<2000x16xf32>
    tpu.vector_store %arg11[%swap3A, %swap3A_16], %dot_general3A_15 {strides = array<i32>} : memref<2000x16xf32, #tpu.memory_space<vmem>>, vector<2000x16xf32>,
    %dot_general3A_18 = arith.constant dense<0.000000e+00> : vector<2000x16xf32>
    %dot_general3A_19 = tpu.matmul %get3A_13, %dot_general3A_10, %dot_general3A_18 {dimension_numbers = #tpu.dot_dimension_numbers<[1], [0], [0], [1], [0, 0, 1, 1], [], []>, transpose_lhs_hint = false} : vector<2000x128xf32>, vector<128x16xf32>, vector<2000x16xf32> -> vector<2000x16xf32>
    %swap3A_20 = arith.constant 0 : index
    %swap3A_21 = arith.constant 0 : index
    %swap3A_22 = vector.load %arg12[%swap3A_20, %swap3A_21] : memref<2000x80xf32, #tpu.memory_space<vmem>>, vector<2000x16xf32>
    tpu.vector_store %arg12[%swap3A_20, %swap3A_21], %dot_general3A_19 {strides = array<i32>} : memref<2000x80xf32, #tpu.memory_space<vmem>>, vector<2000x16xf32>,
    %get3A_23 = arith.constant 0 : index
    %get3A_24 = arith.constant 0 : index
    %get3A_25 = vector.load %arg2[%get3A_23, %get3A_24] : memref<2000x128xf32, #tpu.memory_space<vmem>>, vector<2000x128xf32>
    %get3A_26 = arith.constant 0 : index
    %get3A_27 = arith.constant 0 : index
    %get3A_28 = vector.load %arg9[%get3A_26, %get3A_27] : memref<128x16xf32, #tpu.memory_space<vmem>>, vector<128x16xf32>
    %dot_general3A_29 = arith.constant dense<0.000000e+00> : vector<2000x16xf32>
    %dot_general3A_30 = tpu.matmul %get3A_25, %get3A_28, %dot_general3A_29 {dimension_numbers = #tpu.dot_dimension_numbers<[1], [0], [0], [1], [0, 0, 1, 1], [], []>, transpose_lhs_hint = false} : vector<2000x128xf32>, vector<128x16xf32>, vector<2000x16xf32> -> vector<2000x16xf32>
    %swap3A_31 = arith.constant 0 : index
    %swap3A_32 = arith.constant 16 : index
    %swap3A_33 = vector.load %arg12[%swap3A_31, %swap3A_32] : memref<2000x80xf32, #tpu.memory_space<vmem>>, vector<2000x16xf32>
    tpu.vector_store %arg12[%swap3A_31, %swap3A_32], %dot_general3A_30 {strides = array<i32>} : memref<2000x80xf32, #tpu.memory_space<vmem>>, vector<2000x16xf32>,
    %get3A_34 = arith.constant 0 : index
    %get3A_35 = arith.constant 0 : index
    %get3A_36 = vector.load %arg10[%get3A_34, %get3A_35] : memref<128x16xf32, #tpu.memory_space<vmem>>, vector<128x16xf32>
    %get3A_37 = arith.constant 0 : index
    %get3A_38 = arith.constant 0 : index
    %get3A_39 = vector.load %arg3[%get3A_37, %get3A_38] : memref<2000x128xf32, #tpu.memory_space<vmem>>, vector<2000x128xf32>
    %dot_general3A_40 = arith.constant dense<0.000000e+00> : vector<2000x16xf32>
    %dot_general3A_41 = tpu.matmul %get3A_39, %get3A_36, %dot_general3A_40 {dimension_numbers = #tpu.dot_dimension_numbers<[1], [0], [0], [1], [0, 0, 1, 1], [], []>, transpose_lhs_hint = false} : vector<2000x128xf32>, vector<128x16xf32>, vector<2000x16xf32> -> vector<2000x16xf32>
    %swap3A_42 = arith.constant 0 : index
    %swap3A_43 = arith.constant 32 : index
    %swap3A_44 = vector.load %arg12[%swap3A_42, %swap3A_43] : memref<2000x80xf32, #tpu.memory_space<vmem>>, vector<2000x16xf32>
    tpu.vector_store %arg12[%swap3A_42, %swap3A_43], %dot_general3A_41 {strides = array<i32>} : memref<2000x80xf32, #tpu.memory_space<vmem>>, vector<2000x16xf32>,
    %get3A_45 = arith.constant 0 : index
    %get3A_46 = arith.constant 0 : index
    %get3A_47 = vector.load %arg4[%get3A_45, %get3A_46] : memref<2000x128xf32, #tpu.memory_space<vmem>>, vector<2000x128xf32>
    %dot_general3A_48 = arith.constant dense<0.000000e+00> : vector<2000x16xf32>
    %dot_general3A_49 = tpu.matmul %get3A_47, %get3A_36, %dot_general3A_48 {dimension_numbers = #tpu.dot_dimension_numbers<[1], [0], [0], [1], [0, 0, 1, 1], [], []>, transpose_lhs_hint = false} : vector<2000x128xf32>, vector<128x16xf32>, vector<2000x16xf32> -> vector<2000x16xf32>
    %swap3A_50 = arith.constant 0 : index
    %swap3A_51 = arith.constant 48 : index
    %swap3A_52 = vector.load %arg12[%swap3A_50, %swap3A_51] : memref<2000x80xf32, #tpu.memory_space<vmem>>, vector<2000x16xf32>
    tpu.vector_store %arg12[%swap3A_50, %swap3A_51], %dot_general3A_49 {strides = array<i32>} : memref<2000x80xf32, #tpu.memory_space<vmem>>, vector<2000x16xf32>,
    %get3A_53 = arith.constant 0 : index
    %get3A_54 = arith.constant 0 : index
    %get3A_55 = vector.load %arg5[%get3A_53, %get3A_54] : memref<2000x128xf32, #tpu.memory_space<vmem>>, vector<2000x128xf32>
    %dot_general3A_56 = arith.constant dense<0.000000e+00> : vector<2000x16xf32>
    %dot_general3A_57 = tpu.matmul %get3A_55, %get3A_36, %dot_general3A_56 {dimension_numbers = #tpu.dot_dimension_numbers<[1], [0], [0], [1], [0, 0, 1, 1], [], []>, transpose_lhs_hint = false} : vector<2000x128xf32>, vector<128x16xf32>, vector<2000x16xf32> -> vector<2000x16xf32>
    %swap3A_58 = arith.constant 0 : index
    %swap3A_59 = arith.constant 64 : index
    %swap3A_60 = vector.load %arg12[%swap3A_58, %swap3A_59] : memref<2000x80xf32, #tpu.memory_space<vmem>>, vector<2000x16xf32>
    tpu.vector_store %arg12[%swap3A_58, %swap3A_59], %dot_general3A_57 {strides = array<i32>} : memref<2000x80xf32, #tpu.memory_space<vmem>>, vector<2000x16xf32>,
    return
  }
  func.func @transform_0(%arg0: i32) -> (i32, i32) {
    %c0_i32 = arith.constant 0 : i32
    %c0_i32_0 = arith.constant 0 : i32
    return %arg0, %c0_i32 : i32, i32
  }
  func.func @transform_1(%arg0: i32) -> (i32, i32) {
    %c0_i32 = arith.constant 0 : i32
    %c0_i32_0 = arith.constant 0 : i32
    return %arg0, %c0_i32 : i32, i32
  }
  func.func @transform_2(%arg0: i32) -> (i32, i32) {
    %c0_i32 = arith.constant 0 : i32
    %c0_i32_0 = arith.constant 0 : i32
    return %arg0, %c0_i32 : i32, i32
  }
  func.func @transform_3(%arg0: i32) -> (i32, i32) {
    %c0_i32 = arith.constant 0 : i32
    %c0_i32_0 = arith.constant 0 : i32
    return %arg0, %c0_i32 : i32, i32
  }
  func.func @transform_4(%arg0: i32) -> (i32, i32) {
    %c0_i32 = arith.constant 0 : i32
    %c0_i32_0 = arith.constant 0 : i32
    return %arg0, %c0_i32 : i32, i32
  }
  func.func @transform_5(%arg0: i32) -> (i32, i32) {
    %c0_i32 = arith.constant 0 : i32
    %c0_i32_0 = arith.constant 0 : i32
    %c0_i32_1 = arith.constant 0 : i32
    return %c0_i32, %c0_i32_0 : i32, i32
  }
  func.func @transform_6(%arg0: i32) -> (i32, i32) {
    %c0_i32 = arith.constant 0 : i32
    %c0_i32_0 = arith.constant 0 : i32
    %c0_i32_1 = arith.constant 0 : i32
    return %c0_i32, %c0_i32_0 : i32, i32
  }
  func.func @transform_7(%arg0: i32) -> (i32, i32) {
    %c0_i32 = arith.constant 0 : i32
    %c0_i32_0 = arith.constant 0 : i32
    %c0_i32_1 = arith.constant 0 : i32
    return %c0_i32, %c0_i32_0 : i32, i32
  }
  func.func @transform_8(%arg0: i32) -> (i32, i32) {
    %c0_i32 = arith.constant 0 : i32
    %c0_i32_0 = arith.constant 0 : i32
    %c0_i32_1 = arith.constant 0 : i32
    return %c0_i32, %c0_i32_0 : i32, i32
  }
  func.func @transform_9(%arg0: i32) -> (i32, i32) {
    %c0_i32 = arith.constant 0 : i32
    %c0_i32_0 = arith.constant 0 : i32
    %c0_i32_1 = arith.constant 0 : i32
    return %c0_i32, %c0_i32_0 : i32, i32
  }
  func.func @transform_10(%arg0: i32) -> (i32, i32) {
    %c0_i32 = arith.constant 0 : i32
    %c0_i32_0 = arith.constant 0 : i32
    return %arg0, %c0_i32 : i32, i32
  }
  func.func @transform_11(%arg0: i32) -> (i32, i32) {
    %c0_i32 = arith.constant 0 : i32
    %c0_i32_0 = arith.constant 0 : i32
    return %arg0, %c0_i32 : i32, i32
  }
}

module attributes {stable_mosaic.version = 14 : i64} {
  func.func @_prep_edges_body(%arg0: i32, %arg1: memref<3x3200xf32, #tpu.memory_space<vmem>>, %arg2: memref<8x128xf32, #tpu.memory_space<vmem>>, %arg3: memref<128x16xf32, #tpu.memory_space<vmem>>, %arg4: memref<1x128xf32, #tpu.memory_space<vmem>>, %arg5: memref<1x128xf32, #tpu.memory_space<vmem>>, %arg6: memref<1x128xf32, #tpu.memory_space<vmem>>, %arg7: memref<3200x128xf32, #tpu.memory_space<vmem>>) attributes {dimension_semantics = [#tpu.dimension_semantics<arbitrary>], iteration_bounds = array<i64: 50>, scalar_prefetch = 0 : i64, scratch_operands = 0 : i64, tpu.core_type = #tpu.core_type<tc>, window_params = [{transform_indices = @transform_0, window_bounds = array<i64: 3, 3200>}, {pipeline_mode = #tpu.pipeline_mode<synchronous>, transform_indices = @transform_1, window_bounds = array<i64: 8, 128>}, {pipeline_mode = #tpu.pipeline_mode<synchronous>, transform_indices = @transform_2, window_bounds = array<i64: 128, 16>}, {pipeline_mode = #tpu.pipeline_mode<synchronous>, transform_indices = @transform_3, window_bounds = array<i64: 1, 128>}, {pipeline_mode = #tpu.pipeline_mode<synchronous>, transform_indices = @transform_4, window_bounds = array<i64: 1, 128>}, {pipeline_mode = #tpu.pipeline_mode<synchronous>, transform_indices = @transform_5, window_bounds = array<i64: 1, 128>}, {transform_indices = @transform_6, window_bounds = array<i64: 3200, 128>}]} {
    %get3A = arith.constant 0 : index
    %get3A_0 = arith.constant 0 : index
    %get3A_1 = vector.load %arg1[%get3A, %get3A_0] : memref<3x3200xf32, #tpu.memory_space<vmem>>, vector<3x3200xf32>
    %mul3A = arith.mulf %get3A_1, %get3A_1 : vector<3x3200xf32>
    %reduce_sum3A = arith.constant dense<0.000000e+00> : vector<3200xf32>
    %reduce_sum3A_2 = vector.multi_reduction <add>, %mul3A, %reduce_sum3A [0] : vector<3x3200xf32> to vector<3200xf32>
    %broadcast_in_dim3A = vector.shape_cast %reduce_sum3A_2 : vector<3200xf32> to vector<1x3200xf32>
    %add3A = arith.constant 9.99999996E-13 : f32
    %add3A_3 = vector.broadcast %add3A : f32 to vector<1x3200xf32>
    %add3A_4 = arith.addf %broadcast_in_dim3A, %add3A_3 : vector<1x3200xf32>
    %sqrt3A = math.sqrt %add3A_4 : vector<1x3200xf32>
    %iota3A = tpu.iota {dimensions = array<i32: 0>} : vector<8x1xi32>
    %add3A_5 = arith.constant 1 : i32
    %add3A_6 = vector.broadcast %add3A_5 : i32 to vector<8x1xi32>
    %add3A_7 = arith.addi %iota3A, %add3A_6 : vector<8x1xi32>
    %convert_element_type3A = arith.sitofp %add3A_7 : vector<8x1xi32> to vector<8x1xf32>
    %mul3A_8 = arith.constant 0.628318548 : f32
    %mul3A_9 = vector.broadcast %mul3A_8 : f32 to vector<8x1xf32>
    %mul3A_10 = arith.mulf %mul3A_9, %convert_element_type3A : vector<8x1xf32>
    %mul3A_11 = vector.broadcast %mul3A_10 : vector<8x1xf32> to vector<8x3200xf32>
    %mul3A_12 = vector.broadcast %sqrt3A : vector<1x3200xf32> to vector<8x3200xf32>
    %mul3A_13 = arith.mulf %mul3A_11, %mul3A_12 : vector<8x3200xf32>
    %sin3A = math.sin %mul3A_13 : vector<8x3200xf32>
    %get3A_14 = arith.constant 0 : index
    %get3A_15 = arith.constant 0 : index
    %get3A_16 = vector.load %arg3[%get3A_14, %get3A_15] : memref<128x16xf32, #tpu.memory_space<vmem>>, vector<128x16xf32>
    %get3A_17 = arith.constant 0 : index
    %get3A_18 = arith.constant 0 : index
    %get3A_19 = vector.load %arg2[%get3A_17, %get3A_18] : memref<8x128xf32, #tpu.memory_space<vmem>>, vector<8x128xf32>
    %dot_general3A = arith.constant dense<0.000000e+00> : vector<8x16xf32>
    %dot_general3A_20 = tpu.matmul %get3A_19, %get3A_16, %dot_general3A {dimension_numbers = #tpu.dot_dimension_numbers<[1], [0], [0], [1], [0, 0, 1, 1], [], []>, transpose_lhs_hint = false} : vector<8x128xf32>, vector<128x16xf32>, vector<8x16xf32> -> vector<8x16xf32>
    %get3A_21 = arith.constant 0 : index
    %get3A_22 = arith.constant 0 : index
    %get3A_23 = vector.load %arg4[%get3A_21, %get3A_22] : memref<1x128xf32, #tpu.memory_space<vmem>>, vector<1x128xf32>
    %get3A_24 = arith.constant 0 : index
    %get3A_25 = arith.constant 0 : index
    %get3A_26 = vector.load %arg5[%get3A_24, %get3A_25] : memref<1x128xf32, #tpu.memory_space<vmem>>, vector<1x128xf32>
    %add3A_27 = arith.addf %get3A_23, %get3A_26 : vector<1x128xf32>
    %get3A_28 = arith.constant 0 : index
    %get3A_29 = arith.constant 0 : index
    %get3A_30 = vector.load %arg6[%get3A_28, %get3A_29] : memref<1x128xf32, #tpu.memory_space<vmem>>, vector<1x128xf32>
    %add3A_31 = arith.addf %add3A_27, %get3A_30 : vector<1x128xf32>
    %dot_general3A_32 = arith.constant dense<0.000000e+00> : vector<1x16xf32>
    %dot_general3A_33 = tpu.matmul %add3A_31, %get3A_16, %dot_general3A_32 {dimension_numbers = #tpu.dot_dimension_numbers<[1], [0], [0], [1], [0, 0, 1, 1], [], []>, transpose_lhs_hint = false} : vector<1x128xf32>, vector<128x16xf32>, vector<1x16xf32> -> vector<1x16xf32>
    %mul3A_34 = arith.constant 1.400000e+00 : f32
    %mul3A_35 = vector.broadcast %mul3A_34 : f32 to vector<3x3200xf32>
    %mul3A_36 = arith.mulf %get3A_1, %mul3A_35 : vector<3x3200xf32>
    %mul3A_37 = arith.mulf %mul3A_36, %mul3A_36 : vector<3x3200xf32>
    %reduce_sum3A_38 = arith.constant dense<0.000000e+00> : vector<3200xf32>
    %reduce_sum3A_39 = vector.multi_reduction <add>, %mul3A_37, %reduce_sum3A_38 [0] : vector<3x3200xf32> to vector<3200xf32>
    %broadcast_in_dim3A_40 = vector.shape_cast %reduce_sum3A_39 : vector<3200xf32> to vector<1x3200xf32>
    %add3A_41 = arith.constant 1.000000e+00 : f32
    %add3A_42 = vector.broadcast %add3A_41 : f32 to vector<1x3200xf32>
    %add3A_43 = arith.addf %add3A_42, %broadcast_in_dim3A_40 : vector<1x3200xf32>
    %rsqrt3A = math.rsqrt %add3A_43 : vector<1x3200xf32>
    %mul3A_44 = vector.broadcast %rsqrt3A : vector<1x3200xf32> to vector<3x3200xf32>
    %mul3A_45 = arith.mulf %mul3A_36, %mul3A_44 : vector<3x3200xf32>
    %iota3A_46 = tpu.iota {dimensions = array<i32: 1>} : vector<16x32xi32>
    %iota3A_47 = tpu.iota {dimensions = array<i32: 0>} : vector<16x32xi32>
    %eq3A = arith.cmpi eq, %iota3A_46, %iota3A_47 : vector<16x32xi32>
    %convert_element_type3A_48 = arith.extui %eq3A : vector<16x32xi1> to vector<16x32xi32>
    %convert_element_type3A_49 = arith.sitofp %convert_element_type3A_48 : vector<16x32xi32> to vector<16x32xf32>
    %iota3A_50 = tpu.iota {dimensions = array<i32: 1>} : vector<3x32xi32>
    %iota3A_51 = tpu.iota {dimensions = array<i32: 0>} : vector<3x32xi32>
    %add3A_52 = arith.constant 16 : i32
    %add3A_53 = vector.broadcast %add3A_52 : i32 to vector<3x32xi32>
    %add3A_54 = arith.addi %iota3A_51, %add3A_53 : vector<3x32xi32>
    %eq3A_55 = arith.cmpi eq, %iota3A_50, %add3A_54 : vector<3x32xi32>
    %convert_element_type3A_56 = arith.extui %eq3A_55 : vector<3x32xi1> to vector<3x32xi32>
    %convert_element_type3A_57 = arith.sitofp %convert_element_type3A_56 : vector<3x32xi32> to vector<3x32xf32>
    %dot_general3A_58 = arith.constant dense<0.000000e+00> : vector<8x32xf32>
    %dot_general3A_59 = tpu.matmul %dot_general3A_20, %convert_element_type3A_49, %dot_general3A_58 {dimension_numbers = #tpu.dot_dimension_numbers<[1], [0], [0], [1], [0, 0, 1, 1], [], []>, transpose_lhs_hint = false} : vector<8x16xf32>, vector<16x32xf32>, vector<8x32xf32> -> vector<8x32xf32>
    %dot_general3A_60 = arith.constant dense<0.000000e+00> : vector<1x32xf32>
    %dot_general3A_61 = tpu.matmul %dot_general3A_33, %convert_element_type3A_49, %dot_general3A_60 {dimension_numbers = #tpu.dot_dimension_numbers<[1], [0], [0], [1], [0, 0, 1, 1], [], []>, transpose_lhs_hint = false} : vector<1x16xf32>, vector<16x32xf32>, vector<1x32xf32> -> vector<1x32xf32>
    %dot_general3A_62 = arith.constant dense<0.000000e+00> : vector<3200x32xf32>
    %dot_general3A_63 = tpu.matmul %sin3A, %dot_general3A_59, %dot_general3A_62 {dimension_numbers = #tpu.dot_dimension_numbers<[0], [0], [1], [1], [0, 1, 1, 1], [], []>, transpose_lhs_hint = false} : vector<8x3200xf32>, vector<8x32xf32>, vector<3200x32xf32> -> vector<3200x32xf32>
    %dot_general3A_64 = arith.constant dense<0.000000e+00> : vector<3200x32xf32>
    %dot_general3A_65 = tpu.matmul %mul3A_45, %convert_element_type3A_57, %dot_general3A_64 {dimension_numbers = #tpu.dot_dimension_numbers<[0], [0], [1], [1], [0, 1, 1, 1], [], []>, transpose_lhs_hint = false} : vector<3x3200xf32>, vector<3x32xf32>, vector<3200x32xf32> -> vector<3200x32xf32>
    %add3A_66 = arith.addf %dot_general3A_63, %dot_general3A_65 : vector<3200x32xf32>
    %add3A_67 = vector.broadcast %dot_general3A_61 : vector<1x32xf32> to vector<3200x32xf32>
    %add3A_68 = arith.addf %add3A_66, %add3A_67 : vector<3200x32xf32>
    %swap3A = arith.constant 0 : index
    %swap3A_69 = arith.constant 0 : index
    %swap3A_70 = vector.load %arg7[%swap3A, %swap3A_69] : memref<3200x128xf32, #tpu.memory_space<vmem>>, vector<3200x32xf32>
    tpu.vector_store %arg7[%swap3A, %swap3A_69], %add3A_68 {strides = array<i32>} : memref<3200x128xf32, #tpu.memory_space<vmem>>, vector<3200x32xf32>,
    return
  }
  func.func @transform_0(%arg0: i32) -> (i32, i32) {
    %c0_i32 = arith.constant 0 : i32
    %c0_i32_0 = arith.constant 0 : i32
    return %c0_i32, %arg0 : i32, i32
  }
  func.func @transform_1(%arg0: i32) -> (i32, i32) {
    %c0_i32 = arith.constant 0 : i32
    %c0_i32_0 = arith.constant 0 : i32
    %c0_i32_1 = arith.constant 0 : i32
    return %c0_i32, %c0_i32_0 : i32, i32
  }
  func.func @transform_2(%arg0: i32) -> (i32, i32) {
    %c0_i32 = arith.constant 0 : i32
    %c0_i32_0 = arith.constant 0 : i32
    %c0_i32_1 = arith.constant 0 : i32
    return %c0_i32, %c0_i32_0 : i32, i32
  }
  func.func @transform_3(%arg0: i32) -> (i32, i32) {
    %c0_i32 = arith.constant 0 : i32
    %c0_i32_0 = arith.constant 0 : i32
    %c0_i32_1 = arith.constant 0 : i32
    return %c0_i32, %c0_i32_0 : i32, i32
  }
  func.func @transform_4(%arg0: i32) -> (i32, i32) {
    %c0_i32 = arith.constant 0 : i32
    %c0_i32_0 = arith.constant 0 : i32
    %c0_i32_1 = arith.constant 0 : i32
    return %c0_i32, %c0_i32_0 : i32, i32
  }
  func.func @transform_5(%arg0: i32) -> (i32, i32) {
    %c0_i32 = arith.constant 0 : i32
    %c0_i32_0 = arith.constant 0 : i32
    %c0_i32_1 = arith.constant 0 : i32
    return %c0_i32, %c0_i32_0 : i32, i32
  }
  func.func @transform_6(%arg0: i32) -> (i32, i32) {
    %c0_i32 = arith.constant 0 : i32
    %c0_i32_0 = arith.constant 0 : i32
    return %arg0, %c0_i32 : i32, i32
  }
}

module attributes {stable_mosaic.version = 14 : i64} {
  func.func @_post_body(%arg0: i32, %arg1: memref<2x2048x64xf32, #tpu.memory_space<vmem>>, %arg2: memref<16x128xf32, #tpu.memory_space<vmem>>, %arg3: memref<16x128xf32, #tpu.memory_space<vmem>>, %arg4: memref<2048x128xf32, #tpu.memory_space<vmem>>, %arg5: memref<3x2048x128xf32, #tpu.memory_space<vmem>>) attributes {dimension_semantics = [#tpu.dimension_semantics<arbitrary>], iteration_bounds = array<i64: 5>, scalar_prefetch = 0 : i64, scratch_operands = 0 : i64, tpu.core_type = #tpu.core_type<tc>, window_params = [{transform_indices = @transform_0, window_bounds = array<i64: 2, 2048, 64>}, {pipeline_mode = #tpu.pipeline_mode<synchronous>, transform_indices = @transform_1, window_bounds = array<i64: 16, 128>}, {pipeline_mode = #tpu.pipeline_mode<synchronous>, transform_indices = @transform_2, window_bounds = array<i64: 16, 128>}, {transform_indices = @transform_3, window_bounds = array<i64: 2048, 128>}, {transform_indices = @transform_4, window_bounds = array<i64: 3, 2048, 128>}]} {
    %get3A = arith.constant 0 : index
    %get3A_0 = arith.constant 0 : index
    %get3A_1 = arith.constant 0 : index
    %get3A_2 = vector.load %arg1[%get3A, %get3A_0, %get3A_1] : memref<2x2048x64xf32, #tpu.memory_space<vmem>>, vector<1x2048x64xf32>
    %get3A_3 = vector.shape_cast %get3A_2 : vector<1x2048x64xf32> to vector<2048x64xf32>
    %get3A_4 = arith.constant 1 : index
    %get3A_5 = arith.constant 0 : index
    %get3A_6 = arith.constant 0 : index
    %get3A_7 = vector.load %arg1[%get3A_4, %get3A_5, %get3A_6] : memref<2x2048x64xf32, #tpu.memory_space<vmem>>, vector<1x2048x64xf32>
    %get3A_8 = vector.shape_cast %get3A_7 : vector<1x2048x64xf32> to vector<2048x64xf32>
    %add3A = arith.addf %get3A_3, %get3A_8 : vector<2048x64xf32>
    %slice3A = vector.extract_strided_slice %add3A {offsets = [0, 0], sizes = [2048, 16], strides = [1, 1]} : vector<2048x64xf32> to vector<2048x16xf32>
    %get3A_9 = arith.constant 0 : index
    %get3A_10 = arith.constant 0 : index
    %get3A_11 = vector.load %arg2[%get3A_9, %get3A_10] : memref<16x128xf32, #tpu.memory_space<vmem>>, vector<16x128xf32>
    %dot_general3A = arith.constant dense<0.000000e+00> : vector<2048x128xf32>
    %dot_general3A_12 = tpu.matmul %slice3A, %get3A_11, %dot_general3A {dimension_numbers = #tpu.dot_dimension_numbers<[1], [0], [0], [1], [0, 0, 1, 1], [], []>, transpose_lhs_hint = false} : vector<2048x16xf32>, vector<16x128xf32>, vector<2048x128xf32> -> vector<2048x128xf32>
    %swap3A = arith.constant 0 : index
    %swap3A_13 = arith.constant 0 : index
    %swap3A_14 = vector.load %arg4[%swap3A, %swap3A_13] : memref<2048x128xf32, #tpu.memory_space<vmem>>, vector<2048x128xf32>
    tpu.vector_store %arg4[%swap3A, %swap3A_13], %dot_general3A_12 {strides = array<i32>} : memref<2048x128xf32, #tpu.memory_space<vmem>>, vector<2048x128xf32>,
    %get3A_15 = arith.constant 0 : index
    %get3A_16 = arith.constant 0 : index
    %get3A_17 = vector.load %arg3[%get3A_15, %get3A_16] : memref<16x128xf32, #tpu.memory_space<vmem>>, vector<16x128xf32>
    %slice3A_18 = vector.extract_strided_slice %add3A {offsets = [0, 16], sizes = [2048, 16], strides = [1, 1]} : vector<2048x64xf32> to vector<2048x16xf32>
    %dot_general3A_19 = arith.constant dense<0.000000e+00> : vector<2048x128xf32>
    %dot_general3A_20 = tpu.matmul %slice3A_18, %get3A_17, %dot_general3A_19 {dimension_numbers = #tpu.dot_dimension_numbers<[1], [0], [0], [1], [0, 0, 1, 1], [], []>, transpose_lhs_hint = false} : vector<2048x16xf32>, vector<16x128xf32>, vector<2048x128xf32> -> vector<2048x128xf32>
    %swap3A_21 = arith.constant 0 : index
    %swap3A_22 = arith.constant 0 : index
    %swap3A_23 = arith.constant 0 : index
    %swap3A_24 = vector.load %arg5[%swap3A_21, %swap3A_22, %swap3A_23] : memref<3x2048x128xf32, #tpu.memory_space<vmem>>, vector<1x2048x128xf32>
    %swap3A_25 = vector.shape_cast %swap3A_24 : vector<1x2048x128xf32> to vector<2048x128xf32>
    %swap3A_26 = vector.shape_cast %dot_general3A_20 : vector<2048x128xf32> to vector<1x2048x128xf32>
    tpu.vector_store %arg5[%swap3A_21, %swap3A_22, %swap3A_23], %swap3A_26 {strides = array<i32>} : memref<3x2048x128xf32, #tpu.memory_space<vmem>>, vector<1x2048x128xf32>,
    %slice3A_27 = vector.extract_strided_slice %add3A {offsets = [0, 32], sizes = [2048, 16], strides = [1, 1]} : vector<2048x64xf32> to vector<2048x16xf32>
    %dot_general3A_28 = arith.constant dense<0.000000e+00> : vector<2048x128xf32>
    %dot_general3A_29 = tpu.matmul %slice3A_27, %get3A_17, %dot_general3A_28 {dimension_numbers = #tpu.dot_dimension_numbers<[1], [0], [0], [1], [0, 0, 1, 1], [], []>, transpose_lhs_hint = false} : vector<2048x16xf32>, vector<16x128xf32>, vector<2048x128xf32> -> vector<2048x128xf32>
    %swap3A_30 = arith.constant 1 : index
    %swap3A_31 = arith.constant 0 : index
    %swap3A_32 = arith.constant 0 : index
    %swap3A_33 = vector.load %arg5[%swap3A_30, %swap3A_31, %swap3A_32] : memref<3x2048x128xf32, #tpu.memory_space<vmem>>, vector<1x2048x128xf32>
    %swap3A_34 = vector.shape_cast %swap3A_33 : vector<1x2048x128xf32> to vector<2048x128xf32>
    %swap3A_35 = vector.shape_cast %dot_general3A_29 : vector<2048x128xf32> to vector<1x2048x128xf32>
    tpu.vector_store %arg5[%swap3A_30, %swap3A_31, %swap3A_32], %swap3A_35 {strides = array<i32>} : memref<3x2048x128xf32, #tpu.memory_space<vmem>>, vector<1x2048x128xf32>,
    %slice3A_36 = vector.extract_strided_slice %add3A {offsets = [0, 48], sizes = [2048, 16], strides = [1, 1]} : vector<2048x64xf32> to vector<2048x16xf32>
    %dot_general3A_37 = arith.constant dense<0.000000e+00> : vector<2048x128xf32>
    %dot_general3A_38 = tpu.matmul %slice3A_36, %get3A_17, %dot_general3A_37 {dimension_numbers = #tpu.dot_dimension_numbers<[1], [0], [0], [1], [0, 0, 1, 1], [], []>, transpose_lhs_hint = false} : vector<2048x16xf32>, vector<16x128xf32>, vector<2048x128xf32> -> vector<2048x128xf32>
    %swap3A_39 = arith.constant 2 : index
    %swap3A_40 = arith.constant 0 : index
    %swap3A_41 = arith.constant 0 : index
    %swap3A_42 = vector.load %arg5[%swap3A_39, %swap3A_40, %swap3A_41] : memref<3x2048x128xf32, #tpu.memory_space<vmem>>, vector<1x2048x128xf32>
    %swap3A_43 = vector.shape_cast %swap3A_42 : vector<1x2048x128xf32> to vector<2048x128xf32>
    %swap3A_44 = vector.shape_cast %dot_general3A_38 : vector<2048x128xf32> to vector<1x2048x128xf32>
    tpu.vector_store %arg5[%swap3A_39, %swap3A_40, %swap3A_41], %swap3A_44 {strides = array<i32>} : memref<3x2048x128xf32, #tpu.memory_space<vmem>>, vector<1x2048x128xf32>,
    return
  }
  func.func @transform_0(%arg0: i32) -> (i32, i32, i32) {
    %c0_i32 = arith.constant 0 : i32
    %c0_i32_0 = arith.constant 0 : i32
    %c0_i32_1 = arith.constant 0 : i32
    return %c0_i32, %arg0, %c0_i32_0 : i32, i32, i32
  }
  func.func @transform_1(%arg0: i32) -> (i32, i32) {
    %c0_i32 = arith.constant 0 : i32
    %c0_i32_0 = arith.constant 0 : i32
    %c0_i32_1 = arith.constant 0 : i32
    return %c0_i32, %c0_i32_0 : i32, i32
  }
  func.func @transform_2(%arg0: i32) -> (i32, i32) {
    %c0_i32 = arith.constant 0 : i32
    %c0_i32_0 = arith.constant 0 : i32
    %c0_i32_1 = arith.constant 0 : i32
    return %c0_i32, %c0_i32_0 : i32, i32
  }
  func.func @transform_3(%arg0: i32) -> (i32, i32) {
    %c0_i32 = arith.constant 0 : i32
    %c0_i32_0 = arith.constant 0 : i32
    return %arg0, %c0_i32 : i32, i32
  }
  func.func @transform_4(%arg0: i32) -> (i32, i32, i32) {
    %c0_i32 = arith.constant 0 : i32
    %c0_i32_0 = arith.constant 0 : i32
    %c0_i32_1 = arith.constant 0 : i32
    return %c0_i32, %arg0, %c0_i32_0 : i32, i32, i32
  }
}

</mosaic_0001>

<sc_bundles>
// kernel: kernel.6.cloned.1.call-start
scs
__scs_entry_jumppad:
0x0: {  	(pc) =	sbr.rel $0x88, $3  }
0x1: {  	(tag) =	ssettag $0x0;
	lr =	simm.s32 $0x1  }
0x2: {  	[smem:$0x3F91] =	sst lr;
	_ =	strace $0xD0000000  }
0x3: {  	_ = 	snop  }
0x4: {  	_ = 	snop  }
0x5: {  	_ = 	snop  }
0x6: {  	_ = 	snop  }
0x7: {  	_ = 	snop  }
__scs_overlays_trampoline_lowered:
0x8: {  	[smem:$0x3FA0] =	sst s0  }
0x9: {  	[smem:$0x3FA1] =	sst s1  }
0xa: {  	[smem:$0x3FA2] =	sst s2  }
0xb: {  	[smem:$0x3FA3] =	sst s3  }
0xc: {  	[smem:$0x3FA4] =	sst s4  }
0xd: {  	[smem:$0x3FA5] =	sst s5  }
0xe: {  	[smem:$0x3FA6] =	sst s6  }
0xf: {  	[smem:$0x3FA7] =	sst s7  }
0x10: {  	[smem:$0x3FA8] =	sst s8  }
0x11: {  	[smem:$0x3FA9] =	sst s9;
	s0 =	simm.s32 @!p0 $0x0  }
0x12: {  	s1 =	sld [smem:$0x3F8F];
	s0 =	simm.s32 @p0 $0x1  }
0x13: {  	[smem:$0x3FAA] =	sst s0;
	s0 =	simm.s32 @!p1 $0x0  }
0x14: {  	s2 =	sld [smem:$0x3F8E];
	s0 =	simm.s32 @p1 $0x1  }
0x15: {  	[smem:$0x3FAB] =	sst s0;
	s0 =	simm.s32 @!p2 $0x0  }
0x16: {  	s3 =	sld [smem:$0x3FDB];
	s0 =	simm.s32 @p2 $0x1  }
0x17: {  	s4 =	simm.s32 $0x1BF5;
	[smem:$0x3FAD] =	sst s0  }
0x18: {  	s0 =	sld [smem:$0x3F90];
	_ =	swait.ge [sflag:s4], $0x0  }
0x19: {  	s7 =	sld [smem:$0x3F91]  }
0x1a: {  	s8 =	sadd.s32 $0xFFFFE003, lr  }
0x1b: {  	s9 =	sadd.s32 $0xFFFFFEF7, lr;
	s5 =	simm.s32 $0xFFFFFFFF;
	p2 =	slt.u32 s8, $0xFFFFF086  }
0x1c: {  	p1 =	slt.u32 s9, $0xF7A;
	s5 =	simm.s32 @!p2 $0x0  }
0x1d: {  	s5 =	simm.s32 @p1 $0x1;
	p0 =	seq.s32 s7, s2  }
0x1e: {  	s7 =	smul.u32 @!p0 $0xF7A, s2;
	p2 =	seq.s32 @!p0 s5, $0x0  }
0x1f: {  	s9 =	smul.u32 $0xF7A, s1;
	s8 =	simm.s32 @!p0 $0x1BF5;
	p2 =	por !p2, p0  }
0x20: {  	[sflag:s8] =	ssyncset.s32 @!p0 $0xFFFFF086;
	s6 =	sadd.s32 @!p0 s3, s7;
	s7 =	simm.s32 @!p0 $0x108  }
0x21: {  	s3 =	sadd.s32 s3, s9;
	s6 =	sadd.s32 @!p0 $0x88, s6;
	s7 =	simm.s32 @p2 $0x1082  }
0x22: {  	[simem:s7], [sflag:s8] =	dma.local @!p0 [hbm:s6], $0xF7A  }
0x23: {  	s9 =	sor.u32 $0xD0000000, s2;
	s6 =	simm.s32 $0x108;
	_ =	swait.ge @!p0 [sflag:s8], $0x0  }
0x24: {  	s3 =	sadd.s32 $0x88, s3;
	s6 =	simm.s32 @!p1 $0x1082;
	[sflag:s4] =	ssyncset.s32 $0xFFFFF086  }
0x25: {  	[simem:s6], [sflag:s4] =	dma.local [hbm:s3], $0xF7A  }
0x26: {  	[smem:$0x3F91] =	sst s1;
	(tag) =	ssettag s2;
	_ =	strace s9  }
0x27: {  	s1 =	sld [smem:$0x3FA1]  }
0x28: {  	s2 =	sld [smem:$0x3FA2]  }
0x29: {  	s4 =	sld [smem:$0x3FA4]  }
0x2a: {  	p0 =	seq.s32 s5, $0x0;
	s5 =	sld [smem:$0x3FA5]  }
0x2b: {  	s6 =	sld [smem:$0x3FA6]  }
0x2c: {  	s7 =	sld [smem:$0x3FA7]  }
0x2d: {  	s3 =	simm.s32 $0x108;
	s8 =	sld [smem:$0x3FA8]  }
0x2e: {  	s3 =	simm.s32 @!p0 $0x1082;
	s9 =	sld [smem:$0x3FA9]  }
0x2f: {  	lr =	sadd.s32 s0, s3;
	s0 =	sld [smem:$0x3FA0]  }
0x30: {  	s3 =	sld [smem:$0x3FA3]  }
0x31: {  	[smem:$0x3FAC] =	sst s10  }
0x32: {  	s10 =	sld [smem:$0x3FAA];
	_ =	sdelay $0x3  }
0x33: {  	p0 =	seq.s32 s10, $0x1;
	s10 =	sld [smem:$0x3FAC];
	_ =	sdelay $0x3  }
0x34: {  	[smem:$0x3FAC] =	sst s10  }
0x35: {  	s10 =	sld [smem:$0x3FAB];
	_ =	sdelay $0x3  }
0x36: {  	p1 =	seq.s32 s10, $0x1;
	s10 =	sld [smem:$0x3FAC];
	_ =	sdelay $0x3  }
0x37: {  	[smem:$0x3FAC] =	sst s10  }
0x38: {  	s10 =	sld [smem:$0x3FAD]  }
0x39: {  	_ = 	snop;
	(pc) =	sbr.ind lr, $3  }
0x3a: {  	_ = 	snop  }
0x3b: {  	_ = 	snop  }
0x3c: {  	p2 =	seq.s32 s10, $0x1;
	s10 =	sld [smem:$0x3FAC]  }
0x3d: {  	_ =	shalt  }
0x3e: {  	_ =	shalt  }
0x3f: {  	_ =	shalt  }
0x40: {  	_ =	shalt  }
0x41: {  	_ =	shalt  }
0x42: {  	_ =	shalt  }
0x43: {  	_ =	shalt  }
0x44: {  	_ =	shalt  }
0x45: {  	_ =	shalt  }
0x46: {  	_ =	shalt  }
0x47: {  	_ =	shalt  }
0x48: {  	_ =	shalt  }
0x49: {  	_ =	shalt  }
0x4a: {  	_ =	shalt  }
0x4b: {  	_ =	shalt  }
0x4c: {  	_ =	shalt  }
0x4d: {  	_ =	shalt  }
0x4e: {  	_ =	shalt  }
0x4f: {  	_ =	shalt  }
0x50: {  	_ =	shalt  }
0x51: {  	_ =	shalt  }
0x52: {  	_ =	shalt  }
0x53: {  	_ =	shalt  }
0x54: {  	_ =	shalt  }
0x55: {  	_ =	shalt  }
0x56: {  	_ =	shalt  }
0x57: {  	_ =	shalt  }
0x58: {  	_ =	shalt  }
0x59: {  	_ =	shalt  }
0x5a: {  	_ =	shalt  }
0x5b: {  	_ =	shalt  }
0x5c: {  	_ =	shalt  }
0x5d: {  	_ =	shalt  }
0x5e: {  	_ =	shalt  }
0x5f: {  	_ =	shalt  }
0x60: {  	_ =	shalt  }
0x61: {  	_ =	shalt  }
0x62: {  	_ =	shalt  }
0x63: {  	_ =	shalt  }
0x64: {  	_ =	shalt  }
0x65: {  	_ =	shalt  }
0x66: {  	_ =	shalt  }
0x67: {  	_ =	shalt  }
0x68: {  	_ =	shalt  }
0x69: {  	_ =	shalt  }
0x6a: {  	_ =	shalt  }
0x6b: {  	_ =	shalt  }
0x6c: {  	_ =	shalt  }
0x6d: {  	_ =	shalt  }
0x6e: {  	_ =	shalt  }
0x6f: {  	_ =	shalt  }
0x70: {  	_ =	shalt  }
0x71: {  	_ =	shalt  }
0x72: {  	_ =	shalt  }
0x73: {  	_ =	shalt  }
0x74: {  	_ =	shalt  }
0x75: {  	_ =	shalt  }
0x76: {  	_ =	shalt  }
0x77: {  	_ =	shalt  }
0x78: {  	_ =	shalt  }
0x79: {  	_ =	shalt  }
0x7a: {  	_ =	shalt  }
0x7b: {  	_ =	shalt  }
0x7c: {  	_ =	shalt  }
0x7d: {  	_ =	shalt  }
0x7e: {  	_ =	shalt  }
0x7f: {  	_ =	shalt  }
0x80: {  	_ =	shalt  }
0x81: {  	_ =	shalt  }
0x82: {  	_ =	shalt  }
0x83: {  	_ =	shalt  }
0x84: {  	_ =	shalt  }
0x85: {  	_ =	shalt  }
0x86: {  	_ =	shalt  }
0x87: {  	_ =	shalt  }
.Lfunc_end0:
.L_simem_size_0:
called_computation_lowered:
.L_overlay_start_0:
0x88: {  	s2 =	sld [smem:$0x3FD9]  }
0x89: {  	s3 =	sld [smem:$0x3FFE];
	_ =	sdelay $0x1  }
0x8a: {  	s1 =	srdreg.scid  }
0x8b: {  	s0 =	sand.u32 $0x1, s1  }
0x8c: {  	s14 =	sshll.u32 s0, $0xA;
	s2 =	sadd.s32 s3, s2  }
0x8d: {  	s2 =	sadd.s32 s2, s14  }
0x8e: {  	[smem:$0x3FB8] =	sst s2  }
0x8f: {  	_ = 	snop  }
0x90: {  	s2 =	sld [smem:$0x3FD0];
	_ =	sdelay $0x2  }
0x91: {  	s15 =	simm.s32 $0xA;
	s4 =	simm.s32 $0x10  }
0x92: {  	[smem:s4], [sflag:s15] =	dma.local [hbm:s2], $0x1  }
0x93: {  	_ =	swait.eq [sflag:s15], $0x1  }
0x94: {  	[sflag:s15] =	ssyncset.done $0x0  }
0x95: {  	s16 =	sld [smem:$0x10];
	[sflag:s15] =	ssyncadd.s32 $0xFFFFFFFF  }
0x96: {  	s17 =	sld [smem:$0x11];
	(tm) =	ssettm $0x1  }
0x97: {  	s18 =	sld [smem:$0x3FFB];
	_ =	sdelay $0x3  }
0x98: {  	_ =	strace s18  }
0x99: {  	s4 =	sld [smem:$0x3FFC];
	_ =	sdelay $0x3  }
0x9a: {  	_ =	strace s4  }
0x9b: {  	s4 =	sld [smem:$0x3FFD];
	_ =	sdelay $0x3  }
0x9c: {  	_ =	strace s4  }
0x9d: {  	_ =	strace $0x8FFFFFFF  }
0x9e: {  	s19 =	sld [smem:$0x3FDB];
	_ =	sdelay $0x1  }
0x9f: {  	s5 =	simm.s32 $_scs_section_size  }
0xa0: {  	s6 =	simm.s32 $_size__tile_overlayer_lowered;
	s7 =	simm.s32 $_tile_overlayer_lowered  }
0xa1: {  	s22 =	simm.s32 $0x1BFF;
	s21 =	sshll.u32 s7, $0x1;
	s4 =	sadd.s32 s5, s19  }
0xa2: {  	s8 =	simm.s32 $0x0;
	s20 =	sshll.u32 s6, $0x1;
	s6 =	sadd.s32 s21, s4  }
0xa3: {  	[timem:s8], [sflag:s22] =	dma.local [hbm:s6], s20  }
0xa4: {  	_ =	swait.ge [sflag:s22], s20  }
0xa5: {  	s5 =	ssub.s32 $0x0, s20;
	[sflag:s22] =	ssyncset.done $0x0  }
0xa6: {  	[sflag:s22] =	ssyncadd.s32 s5;
	_ =	sdelay $0x1  }
0xa7: {  	s23 =	simm.s32 $0x1B8B  }
0xa8: {  	_ =	swait.ge [sflag:s23], $0x1  }
0xa9: {  	[sflag:s23] =	ssyncset.done $0x0  }
0xaa: {  	s25 =	simm.s32 $0x1B8E;
	s24 =	sld [smem:$0x3FFE];
	[sflag:s23] =	ssyncadd.s32 $0xFFFFFFFF  }
0xab: {  	s26 =	simm.s32 $execute0_lowered;
	[smem:$0x3FD2] =	sst s25  }
0xac: {  	s6 =	sshll.u32 s26, $0x1;
	_ =	strace $0x80000046;
	[dreg:$0x1] =	wrdreg $0xFFFFFFFF  }
0xad: {  	s28 =	simm.s32 $_size_execute0_lowered;
	s4 =	sadd.s32 s4, s6;
	[dreg:$0x0] =	wrdreg $0x0  }
0xae: {  	s6 =	sshll.u32 s28, $0x1;
	[dreg:$0x2] =	wrdreg s4  }
0xaf: {  	[dreg:$0x3] =	wrdreg s6  }
0xb0: {  	[dreg:$0x4] =	wrdreg $0xC0  }
0xb1: {  	_ =	task [dreg:s8], $0x5FFFF  }
0xb2: {  	[dreg:$0x1] =	wrdreg $0xFFFFFFFF  }
0xb3: {  	[dreg:$0x0] =	wrdreg $0x60  }
0xb4: {  	[dreg:$0x2] =	wrdreg s24  }
0xb5: {  	[dreg:$0x3] =	wrdreg s16  }
0xb6: {  	[dreg:$0x4] =	wrdreg s17  }
0xb7: {  	[dreg:$0x5] =	wrdreg $0xA2080  }
0xb8: {  	[dreg:$0x6] =	wrdreg $0x9  }
0xb9: {  	_ =	task.clear_ibuf [dreg:s8], $0x7FFFF;
	_ =	strace $0x90000046  }
0xba: {  	s29 =	simm.s32 $0x9;
	_ =	strace $0x80000048  }
0xbb: {  	_ =	swait.ge [sflag:s29], $0x1  }
0xbc: {  	[sflag:s29] =	ssyncadd.s32 $0xFFFFFFFF  }
0xbd: {  	_ =	strace $0x90000048  }
0xbe: {  	_ =	sfence  }
0xbf: {  	s30 =	sld [smem:$0x0];
	_ =	sdelay $0x2  }
0xc0: {  	s31 =	sshll.u32 s1, $0xD;
	s1 =	sshrl.u32 s1, $0x2  }
0xc1: {  	s3 =	sand.u32 $0x4000, s31;
	s1 =	sadd.s32 s1, s30  }
0xc2: {  	s0 =	sor.u32 s3, s0;
	s1 =	sshll.u32 s1, $0x11  }
0xc3: {  	s0 =	sor.u32 s1, s0  }
0xc4: {  	s0 =	sadd.s32 $0x8F2B, s0  }
0xc5: {  	[sflag:s0] =	ssyncadd.remote.s32 $0x1  }
0xc6: {  	_ =	sfence.sel $0xFFFF  }
0xc7: {  	[dreg:$0x0] =	wrdreg $0xFFFFFFFF;
	(pc) =	sbr.abs _section_cstart, $3  }
0xc8: {  	[dreg:$0x1] =	wrdreg $0xFFFFFFFF  }
0xc9: {  	_ =	task.clear_ibuf [dreg:s8], $0x2FFFF;
	_ =	strace $0x9FFFFFFF  }
0xca: {  	(tm) =	ssettm $0x7FFFFFFF  }
0xcb: {  	_ =	shalt  }
tec
execute0_lowered:
.L_overlay_start_1:
0x0: {  	(tag) =	ssettag $0x1  }
0x1: {  	s0 =	rddreg [dreg:$0x0]  }
0x2: {  	s1 =	rddreg [dreg:$0x1]  }
0x3: {  	s3 =	rddreg [dreg:$0x2]  }
0x4: {  	s2 =	rddreg [dreg:$0x3]  }
0x5: {  	s4 =	simm.s32 $0x0;
	s15 =	srdreg.scid;
	s14 =	stileid.u32  }
0x6: {  	s28 =	simm.s32 $0x20;
	s29 =	simm.s32 $0x80;
	s30 =	simm.s32 $0x200  }
0x7: {  	s31 =	simm.s32 $0x180;
	[smem:$0x7FF] =	sst s4;
	s5 =	sadd.s32 $0xC400, s0  }
0x8: {  	s6 =	sadd.s32 $0x11400, s0;
	s7 =	sadd.s32 $0x7400, s0;
	s4 =	sand.u32 $0x1, s15  }
0x9: {  	s8 =	sshll.u32 s14, $0x1;
	s11 =	smul.u32 $0xA000, s14;
	s18 =	sshll.u32 s14, $0x6  }
0xa: {  	s14 =	simm.s32 $0x3;
	s15 =	simm.s32 $0x8200;
	_ =	strace $0x80000047  }
0xb: {  	s9 =	ssub.s32 $0x2, s4;
	s10 =	sor.u32 s4, s8;
	s8 =	sadd.s32 $0x2400, s0  }
0xc: {  	s0 =	sadd.s32 $0x282400, s0;
	s4 =	smul.u32 $0xA0000, s4;
	s12 =	sshrl.u32 s9, $0x1  }
0xd: {  	s13 =	smul.u32 $0x1388, s10;
	[dreg:$0x5] =	wrdreg s0;
	s17 =	sadd.s32 s11, s2  }
0xe: {  	s10 =	smul.u32 $0x13880, s10;
	s16 =	ssub.s32 s9, s12;
	[dreg:$0x6] =	wrdreg s17  }
0xf: {  	s17 =	sor.u32 $0x1C05, s18;
	s4 =	sadd.s32 s11, s4;
	s19 =	sshrl.u32 s13, $0x3  }
0x10: {  	s21 =	sadd.s32 $0x80, s13;
	s10 =	sadd.s32 s6, s10;
	s24 =	sadd.s32 $0x1380, s13  }
0x11: {  	s18 =	sadd.s32 $0x100, s13;
	s4 =	sshrl.u32 s4, $0x3;
	[dreg:$0x7] =	wrdreg s17  }
0x12: {  	s0 =	smax.u32 s16, $0x1;
	s16 =	simm.s32 $0x4;
	[dreg:$0xa] =	wrdreg s10  }
0x13: {  	s20 =	sadd.s32 s7, s19;
	s12 =	sadd.s32 s8, s19;
	[dreg:$0x12] =	wrdreg s0  }
0x14: {  	s22 =	sshrl.u32 s21, $0x3;
	s9 =	sshll.u32 s21, $0x4;
	[dreg:$0x8] =	wrdreg s20  }
0x15: {  	s19 =	sadd.s32 $0x180, s13;
	s3 =	sadd.s32 s3, s4;
	[dreg:$0x9] =	wrdreg s12  }
0x16: {  	s25 =	sshrl.u32 s24, $0x3;
	s23 =	sadd.s32 s7, s22;
	[dreg:$0x11] =	wrdreg s3  }
0x17: {  	s4 =	simm.s32 $0x1;
	s10 =	sadd.s32 s8, s22;
	[dreg:$0xb] =	wrdreg s23  }
0x18: {  	s0 =	simm.s32 $0x2200;
	s9 =	sadd.s32 s6, s9;
	[dreg:$0xc] =	wrdreg s10  }
0x19: {  	s13 =	simm.s32 $0x5A00;
	s26 =	sadd.s32 s7, s25;
	[dreg:$0xd] =	wrdreg s9  }
0x1a: {  	s21 =	simm.s32 $0x0;
	s12 =	simm.s32 $0x2A00;
	[dreg:$0xe] =	wrdreg s26  }
0x1b: {  	s9 =	sshll.u32 s24, $0x4;
	s10 =	sadd.s32 s8, s25;
	s25 =	simm.s32 $0x5  }
0x1c: {  	s26 =	simm.s32 $0x100;
	[dreg:$0xf] =	wrdreg s10;
	s9 =	sadd.s32 s6, s9  }
0x1d: {  	s10 =	simm.s32 $0x2;
	[dreg:$0x10] =	wrdreg s9;
	s9 =	simm.s32 $0x3200  }
.LBB2_1:
0x1e: {  	s3 =	rddreg [dreg:$0x6]  }
0x1f: {  	s22 =	rddreg [dreg:$0x5];
	s11 =	sshrl.u32 s3, $0x3  }
0x20: {  	[dreg:$0x13] =	wrdreg s11  }
0x21: {  	[spmem:s11], [sflag:s17] =	dma.local [hbm:s22], $0x1400  }
0x22: {  	_ =	swait.ge [sflag:s25], $0x1400  }
0x23: {  	[sflag:s25] =	ssyncset.done $0x0  }
0x24: {  	[sflag:s25] =	ssyncadd.s32 $0xFFFFEC00  }
0x25: {  	[bflag:$0x0] =	sbarrier.arrive $0xFFFF  }
0x26: {  	s3 =	simm.s32 $0x0;
	s23 =	rddreg [dreg:$0x8]  }
0x27: {  	[tilespmem:s3], [sflag:$0x1] =	stream.linear.gather [hbm4b:s23+s3], $0x80, $0x38;
	[tilespmem:$0x14208] =	vst v63  }
0x28: {  	s24 =	rddreg [dreg:$0x9]  }
0x29: {  	[tilespmem:s26], [sflag:$0x1] =	stream.linear.gather [hbm4b:s24+s3], $0x80, $0x38;
	[tilespmem:$0x14208] =	vst v63  }
0x2a: {  	s17 =	rddreg [dreg:$0xa]  }
0x2b: {  	[tilespmem:s30], [sflag:$0x1] =	stream.strided.gather [hbm4b:s17+s28], $0x1000, s29, s28, $0x38;
	[tilespmem:$0x14208] =	vst v63  }
0x2c: {  	s20 =	rddreg [dreg:$0xb]  }
0x2d: {  	[tilespmem:s29], [sflag:$0x2] =	stream.linear.gather [hbm4b:s20+s3], $0x80, $0x38;
	[tilespmem:$0x14208] =	vst v63  }
0x2e: {  	s22 =	rddreg [dreg:$0xc]  }
0x2f: {  	[tilespmem:s31], [sflag:$0x2] =	stream.linear.gather [hbm4b:s22+s3], $0x80, $0x38;
	[tilespmem:$0x14208] =	vst v63  }
0x30: {  	s23 =	rddreg [dreg:$0xd];
	s24 =	simm.s32 $0x1200  }
0x31: {  	[tilespmem:s24], [sflag:$0x2] =	stream.strided.gather [hbm4b:s23+s28], $0x1000, s29, s28, $0x38;
	[tilespmem:$0x14208] =	vst v63  }
0x32: {  	_ =	swait.ge [sflag:s4], $0x80  }
0x33: {  	[sflag:s4] =	ssyncset.done $0x0  }
0x34: {  	[sflag:s4] =	ssyncadd.s32 $0xFFFFFF80  }
0x35: {  	_ =	swait.ge [sflag:s4], $0x80  }
0x36: {  	[sflag:s4] =	ssyncset.done $0x0  }
0x37: {  	[sflag:s4] =	ssyncadd.s32 $0xFFFFFF80  }
0x38: {  	_ =	swait.ge [sflag:s4], $0x1000  }
0x39: {  	[sflag:s4] =	ssyncset.done $0x0  }
0x3a: {  	[sflag:s4] =	ssyncadd.s32 $0xFFFFF000  }
0x3b: {  	[tilespmem:s0], [sflag:$0x3] =	stream.indirect.gather [hbm4b:s5+s29], $0x10, s3, s29, $0xb8;
	[tilespmem:$0x14208] =	vst v63  }
0x3c: {  	s23 =	simm.s32 $0x0  }
0x3d: {  	[tilespmem:s9], [sflag:$0x3] =	stream.indirect.gather [hbm4b:s1+s29], $0x50, s26, s29, $0xb8;
	[tilespmem:$0x14208] =	vst v63  }
.LBB2_2:
0x3e: {  	_ =	swait.ge [sflag:s10], $0x80  }
0x3f: {  	[sflag:s10] =	ssyncset.done $0x0  }
0x40: {  	[sflag:s10] =	ssyncadd.s32 $0xFFFFFF80  }
0x41: {  	_ =	swait.ge [sflag:s10], $0x80  }
0x42: {  	[sflag:s10] =	ssyncset.done $0x0  }
0x43: {  	[sflag:s10] =	ssyncadd.s32 $0xFFFFFF80  }
0x44: {  	_ =	swait.ge [sflag:s10], $0x1000  }
0x45: {  	[sflag:s10] =	ssyncset.done $0x0  }
0x46: {  	[sflag:s10] =	ssyncadd.s32 $0xFFFFF000  }
0x47: {  	[tilespmem:s12], [sflag:$0x4] =	stream.indirect.gather [hbm4b:s5+s29], $0x10, s29, s29, $0xb8;
	[tilespmem:$0x14208] =	vst v63  }
0x48: {  	_ = 	snop  }
0x49: {  	[tilespmem:s13], [sflag:$0x4] =	stream.indirect.gather [hbm4b:s1+s29], $0x50, s31, s29, $0xb8;
	[tilespmem:$0x14208] =	vst v63  }
0x4a: {  	_ =	swait.ge [sflag:s14], $0x800  }
0x4b: {  	[sflag:s14] =	ssyncset.done $0x0  }
0x4c: {  	[sflag:s14] =	ssyncadd.s32 $0xFFFFF800  }
0x4d: {  	_ =	swait.ge [sflag:s14], $0x2800  }
0x4e: {  	s17 =	simm.s32 $0x0;
	s24 =	simm.s32 $0x240;
	[sflag:s14] =	ssyncset.done $0x0  }
0x4f: {  	s20 =	simm.s32 $0x32A0;
	s11 =	simm.s32 $0x8280;
	[sflag:s14] =	ssyncadd.s32 $0xFFFFD800  }
.LBB2_3:
0x50: {  	v0 =	vld [tilespmem:s24+$0xFFFFFFD0]  }
0x51: {  	v1 =	vld [tilespmem:s24+$0xFFFFFFC0]  }
0x52: {  	v2 =	vld [tilespmem:s20+$0xFFFFFF80]  }
0x53: {  	v3 =	vld [tilespmem:s20+$0xFFFFFF70]  }
0x54: {  	s3 =	sshra.s32 s17, $0x2;
	v4 =	vld [tilespmem:s20+$0xFFFFFF90]  }
0x55: {  	v5 =	vld [tilespmem:s3+$0x2200]  }
0x56: {  	v7 =	vld [tilespmem:s20+$0xFFFFFFA0]  }
0x57: {  	v10 =	vld [tilespmem:s20+$0xFFFFFF60];
	v6 =	vbroadcast v0, $0x0  }
0x58: {  	v8 =	vbroadcast v0, $0x1  }
0x59: {  	v0 =	vbroadcast v0, $0x2;
	v9 =	vmul.f32 v6, v2  }
0x5a: {  	v1 =	vadd.f32 v5, v1;
	v11 =	vmul.f32 v8, v4;
	v6 =	vmul.f32 v6, v3  }
0x5b: {  	v22 =	vmul.f32 v0, v7;
	v8 =	vmul.f32 v8, v3;
	v9 =	vadd.f32 v9, v3  }
0x5c: {  	v0 =	vmul.f32 v0, v3;
	v1 =	vadd.f32 v10, v1;
	v2 =	vadd.f32 v6, v2  }
0x5d: {  	v4 =	vadd.f32 v8, v4;
	v21 =	vadd.f32 v9, v11  }
0x5e: {  	v0 =	vadd.f32 v0, v7;
	v2 =	vmul.f32 v2, v1  }
0x5f: {  	v24 =	vmul.f32 v4, v1;
	v5 =	vadd.f32 v21, v22  }
0x60: {  	v0 =	vmul.f32 v0, v1;
	[tilespmem:s11+$0xFFFFFF90] =	vst v2  }
0x61: {  	[tilespmem:s11+$0xFFFFFFA0] =	vst v24;
	v23 =	vmul.f32 v5, v1  }
0x62: {  	[tilespmem:s11+$0xFFFFFFB0] =	vst v0  }
0x63: {  	[tilespmem:s11+$0xFFFFFF80] =	vst v23  }
0x64: {  	v0 =	vld [tilespmem:s24+$0xFFFFFFF0]  }
0x65: {  	v25 =	vld [tilespmem:s24+$0xFFFFFFE0]  }
0x66: {  	v2 =	vld [tilespmem:s20+$0xFFFFFFD0]  }
0x67: {  	v3 =	vld [tilespmem:s20+$0xFFFFFFC0]  }
0x68: {  	v26 =	vld [tilespmem:s20+$0xFFFFFFE0]  }
0x69: {  	v27 =	vld [tilespmem:s3+$0x2210]  }
0x6a: {  	v29 =	vld [tilespmem:s20+$0xFFFFFFF0]  }
0x6b: {  	v32 =	vld [tilespmem:s20+$0xFFFFFFB0];
	v28 =	vbroadcast v0, $0x0  }
0x6c: {  	v30 =	vbroadcast v0, $0x1  }
0x6d: {  	v0 =	vbroadcast v0, $0x2;
	v31 =	vmul.f32 v28, v2  }
0x6e: {  	v1 =	vadd.f32 v27, v25;
	v33 =	vmul.f32 v30, v26;
	v6 =	vmul.f32 v28, v3  }
0x6f: {  	v35 =	vmul.f32 v0, v29;
	v8 =	vmul.f32 v30, v3;
	v9 =	vadd.f32 v31, v3  }
0x70: {  	v1 =	vadd.f32 v32, v1;
	v0 =	vmul.f32 v0, v3;
	v2 =	vadd.f32 v6, v2  }
0x71: {  	v4 =	vadd.f32 v8, v26;
	v34 =	vadd.f32 v9, v33  }
0x72: {  	v0 =	vadd.f32 v0, v29;
	v2 =	vmul.f32 v2, v1  }
0x73: {  	v37 =	vmul.f32 v4, v1;
	v5 =	vadd.f32 v34, v35  }
0x74: {  	v0 =	vmul.f32 v0, v1;
	[tilespmem:s11+$0xFFFFFFD0] =	vst v2  }
0x75: {  	[tilespmem:s11+$0xFFFFFFE0] =	vst v37;
	v36 =	vmul.f32 v5, v1  }
0x76: {  	[tilespmem:s11+$0xFFFFFFF0] =	vst v0  }
0x77: {  	[tilespmem:s11+$0xFFFFFFC0] =	vst v36  }
0x78: {  	v0 =	vld [tilespmem:s24+$0x10]  }
0x79: {  	v38 =	vld [tilespmem:s24+$0x0]  }
0x7a: {  	v2 =	vld [tilespmem:s20+$0x20]  }
0x7b: {  	v3 =	vld [tilespmem:s20+$0x10]  }
0x7c: {  	v39 =	vld [tilespmem:s20+$0x30]  }
0x7d: {  	v40 =	vld [tilespmem:s3+$0x2220]  }
0x7e: {  	v42 =	vld [tilespmem:s20+$0x40]  }
0x7f: {  	v45 =	vld [tilespmem:s20+$0x0];
	v41 =	vbroadcast v0, $0x0  }
0x80: {  	v43 =	vbroadcast v0, $0x1  }
0x81: {  	v0 =	vbroadcast v0, $0x2;
	v44 =	vmul.f32 v41, v2  }
0x82: {  	v1 =	vadd.f32 v40, v38;
	v46 =	vmul.f32 v43, v39;
	v6 =	vmul.f32 v41, v3  }
0x83: {  	v48 =	vmul.f32 v0, v42;
	v8 =	vmul.f32 v43, v3;
	v9 =	vadd.f32 v44, v3  }
0x84: {  	v1 =	vadd.f32 v45, v1;
	v0 =	vmul.f32 v0, v3;
	v2 =	vadd.f32 v6, v2  }
0x85: {  	v4 =	vadd.f32 v8, v39;
	v47 =	vadd.f32 v9, v46  }
0x86: {  	v0 =	vadd.f32 v0, v42;
	v2 =	vmul.f32 v2, v1  }
0x87: {  	v50 =	vmul.f32 v4, v1;
	v5 =	vadd.f32 v47, v48  }
0x88: {  	v0 =	vmul.f32 v0, v1;
	[tilespmem:s11+$0x10] =	vst v2  }
0x89: {  	[tilespmem:s11+$0x20] =	vst v50;
	v49 =	vmul.f32 v5, v1  }
0x8a: {  	[tilespmem:s11+$0x30] =	vst v0  }
0x8b: {  	[tilespmem:s11+$0x0] =	vst v49  }
0x8c: {  	v0 =	vld [tilespmem:s24+$0x30]  }
0x8d: {  	v51 =	vld [tilespmem:s24+$0x20]  }
0x8e: {  	v2 =	vld [tilespmem:s20+$0x70]  }
0x8f: {  	v3 =	vld [tilespmem:s20+$0x60]  }
0x90: {  	v52 =	vld [tilespmem:s20+$0x80]  }
0x91: {  	v53 =	vld [tilespmem:s3+$0x2230]  }
0x92: {  	v55 =	vld [tilespmem:s20+$0x90]  }
0x93: {  	v58 =	vld [tilespmem:s20+$0x50];
	v54 =	vbroadcast v0, $0x0  }
0x94: {  	v56 =	vbroadcast v0, $0x1  }
0x95: {  	v0 =	vbroadcast v0, $0x2;
	v57 =	vmul.f32 v54, v2  }
0x96: {  	v1 =	vadd.f32 v53, v51;
	v59 =	vmul.f32 v56, v52;
	v6 =	vmul.f32 v54, v3  }
0x97: {  	v61 =	vmul.f32 v0, v55;
	v8 =	vmul.f32 v56, v3;
	v9 =	vadd.f32 v57, v3  }
0x98: {  	v1 =	vadd.f32 v58, v1;
	v0 =	vmul.f32 v0, v3;
	v2 =	vadd.f32 v6, v2  }
0x99: {  	v4 =	vadd.f32 v8, v52;
	v60 =	vadd.f32 v9, v59  }
0x9a: {  	p0 =	sne.s32 s17, $0x1F00;
	v0 =	vadd.f32 v0, v55;
	v2 =	vmul.f32 v2, v1  }
.Ltmp0:
0x9b: {  	v63 =	vmul.f32 v4, v1;
	v5 =	vadd.f32 v60, v61;
	(pc) =	sbr.rel @p0 .LBB2_3-.Ltmp0, $4  }
0x9c: {  	v0 =	vmul.f32 v0, v1;
	[tilespmem:s11+$0x50] =	vst v2  }
0x9d: {  	[tilespmem:s11+$0x60] =	vst v63;
	v62 =	vmul.f32 v5, v1  }
0x9e: {  	s17 =	sadd.s32 $0x100, s17;
	[tilespmem:s11+$0x70] =	vst v0  }
0x9f: {  	s24 =	sadd.s32 $0x80, s24;
	s20 =	sadd.s32 $0x140, s20;
	[tilespmem:s11+$0x40] =	vst v62;
	s11 =	sadd.s32 $0x100, s11  }
0xa0: {  	s17 =	simm.s32 $0x0;
	s24 =	sshll.u32 s23, $0x8  }
0xa1: {  	[spmem:s2] =	stream.indirect.scatter.add.f32 [tilespmem:s15], [sflag:$0x5], $0x40, s17, s29, $0xb8;
	[tilespmem:$0x14208] =	vst v63  }
0xa2: {  	s3 =	sadd.s32 s24, s18;
	_ =	swait.ge [sflag:s25], $0x2000  }
0xa3: {  	s11 =	sshrl.u32 s3, $0x3;
	[sflag:s25] =	ssyncset.done $0x0  }
0xa4: {  	s3 =	sshll.u32 s3, $0x4;
	s20 =	sadd.s32 s7, s11;
	[sflag:s25] =	ssyncadd.s32 $0xFFFFE000  }
0xa5: {  	[tilespmem:s17], [sflag:$0x1] =	stream.linear.gather [hbm4b:s20+s17], $0x80, $0x38;
	[tilespmem:$0x14208] =	vst v63  }
0xa6: {  	s11 =	sadd.s32 s8, s11;
	s3 =	sand.u32 $0x1FFFFF80, s3  }
0xa7: {  	[tilespmem:s26], [sflag:$0x1] =	stream.linear.gather [hbm4b:s11+s17], $0x80, $0x38;
	[tilespmem:$0x14208] =	vst v63  }
0xa8: {  	s3 =	sadd.s32 s6, s3  }
0xa9: {  	[tilespmem:s30], [sflag:$0x1] =	stream.strided.gather [hbm4b:s3+s28], $0x1000, s29, s28, $0x38;
	[tilespmem:$0x14208] =	vst v63  }
0xaa: {  	_ =	swait.ge [sflag:s4], $0x80  }
0xab: {  	[sflag:s4] =	ssyncset.done $0x0  }
0xac: {  	[sflag:s4] =	ssyncadd.s32 $0xFFFFFF80  }
0xad: {  	_ =	swait.ge [sflag:s4], $0x80  }
0xae: {  	[sflag:s4] =	ssyncset.done $0x0  }
0xaf: {  	[sflag:s4] =	ssyncadd.s32 $0xFFFFFF80  }
0xb0: {  	_ =	swait.ge [sflag:s4], $0x1000  }
0xb1: {  	[sflag:s4] =	ssyncset.done $0x0  }
0xb2: {  	[sflag:s4] =	ssyncadd.s32 $0xFFFFF000  }
0xb3: {  	[tilespmem:s0], [sflag:$0x3] =	stream.indirect.gather [hbm4b:s5+s29], $0x10, s17, s29, $0xb8;
	[tilespmem:$0x14208] =	vst v63  }
0xb4: {  	_ = 	snop  }
0xb5: {  	[tilespmem:s9], [sflag:$0x3] =	stream.indirect.gather [hbm4b:s1+s29], $0x50, s26, s29, $0xb8;
	[tilespmem:$0x14208] =	vst v63  }
0xb6: {  	_ =	swait.ge [sflag:s16], $0x800  }
0xb7: {  	[sflag:s16] =	ssyncset.done $0x0  }
0xb8: {  	[sflag:s16] =	ssyncadd.s32 $0xFFFFF800  }
0xb9: {  	_ =	swait.ge [sflag:s16], $0x2800  }
0xba: {  	s20 =	simm.s32 $0x1240;
	[sflag:s16] =	ssyncset.done $0x0  }
0xbb: {  	s11 =	simm.s32 $0x5AA0;
	s3 =	simm.s32 $0x8280;
	[sflag:s16] =	ssyncadd.s32 $0xFFFFD800  }
.LBB2_5:
0xbc: {  	v0 =	vld [tilespmem:s20+$0xFFFFFFD0]  }
0xbd: {  	v1 =	vld [tilespmem:s20+$0xFFFFFFC0]  }
0xbe: {  	v2 =	vld [tilespmem:s11+$0xFFFFFF80]  }
0xbf: {  	v3 =	vld [tilespmem:s11+$0xFFFFFF70]  }
0xc0: {  	s22 =	sshra.s32 s17, $0x2;
	v4 =	vld [tilespmem:s11+$0xFFFFFF90]  }
0xc1: {  	v5 =	vld [tilespmem:s22+$0x2A00]  }
0xc2: {  	v7 =	vld [tilespmem:s11+$0xFFFFFFA0]  }
0xc3: {  	v10 =	vld [tilespmem:s11+$0xFFFFFF60];
	v6 =	vbroadcast v0, $0x0  }
0xc4: {  	v8 =	vbroadcast v0, $0x1  }
0xc5: {  	v0 =	vbroadcast v0, $0x2;
	v9 =	vmul.f32 v6, v2  }
0xc6: {  	v1 =	vadd.f32 v5, v1;
	v11 =	vmul.f32 v8, v4;
	v6 =	vmul.f32 v6, v3  }
0xc7: {  	v22 =	vmul.f32 v0, v7;
	v8 =	vmul.f32 v8, v3;
	v9 =	vadd.f32 v9, v3  }
0xc8: {  	v0 =	vmul.f32 v0, v3;
	v1 =	vadd.f32 v10, v1;
	v2 =	vadd.f32 v6, v2  }
0xc9: {  	v4 =	vadd.f32 v8, v4;
	v21 =	vadd.f32 v9, v11  }
0xca: {  	v0 =	vadd.f32 v0, v7;
	v2 =	vmul.f32 v2, v1  }
0xcb: {  	v24 =	vmul.f32 v4, v1;
	v5 =	vadd.f32 v21, v22  }
0xcc: {  	v0 =	vmul.f32 v0, v1;
	[tilespmem:s3+$0xFFFFFF90] =	vst v2  }
0xcd: {  	[tilespmem:s3+$0xFFFFFFA0] =	vst v24;
	v23 =	vmul.f32 v5, v1  }
0xce: {  	[tilespmem:s3+$0xFFFFFFB0] =	vst v0  }
0xcf: {  	[tilespmem:s3+$0xFFFFFF80] =	vst v23  }
0xd0: {  	v0 =	vld [tilespmem:s20+$0xFFFFFFF0]  }
0xd1: {  	v25 =	vld [tilespmem:s20+$0xFFFFFFE0]  }
0xd2: {  	v2 =	vld [tilespmem:s11+$0xFFFFFFD0]  }
0xd3: {  	v3 =	vld [tilespmem:s11+$0xFFFFFFC0]  }
0xd4: {  	v26 =	vld [tilespmem:s11+$0xFFFFFFE0]  }
0xd5: {  	v27 =	vld [tilespmem:s22+$0x2A10]  }
0xd6: {  	v29 =	vld [tilespmem:s11+$0xFFFFFFF0]  }
0xd7: {  	v32 =	vld [tilespmem:s11+$0xFFFFFFB0];
	v28 =	vbroadcast v0, $0x0  }
0xd8: {  	v30 =	vbroadcast v0, $0x1  }
0xd9: {  	v0 =	vbroadcast v0, $0x2;
	v31 =	vmul.f32 v28, v2  }
0xda: {  	v1 =	vadd.f32 v27, v25;
	v33 =	vmul.f32 v30, v26;
	v6 =	vmul.f32 v28, v3  }
0xdb: {  	v35 =	vmul.f32 v0, v29;
	v8 =	vmul.f32 v30, v3;
	v9 =	vadd.f32 v31, v3  }
0xdc: {  	v1 =	vadd.f32 v32, v1;
	v0 =	vmul.f32 v0, v3;
	v2 =	vadd.f32 v6, v2  }
0xdd: {  	v4 =	vadd.f32 v8, v26;
	v34 =	vadd.f32 v9, v33  }
0xde: {  	v0 =	vadd.f32 v0, v29;
	v2 =	vmul.f32 v2, v1  }
0xdf: {  	v37 =	vmul.f32 v4, v1;
	v5 =	vadd.f32 v34, v35  }
0xe0: {  	v0 =	vmul.f32 v0, v1;
	[tilespmem:s3+$0xFFFFFFD0] =	vst v2  }
0xe1: {  	[tilespmem:s3+$0xFFFFFFE0] =	vst v37;
	v36 =	vmul.f32 v5, v1  }
0xe2: {  	[tilespmem:s3+$0xFFFFFFF0] =	vst v0  }
0xe3: {  	[tilespmem:s3+$0xFFFFFFC0] =	vst v36  }
0xe4: {  	v0 =	vld [tilespmem:s20+$0x10]  }
0xe5: {  	v38 =	vld [tilespmem:s20+$0x0]  }
0xe6: {  	v2 =	vld [tilespmem:s11+$0x20]  }
0xe7: {  	v3 =	vld [tilespmem:s11+$0x10]  }
0xe8: {  	v39 =	vld [tilespmem:s11+$0x30]  }
0xe9: {  	v40 =	vld [tilespmem:s22+$0x2A20]  }
0xea: {  	v42 =	vld [tilespmem:s11+$0x40]  }
0xeb: {  	v45 =	vld [tilespmem:s11+$0x0];
	v41 =	vbroadcast v0, $0x0  }
0xec: {  	v43 =	vbroadcast v0, $0x1  }
0xed: {  	v0 =	vbroadcast v0, $0x2;
	v44 =	vmul.f32 v41, v2  }
0xee: {  	v1 =	vadd.f32 v40, v38;
	v46 =	vmul.f32 v43, v39;
	v6 =	vmul.f32 v41, v3  }
0xef: {  	v48 =	vmul.f32 v0, v42;
	v8 =	vmul.f32 v43, v3;
	v9 =	vadd.f32 v44, v3  }
0xf0: {  	v1 =	vadd.f32 v45, v1;
	v0 =	vmul.f32 v0, v3;
	v2 =	vadd.f32 v6, v2  }
0xf1: {  	v4 =	vadd.f32 v8, v39;
	v47 =	vadd.f32 v9, v46  }
0xf2: {  	v0 =	vadd.f32 v0, v42;
	v2 =	vmul.f32 v2, v1  }
0xf3: {  	v50 =	vmul.f32 v4, v1;
	v5 =	vadd.f32 v47, v48  }
0xf4: {  	v0 =	vmul.f32 v0, v1;
	[tilespmem:s3+$0x10] =	vst v2  }
0xf5: {  	[tilespmem:s3+$0x20] =	vst v50;
	v49 =	vmul.f32 v5, v1  }
0xf6: {  	[tilespmem:s3+$0x30] =	vst v0  }
0xf7: {  	[tilespmem:s3+$0x0] =	vst v49  }
0xf8: {  	v0 =	vld [tilespmem:s20+$0x30]  }
0xf9: {  	v51 =	vld [tilespmem:s20+$0x20]  }
0xfa: {  	v2 =	vld [tilespmem:s11+$0x70]  }
0xfb: {  	v3 =	vld [tilespmem:s11+$0x60]  }
0xfc: {  	v52 =	vld [tilespmem:s11+$0x80]  }
0xfd: {  	v53 =	vld [tilespmem:s22+$0x2A30]  }
0xfe: {  	v55 =	vld [tilespmem:s11+$0x90]  }
0xff: {  	v58 =	vld [tilespmem:s11+$0x50];
	v54 =	vbroadcast v0, $0x0  }
0x100: {  	v56 =	vbroadcast v0, $0x1  }
0x101: {  	v0 =	vbroadcast v0, $0x2;
	v57 =	vmul.f32 v54, v2  }
0x102: {  	v1 =	vadd.f32 v53, v51;
	v59 =	vmul.f32 v56, v52;
	v6 =	vmul.f32 v54, v3  }
0x103: {  	v61 =	vmul.f32 v0, v55;
	v8 =	vmul.f32 v56, v3;
	v9 =	vadd.f32 v57, v3  }
0x104: {  	v1 =	vadd.f32 v58, v1;
	v0 =	vmul.f32 v0, v3;
	v2 =	vadd.f32 v6, v2  }
0x105: {  	v4 =	vadd.f32 v8, v52;
	v60 =	vadd.f32 v9, v59  }
0x106: {  	p0 =	sne.s32 s17, $0x1F00;
	v0 =	vadd.f32 v0, v55;
	v2 =	vmul.f32 v2, v1  }
.Ltmp1:
0x107: {  	v63 =	vmul.f32 v4, v1;
	v5 =	vadd.f32 v60, v61;
	(pc) =	sbr.rel @p0 .LBB2_5-.Ltmp1, $4  }
0x108: {  	v0 =	vmul.f32 v0, v1;
	[tilespmem:s3+$0x50] =	vst v2  }
0x109: {  	[tilespmem:s3+$0x60] =	vst v63;
	v62 =	vmul.f32 v5, v1  }
0x10a: {  	s17 =	sadd.s32 $0x100, s17;
	[tilespmem:s3+$0x70] =	vst v0  }
0x10b: {  	s20 =	sadd.s32 $0x80, s20;
	s11 =	sadd.s32 $0x140, s11;
	[tilespmem:s3+$0x40] =	vst v62;
	s3 =	sadd.s32 $0x100, s3  }
0x10c: {  	[spmem:s2] =	stream.indirect.scatter.add.f32 [tilespmem:s15], [sflag:$0x5], $0x40, s29, s29, $0xb8;
	[tilespmem:$0x14208] =	vst v63  }
0x10d: {  	p0 =	sgt.u32 s23, $0x11;
	s23 =	sadd.s32 $0x1, s23  }
0x10e: {  	_ =	swait.ge [sflag:s25], $0x2000;
	s3 =	sadd.s32 @!p0 s24, s19;
	s20 =	simm.s32 @!p0 $0x0  }
0x10f: {  	s22 =	simm.s32 @!p0 $0x80;
	[sflag:s25] =	ssyncset.done $0x0;
	s11 =	sshrl.u32 @!p0 s3, $0x3  }
0x110: {  	s3 =	sshll.u32 @!p0 s3, $0x4;
	[sflag:s25] =	ssyncadd.s32 $0xFFFFE000;
	s17 =	sadd.s32 @!p0 s7, s11  }
0x111: {  	[tilespmem:s22], [sflag:$0x2] =	stream.linear.gather @!p0 [hbm4b:s17+s20], $0x80, $0x38;
	[tilespmem:$0x14208] =	vst v63  }
0x112: {  	s11 =	sadd.s32 @!p0 s8, s11;
	s3 =	sand.u32 @!p0 $0x1FFFFF80, s3;
	s17 =	simm.s32 @!p0 $0x180  }
0x113: {  	[tilespmem:s17], [sflag:$0x2] =	stream.linear.gather @!p0 [hbm4b:s11+s20], $0x80, $0x38;
	[tilespmem:$0x14208] =	vst v63  }
0x114: {  	s3 =	sadd.s32 @!p0 s6, s3;
	s11 =	simm.s32 @!p0 $0x20;
	s17 =	simm.s32 @!p0 $0x1200  }
0x115: {  	[tilespmem:s17], [sflag:$0x2] =	stream.strided.gather @!p0 [hbm4b:s3+s11], $0x1000, s22, s11, $0x38;
	[tilespmem:$0x14208] =	vst v63  }
0x116: {  	p0 =	sne.s32 s23, $0x13  }
.Ltmp2:
0x117: {  	_ = 	snop;
	(pc) =	sbr.rel @p0 .LBB2_2-.Ltmp2, $1  }
0x118: {  	_ =	sdelay $0x3  }
0x119: {  	_ =	swait.ge [sflag:s14], $0x800  }
0x11a: {  	[sflag:s14] =	ssyncset.done $0x0  }
0x11b: {  	[sflag:s14] =	ssyncadd.s32 $0xFFFFF800  }
0x11c: {  	_ =	swait.ge [sflag:s14], $0x2800  }
0x11d: {  	s17 =	simm.s32 $0x0;
	s20 =	simm.s32 $0x240;
	[sflag:s14] =	ssyncset.done $0x0  }
0x11e: {  	s11 =	simm.s32 $0x32A0;
	s3 =	simm.s32 $0x8280;
	[sflag:s14] =	ssyncadd.s32 $0xFFFFD800  }
.LBB2_8:
0x11f: {  	v0 =	vld [tilespmem:s20+$0xFFFFFFD0]  }
0x120: {  	v1 =	vld [tilespmem:s20+$0xFFFFFFC0]  }
0x121: {  	v2 =	vld [tilespmem:s11+$0xFFFFFF80]  }
0x122: {  	v3 =	vld [tilespmem:s11+$0xFFFFFF70]  }
0x123: {  	s22 =	sshra.s32 s17, $0x2;
	v4 =	vld [tilespmem:s11+$0xFFFFFF90]  }
0x124: {  	v5 =	vld [tilespmem:s22+$0x2200]  }
0x125: {  	v7 =	vld [tilespmem:s11+$0xFFFFFFA0]  }
0x126: {  	v10 =	vld [tilespmem:s11+$0xFFFFFF60];
	v6 =	vbroadcast v0, $0x0  }
0x127: {  	v8 =	vbroadcast v0, $0x1  }
0x128: {  	v0 =	vbroadcast v0, $0x2;
	v9 =	vmul.f32 v6, v2  }
0x129: {  	v1 =	vadd.f32 v5, v1;
	v11 =	vmul.f32 v8, v4;
	v6 =	vmul.f32 v6, v3  }
0x12a: {  	v22 =	vmul.f32 v0, v7;
	v8 =	vmul.f32 v8, v3;
	v9 =	vadd.f32 v9, v3  }
0x12b: {  	v0 =	vmul.f32 v0, v3;
	v1 =	vadd.f32 v10, v1;
	v2 =	vadd.f32 v6, v2  }
0x12c: {  	v4 =	vadd.f32 v8, v4;
	v21 =	vadd.f32 v9, v11  }
0x12d: {  	v0 =	vadd.f32 v0, v7;
	v2 =	vmul.f32 v2, v1  }
0x12e: {  	v24 =	vmul.f32 v4, v1;
	v5 =	vadd.f32 v21, v22  }
0x12f: {  	v0 =	vmul.f32 v0, v1;
	[tilespmem:s3+$0xFFFFFF90] =	vst v2  }
0x130: {  	[tilespmem:s3+$0xFFFFFFA0] =	vst v24;
	v23 =	vmul.f32 v5, v1  }
0x131: {  	[tilespmem:s3+$0xFFFFFFB0] =	vst v0  }
0x132: {  	[tilespmem:s3+$0xFFFFFF80] =	vst v23  }
0x133: {  	v0 =	vld [tilespmem:s20+$0xFFFFFFF0]  }
0x134: {  	v25 =	vld [tilespmem:s20+$0xFFFFFFE0]  }
0x135: {  	v2 =	vld [tilespmem:s11+$0xFFFFFFD0]  }
0x136: {  	v3 =	vld [tilespmem:s11+$0xFFFFFFC0]  }
0x137: {  	v26 =	vld [tilespmem:s11+$0xFFFFFFE0]  }
0x138: {  	v27 =	vld [tilespmem:s22+$0x2210]  }
0x139: {  	v29 =	vld [tilespmem:s11+$0xFFFFFFF0]  }
0x13a: {  	v32 =	vld [tilespmem:s11+$0xFFFFFFB0];
	v28 =	vbroadcast v0, $0x0  }
0x13b: {  	v30 =	vbroadcast v0, $0x1  }
0x13c: {  	v0 =	vbroadcast v0, $0x2;
	v31 =	vmul.f32 v28, v2  }
0x13d: {  	v1 =	vadd.f32 v27, v25;
	v33 =	vmul.f32 v30, v26;
	v6 =	vmul.f32 v28, v3  }
0x13e: {  	v35 =	vmul.f32 v0, v29;
	v8 =	vmul.f32 v30, v3;
	v9 =	vadd.f32 v31, v3  }
0x13f: {  	v1 =	vadd.f32 v32, v1;
	v0 =	vmul.f32 v0, v3;
	v2 =	vadd.f32 v6, v2  }
0x140: {  	v4 =	vadd.f32 v8, v26;
	v34 =	vadd.f32 v9, v33  }
0x141: {  	v0 =	vadd.f32 v0, v29;
	v2 =	vmul.f32 v2, v1  }
0x142: {  	v37 =	vmul.f32 v4, v1;
	v5 =	vadd.f32 v34, v35  }
0x143: {  	v0 =	vmul.f32 v0, v1;
	[tilespmem:s3+$0xFFFFFFD0] =	vst v2  }
0x144: {  	[tilespmem:s3+$0xFFFFFFE0] =	vst v37;
	v36 =	vmul.f32 v5, v1  }
0x145: {  	[tilespmem:s3+$0xFFFFFFF0] =	vst v0  }
0x146: {  	[tilespmem:s3+$0xFFFFFFC0] =	vst v36  }
0x147: {  	v0 =	vld [tilespmem:s20+$0x10]  }
0x148: {  	v38 =	vld [tilespmem:s20+$0x0]  }
0x149: {  	v2 =	vld [tilespmem:s11+$0x20]  }
0x14a: {  	v3 =	vld [tilespmem:s11+$0x10]  }
0x14b: {  	v39 =	vld [tilespmem:s11+$0x30]  }
0x14c: {  	v40 =	vld [tilespmem:s22+$0x2220]  }
0x14d: {  	v42 =	vld [tilespmem:s11+$0x40]  }
0x14e: {  	v45 =	vld [tilespmem:s11+$0x0];
	v41 =	vbroadcast v0, $0x0  }
0x14f: {  	v43 =	vbroadcast v0, $0x1  }
0x150: {  	v0 =	vbroadcast v0, $0x2;
	v44 =	vmul.f32 v41, v2  }
0x151: {  	v1 =	vadd.f32 v40, v38;
	v46 =	vmul.f32 v43, v39;
	v6 =	vmul.f32 v41, v3  }
0x152: {  	v48 =	vmul.f32 v0, v42;
	v8 =	vmul.f32 v43, v3;
	v9 =	vadd.f32 v44, v3  }
0x153: {  	v1 =	vadd.f32 v45, v1;
	v0 =	vmul.f32 v0, v3;
	v2 =	vadd.f32 v6, v2  }
0x154: {  	v4 =	vadd.f32 v8, v39;
	v47 =	vadd.f32 v9, v46  }
0x155: {  	v0 =	vadd.f32 v0, v42;
	v2 =	vmul.f32 v2, v1  }
0x156: {  	v50 =	vmul.f32 v4, v1;
	v5 =	vadd.f32 v47, v48  }
0x157: {  	v0 =	vmul.f32 v0, v1;
	[tilespmem:s3+$0x10] =	vst v2  }
0x158: {  	[tilespmem:s3+$0x20] =	vst v50;
	v49 =	vmul.f32 v5, v1  }
0x159: {  	[tilespmem:s3+$0x30] =	vst v0  }
0x15a: {  	[tilespmem:s3+$0x0] =	vst v49  }
0x15b: {  	v0 =	vld [tilespmem:s20+$0x30]  }
0x15c: {  	v51 =	vld [tilespmem:s20+$0x20]  }
0x15d: {  	v2 =	vld [tilespmem:s11+$0x70]  }
0x15e: {  	v3 =	vld [tilespmem:s11+$0x60]  }
0x15f: {  	v52 =	vld [tilespmem:s11+$0x80]  }
0x160: {  	v53 =	vld [tilespmem:s22+$0x2230]  }
0x161: {  	v55 =	vld [tilespmem:s11+$0x90]  }
0x162: {  	v58 =	vld [tilespmem:s11+$0x50];
	v54 =	vbroadcast v0, $0x0  }
0x163: {  	v56 =	vbroadcast v0, $0x1  }
0x164: {  	v0 =	vbroadcast v0, $0x2;
	v57 =	vmul.f32 v54, v2  }
0x165: {  	v1 =	vadd.f32 v53, v51;
	v59 =	vmul.f32 v56, v52;
	v6 =	vmul.f32 v54, v3  }
0x166: {  	v61 =	vmul.f32 v0, v55;
	v8 =	vmul.f32 v56, v3;
	v9 =	vadd.f32 v57, v3  }
0x167: {  	v1 =	vadd.f32 v58, v1;
	v0 =	vmul.f32 v0, v3;
	v2 =	vadd.f32 v6, v2  }
0x168: {  	v4 =	vadd.f32 v8, v52;
	v60 =	vadd.f32 v9, v59  }
0x169: {  	p0 =	sne.s32 s17, $0x1F00;
	v0 =	vadd.f32 v0, v55;
	v2 =	vmul.f32 v2, v1  }
.Ltmp3:
0x16a: {  	v63 =	vmul.f32 v4, v1;
	v5 =	vadd.f32 v60, v61;
	(pc) =	sbr.rel @p0 .LBB2_8-.Ltmp3, $4  }
0x16b: {  	v0 =	vmul.f32 v0, v1;
	[tilespmem:s3+$0x50] =	vst v2  }
0x16c: {  	[tilespmem:s3+$0x60] =	vst v63;
	v62 =	vmul.f32 v5, v1  }
0x16d: {  	s17 =	sadd.s32 $0x100, s17;
	[tilespmem:s3+$0x70] =	vst v0  }
0x16e: {  	s20 =	sadd.s32 $0x80, s20;
	s11 =	sadd.s32 $0x140, s11;
	[tilespmem:s3+$0x40] =	vst v62;
	s3 =	sadd.s32 $0x100, s3  }
0x16f: {  	s17 =	simm.s32 $0x0  }
0x170: {  	[spmem:s2] =	stream.indirect.scatter.add.f32 [tilespmem:s15], [sflag:$0x5], $0x40, s17, s29, $0xb8;
	[tilespmem:$0x14208] =	vst v63  }
0x171: {  	_ =	swait.ge [sflag:s25], $0x2000  }
0x172: {  	[sflag:s25] =	ssyncset.done $0x0  }
0x173: {  	s23 =	simm.s32 $0xA200;
	s3 =	rddreg [dreg:$0xe];
	[sflag:s25] =	ssyncadd.s32 $0xFFFFE000  }
0x174: {  	[tilespmem:s23], [sflag:$0x5] =	stream.linear.gather [hbm4b:s3+s17], $0x8, $0x38;
	[tilespmem:$0x14208] =	vst v63  }
0x175: {  	_ =	swait.ge [sflag:s25], $0x8  }
0x176: {  	[sflag:s25] =	ssyncset.done $0x0  }
0x177: {  	s22 =	rddreg [dreg:$0xf];
	[sflag:s25] =	ssyncadd.s32 $0xFFFFFFF8  }
0x178: {  	[tilespmem:s26], [sflag:$0x5] =	stream.linear.gather [hbm4b:s22+s17], $0x8, $0x38;
	[tilespmem:$0x14208] =	vst v63  }
0x179: {  	_ =	swait.ge [sflag:s25], $0x8  }
0x17a: {  	[sflag:s25] =	ssyncset.done $0x0  }
0x17b: {  	s24 =	rddreg [dreg:$0x10];
	[sflag:s25] =	ssyncadd.s32 $0xFFFFFFF8  }
0x17c: {  	[tilespmem:s30], [sflag:$0x5] =	stream.strided.gather [hbm4b:s24+s28], $0x100, s29, s28, $0x38;
	[tilespmem:$0x14208] =	vst v63  }
0x17d: {  	_ =	swait.ge [sflag:s25], $0x100  }
0x17e: {  	[sflag:s25] =	ssyncset.done $0x0  }
0x17f: {  	s24 =	simm.s32 $0x8;
	[sflag:s25] =	ssyncadd.s32 $0xFFFFFF00  }
0x180: {  	[tilespmem:s0], [sflag:$0x3] =	stream.indirect.gather [hbm4b:s5+s24], $0x10, s23, s24, $0xb8;
	[tilespmem:$0x14208] =	vst v63  }
0x181: {  	_ =	swait.ge [sflag:s14], $0x80  }
0x182: {  	[sflag:s14] =	ssyncset.done $0x0  }
0x183: {  	[sflag:s14] =	ssyncadd.s32 $0xFFFFFF80  }
0x184: {  	[tilespmem:s9], [sflag:$0x3] =	stream.indirect.gather [hbm4b:s1+s24], $0x50, s26, s24, $0xb8;
	[tilespmem:$0x14208] =	vst v63  }
0x185: {  	_ =	swait.ge [sflag:s14], $0x280  }
0x186: {  	[sflag:s14] =	ssyncset.done $0x0  }
0x187: {  	p0 =	por $0x1, $0x1;
	[sflag:s14] =	ssyncadd.s32 $0xFFFFFD80  }
.LBB2_10:
0x188: {  	s3 =	sshll.u32 s17, $0x7  }
0x189: {  	s11 =	smul.u32 $0x500, s17;
	s3 =	sand.u32 $0x3FFFFF80, s3  }
0x18a: {  	v0 =	vld [tilespmem:s3+$0x210]  }
0x18b: {  	v1 =	vld [tilespmem:s3+$0x200];
	s22 =	sshra.s32 s11, $0x2  }
0x18c: {  	v2 =	vld [tilespmem:s22+$0x3220]  }
0x18d: {  	s11 =	sshll.u32 s17, $0x8;
	v3 =	vld [tilespmem:s22+$0x3210]  }
0x18e: {  	s20 =	sshrl.u32 s11, $0x2;
	v4 =	vld [tilespmem:s22+$0x3230]  }
0x18f: {  	v5 =	vld [tilespmem:s20+$0x2200]  }
0x190: {  	v7 =	vld [tilespmem:s22+$0x3240]  }
0x191: {  	v10 =	vld [tilespmem:s22+$0x3200];
	v6 =	vbroadcast v0, $0x0  }
0x192: {  	v8 =	vbroadcast v0, $0x1  }
0x193: {  	v0 =	vbroadcast v0, $0x2;
	v9 =	vmul.f32 v6, v2  }
0x194: {  	v11 =	vmul.f32 v8, v4;
	v1 =	vadd.f32 v5, v1;
	v6 =	vmul.f32 v6, v3  }
0x195: {  	v22 =	vmul.f32 v0, v7;
	v8 =	vmul.f32 v8, v3;
	v9 =	vadd.f32 v9, v3  }
0x196: {  	v0 =	vmul.f32 v0, v3;
	v1 =	vadd.f32 v10, v1;
	v2 =	vadd.f32 v6, v2  }
0x197: {  	v4 =	vadd.f32 v8, v4;
	v21 =	vadd.f32 v9, v11  }
0x198: {  	v0 =	vadd.f32 v0, v7;
	v2 =	vmul.f32 v2, v1  }
0x199: {  	v24 =	vmul.f32 v4, v1;
	v5 =	vadd.f32 v21, v22  }
0x19a: {  	s3 =	sshll.u32 s17, $0x2;
	v0 =	vmul.f32 v0, v1;
	[tilespmem:s11+$0x8210] =	vst v2  }
0x19b: {  	s20 =	sor.u32 $0x1, s3;
	[tilespmem:s11+$0x8220] =	vst v24;
	v23 =	vmul.f32 v5, v1  }
0x19c: {  	s22 =	sshll.u32 s20, $0x5;
	[tilespmem:s11+$0x8230] =	vst v0  }
0x19d: {  	[tilespmem:s11+$0x8200] =	vst v23;
	s11 =	sand.u32 $0x3FFFFFA0, s22;
	s22 =	smul.u32 $0x140, s20  }
0x19e: {  	v0 =	vld [tilespmem:s11+$0x210]  }
0x19f: {  	v25 =	vld [tilespmem:s11+$0x200];
	s11 =	sshra.s32 s22, $0x2  }
0x1a0: {  	v2 =	vld [tilespmem:s11+$0x3220]  }
0x1a1: {  	s20 =	sshll.u32 s20, $0x6;
	v3 =	vld [tilespmem:s11+$0x3210]  }
0x1a2: {  	s22 =	sshrl.u32 s20, $0x2;
	v26 =	vld [tilespmem:s11+$0x3230]  }
0x1a3: {  	v27 =	vld [tilespmem:s22+$0x2200]  }
0x1a4: {  	v29 =	vld [tilespmem:s11+$0x3240]  }
0x1a5: {  	v32 =	vld [tilespmem:s11+$0x3200];
	v28 =	vbroadcast v0, $0x0  }
0x1a6: {  	v30 =	vbroadcast v0, $0x1  }
0x1a7: {  	v0 =	vbroadcast v0, $0x2;
	v31 =	vmul.f32 v28, v2  }
0x1a8: {  	v33 =	vmul.f32 v30, v26;
	v1 =	vadd.f32 v27, v25;
	v6 =	vmul.f32 v28, v3  }
0x1a9: {  	v35 =	vmul.f32 v0, v29;
	v8 =	vmul.f32 v30, v3;
	v9 =	vadd.f32 v31, v3  }
0x1aa: {  	v0 =	vmul.f32 v0, v3;
	v1 =	vadd.f32 v32, v1;
	v2 =	vadd.f32 v6, v2  }
0x1ab: {  	v4 =	vadd.f32 v8, v26;
	v34 =	vadd.f32 v9, v33  }
0x1ac: {  	v0 =	vadd.f32 v0, v29;
	v2 =	vmul.f32 v2, v1  }
0x1ad: {  	v37 =	vmul.f32 v4, v1;
	v5 =	vadd.f32 v34, v35  }
0x1ae: {  	v0 =	vmul.f32 v0, v1;
	[tilespmem:s20+$0x8210] =	vst v2  }
0x1af: {  	s3 =	sor.u32 $0x2, s3;
	[tilespmem:s20+$0x8220] =	vst v37;
	v36 =	vmul.f32 v5, v1  }
0x1b0: {  	s22 =	sshll.u32 s3, $0x5;
	[tilespmem:s20+$0x8230] =	vst v0  }
0x1b1: {  	s11 =	sand.u32 $0x3FFFFFC0, s22;
	s22 =	smul.u32 $0x140, s3;
	[tilespmem:s20+$0x8200] =	vst v36  }
0x1b2: {  	v0 =	vld [tilespmem:s11+$0x210]  }
0x1b3: {  	v38 =	vld [tilespmem:s11+$0x200];
	s11 =	sshra.s32 s22, $0x2  }
0x1b4: {  	v2 =	vld [tilespmem:s11+$0x3220]  }
0x1b5: {  	s3 =	sshll.u32 s3, $0x6;
	v3 =	vld [tilespmem:s11+$0x3210]  }
0x1b6: {  	s22 =	sshrl.u32 s3, $0x2;
	v39 =	vld [tilespmem:s11+$0x3230]  }
0x1b7: {  	v40 =	vld [tilespmem:s22+$0x2200]  }
0x1b8: {  	v42 =	vld [tilespmem:s11+$0x3240]  }
0x1b9: {  	v45 =	vld [tilespmem:s11+$0x3200];
	v41 =	vbroadcast v0, $0x0  }
0x1ba: {  	v43 =	vbroadcast v0, $0x1  }
0x1bb: {  	v0 =	vbroadcast v0, $0x2;
	v44 =	vmul.f32 v41, v2  }
0x1bc: {  	v1 =	vadd.f32 v40, v38;
	v46 =	vmul.f32 v43, v39;
	v6 =	vmul.f32 v41, v3  }
0x1bd: {  	v48 =	vmul.f32 v0, v42;
	v8 =	vmul.f32 v43, v3;
	v9 =	vadd.f32 v44, v3  }
0x1be: {  	v0 =	vmul.f32 v0, v3;
	v1 =	vadd.f32 v45, v1;
	v2 =	vadd.f32 v6, v2  }
0x1bf: {  	v4 =	vadd.f32 v8, v39;
	v47 =	vadd.f32 v9, v46  }
0x1c0: {  	v0 =	vadd.f32 v0, v42;
	v2 =	vmul.f32 v2, v1  }
0x1c1: {  	v50 =	vmul.f32 v4, v1;
	v5 =	vadd.f32 v47, v48  }
0x1c2: {  	v0 =	vmul.f32 v0, v1;
	[tilespmem:s3+$0x8210] =	vst v2  }
0x1c3: {  	s11 =	sshllo.u32 s17, $0x2;
	[tilespmem:s3+$0x8220] =	vst v50;
	v49 =	vmul.f32 v5, v1  }
0x1c4: {  	s17 =	sshll.u32 s11, $0x5;
	[tilespmem:s3+$0x8230] =	vst v0  }
0x1c5: {  	s22 =	smul.u32 $0x140, s11;
	s20 =	sand.u32 $0x3FFFFFE0, s17;
	[tilespmem:s3+$0x8200] =	vst v49  }
0x1c6: {  	v0 =	vld [tilespmem:s20+$0x210]  }
0x1c7: {  	v51 =	vld [tilespmem:s20+$0x200];
	s20 =	sshra.s32 s22, $0x2  }
0x1c8: {  	v2 =	vld [tilespmem:s20+$0x3220]  }
0x1c9: {  	s11 =	sshll.u32 s11, $0x6;
	v3 =	vld [tilespmem:s20+$0x3210]  }
0x1ca: {  	s22 =	sshrl.u32 s11, $0x2;
	v52 =	vld [tilespmem:s20+$0x3230]  }
0x1cb: {  	v53 =	vld [tilespmem:s22+$0x2200]  }
0x1cc: {  	v55 =	vld [tilespmem:s20+$0x3240]  }
0x1cd: {  	v58 =	vld [tilespmem:s20+$0x3200];
	v54 =	vbroadcast v0, $0x0  }
0x1ce: {  	v56 =	vbroadcast v0, $0x1  }
0x1cf: {  	v0 =	vbroadcast v0, $0x2;
	v57 =	vmul.f32 v54, v2  }
0x1d0: {  	v1 =	vadd.f32 v53, v51;
	v59 =	vmul.f32 v56, v52;
	v6 =	vmul.f32 v54, v3  }
0x1d1: {  	v61 =	vmul.f32 v0, v55;
	v8 =	vmul.f32 v56, v3;
	v9 =	vadd.f32 v57, v3  }
0x1d2: {  	v0 =	vmul.f32 v0, v3;
	v1 =	vadd.f32 v58, v1;
	v2 =	vadd.f32 v6, v2  }
0x1d3: {  	v4 =	vadd.f32 v8, v52;
	v60 =	vadd.f32 v9, v59  }
0x1d4: {  	p1 =	por p0, p0;
	v0 =	vadd.f32 v0, v55;
	v2 =	vmul.f32 v2, v1  }
.Ltmp4:
0x1d5: {  	v63 =	vmul.f32 v4, v1;
	v5 =	vadd.f32 v60, v61;
	(pc) =	sbr.rel @p1 .LBB2_10-.Ltmp4, $4  }
0x1d6: {  	v0 =	vmul.f32 v0, v1;
	[tilespmem:s11+$0x8210] =	vst v2  }
0x1d7: {  	[tilespmem:s11+$0x8220] =	vst v63;
	v62 =	vmul.f32 v5, v1  }
0x1d8: {  	[tilespmem:s11+$0x8230] =	vst v0  }
0x1d9: {  	p0 =	por $0x0, $0x0;
	s17 =	simm.s32 $0x1;
	[tilespmem:s11+$0x8200] =	vst v62  }
0x1da: {  	[spmem:s2] =	stream.indirect.scatter.add.f32 [tilespmem:s15], [sflag:$0x5], $0x40, s23, s24, $0xb8;
	[tilespmem:$0x14208] =	vst v63  }
0x1db: {  	_ =	swait.ge [sflag:s25], $0x200  }
0x1dc: {  	[sflag:s25] =	ssyncset.done $0x0  }
0x1dd: {  	[sflag:s25] =	ssyncadd.s32 $0xFFFFFE00  }
0x1de: {  	[bflag:$0x0] =	sbarrier.arrive $0xFFFF  }
0x1df: {  	s17 =	rddreg [dreg:$0x7]  }
0x1e0: {  	s3 =	rddreg [dreg:$0x11]  }
0x1e1: {  	s11 =	rddreg [dreg:$0x13]  }
0x1e2: {  	[hbm:s3], [sflag:s17] =	dma.local [spmem:s11], $0x1400  }
0x1e3: {  	_ =	swait.ge [sflag:s25], $0x1400  }
0x1e4: {  	s21 =	sadd.s32 $0x1, s21;
	s24 =	rddreg [dreg:$0x12]  }
0x1e5: {  	p0 =	sne.s32 s21, s24  }
.Ltmp5:
0x1e6: {  	_ = 	snop;
	(pc) =	sbr.rel @p0 .LBB2_1-.Ltmp5, $3  }
0x1e7: {  	_ =	sdelay $0x1  }
0x1e8: {  	[sflag:s25] =	ssyncset.done $0x0  }
0x1e9: {  	[sflag:s25] =	ssyncadd.s32 $0xFFFFEC00  }
0x1ea: {  	_ =	sfence.sel $0x180000  }
0x1eb: {  	[bflag:$0x0] =	sbarrier.arrive $0xFFFF  }
0x1ec: {  	_ =	strace $0x90000047  }
0x1ed: {  	s0 =	stileid.u32;
	[bflag:$0x2] =	sbarrier.arrive $0xFFFF  }
0x1ee: {  	p0 =	sne.s32 s0, $0x0;
	s0 =	rddreg [dreg:$0x4]  }
0x1ef: {  	s0 =	sadd.s32 @!p0 $0x100000, s0  }
0x1f0: {  	[sflag:s0] =	ssyncadd.tile.s32 @!p0 $0x1;
	_ =	shalt  }
.Lfunc_end2:
_tile_overlayer_lowered:
.L_overlay_start_2:
0x1f1: {  	(tag) =	ssettag $0x2  }
0x1f2: {  	s0 =	rddreg [dreg:$0x0];
	s2 =	stileid.u32  }
0x1f3: {  	s1 =	rddreg [dreg:$0x1];
	p0 =	sne.s32 s2, $0x0  }
0x1f4: {  	s3 =	rddreg [dreg:$0x2];
	[bflag:$0x3] =	sbarrier.arrive $0xFFFF;
	s2 =	simm.s32 @!p0 $0x1C05  }
0x1f5: {  	[timem:s3], [sflag:s2] =	dma.local @!p0 [hbm:s0], s1  }
0x1f6: {  	s0 =	simm.s32 @!p0 $0x5  }
0x1f7: {  	_ =	swait.ge @!p0 [sflag:s0], s1  }
0x1f8: {  	s1 =	ssub.s32 @!p0 $0x0, s1;
	[sflag:s0] =	ssyncset.done @!p0 $0x0  }
0x1f9: {  	[sflag:s0] =	ssyncadd.s32 @!p0 s1  }
0x1fa: {  	[bflag:$0x3] =	sbarrier.arrive $0xFFFF  }
0x1fb: {  	_ =	shalt  }

</sc_bundles>
